<compile_context>
chip_gen: v7x
topology: tpu7x:2x2x1
jax: 0.10.2.dev20260603
libtpu: 0.0.44.dev20260713+nightly
codegen_flags: <defaults>
</compile_context>

<pallas_src>
import functools

import jax
import jax.numpy as jnp
from jax import lax
from jax.experimental import pallas as pl
from jax.experimental.pallas import tpu as pltpu
from jax.experimental.pallas import tpu_sc as plsc

NC = 2
NS = 16
NW = NC * NS
LANES = 16

CHUNK = 80
ZROWS = 8


def _make_sc_agg(n_nodes, feat, n_chunks):
  rows_per_sub = (-(-n_nodes // NS) + 7) // 8 * 8
  n_pad = rows_per_sub * NS
  n_zchunks = rows_per_sub // ZROWS

  grp = 4
  n_grps = n_chunks // grp
  tail = n_chunks - n_grps * grp

  mesh = plsc.VectorSubcoreMesh(core_axis_name="c", subcore_axis_name="s")

  def body(h_hbm, src_hbm, dst_hbm, zfeat_hbm, agg_out, *rest):
    src_vs = rest[0:grp]
    dst_vs = rest[grp:2 * grp]
    rows_vs = rest[2 * grp:3 * grp]
    zero_v = rest[3 * grp]
    agg_sh = rest[3 * grp + 1]
    sems = rest[3 * grp + 2:3 * grp + 2 + grp]

    c = lax.axis_index("c")
    s = lax.axis_index("s")
    wid = c * NS + s
    row0 = s * rows_per_sub

    pltpu.sync_copy(zfeat_hbm, zero_v)

    def zcopy(k, carry):
      pltpu.sync_copy(zero_v, agg_sh.at[pl.ds(row0 + k * ZROWS, ZROWS)])
      return carry
    lax.fori_loop(0, n_zchunks, zcopy, 0)

    plsc.subcore_barrier()

    def fire(j, base):
      pltpu.sync_copy(src_hbm.at[base], src_vs[j])
      pltpu.sync_copy(dst_hbm.at[base], dst_vs[j])
      pltpu.async_copy(h_hbm.at[src_vs[j]], rows_vs[j], sems[j])

    def drain(j):
      pltpu.make_async_copy(h_hbm.at[src_vs[j]], rows_vs[j], sems[j]).wait()
      pltpu.sync_copy(rows_vs[j], agg_sh.at[dst_vs[j]], add=True)

    for j in range(grp):
      fire(j, wid * n_chunks + j)

    def group_body(g, carry):
      base0 = wid * n_chunks + g * grp
      for j in range(grp):
        drain(j)
        fire(j, base0 + j)
      return carry
    lax.fori_loop(1, n_grps, group_body, 0)

    for j in range(grp):
      drain(j)
    for t in range(tail):
      fire(t, wid * n_chunks + n_grps * grp + t)
      drain(t)

    plsc.subcore_barrier()

    pltpu.sync_copy(agg_sh.at[pl.ds(row0, rows_per_sub)],
                    agg_out.at[pl.ds(c * n_pad + row0, rows_per_sub)])

  kern = pl.kernel(
      body, mesh=mesh,
      out_type=[jax.ShapeDtypeStruct((NC * n_pad, feat), jnp.float32)],
      scratch_types=(
          [pltpu.VMEM((CHUNK,), jnp.int32)] * grp +
          [pltpu.VMEM((CHUNK,), jnp.int32)] * grp +
          [pltpu.VMEM((CHUNK, feat), jnp.float32)] * grp
          + [
              pltpu.VMEM((ZROWS, feat), jnp.float32),
              pltpu.VMEM_SHARED((n_pad, feat), jnp.float32),
          ] + [pltpu.SemaphoreType.DMA] * grp))
  return kern, n_pad


def _make_sc_deg(n_nodes, feat, n_chunks):
  rows_per_sub = (-(-n_nodes // NS) + 7) // 8 * 8
  n_pad = rows_per_sub * NS
  n_zchunks = rows_per_sub // ZROWS

  mesh = plsc.VectorSubcoreMesh(core_axis_name="c", subcore_axis_name="s")

  def body(dst_hbm, zfeat_hbm, ones_hbm, deg_out, dst_v, ones_v, zero_v,
           deg_sh):
    c = lax.axis_index("c")
    s = lax.axis_index("s")
    wid = c * NS + s
    row0 = s * rows_per_sub

    pltpu.sync_copy(zfeat_hbm, zero_v)
    pltpu.sync_copy(ones_hbm, ones_v)

    def zcopy(k, carry):
      pltpu.sync_copy(zero_v, deg_sh.at[pl.ds(row0 + k * ZROWS, ZROWS)])
      return carry
    lax.fori_loop(0, n_zchunks, zcopy, 0)

    plsc.subcore_barrier()

    def chunk_body(j, carry):
      base = wid * n_chunks + j
      pltpu.sync_copy(dst_hbm.at[base], dst_v)
      pltpu.sync_copy(ones_v, deg_sh.at[dst_v], add=True)
      return carry
    lax.fori_loop(0, n_chunks, chunk_body, 0)

    plsc.subcore_barrier()

    pltpu.sync_copy(deg_sh.at[pl.ds(row0, rows_per_sub)],
                    deg_out.at[pl.ds(c * n_pad + row0, rows_per_sub)])

  kern = pl.kernel(
      body, mesh=mesh,
      out_type=[jax.ShapeDtypeStruct((NC * n_pad, feat), jnp.float32)],
      scratch_types=[
          pltpu.VMEM((CHUNK,), jnp.int32),
          pltpu.VMEM((CHUNK, feat), jnp.float32),
          pltpu.VMEM((ZROWS, feat), jnp.float32),
          pltpu.VMEM_SHARED((n_pad, feat), jnp.float32),
      ])
  return kern, n_pad


def _proj_body(x_ref, w_ref, b_ref, o_ref):
  y = jnp.dot(x_ref[...], w_ref[...], preferred_element_type=jnp.float32)
  o_ref[...] = jnp.maximum(y + b_ref[...], 0.0)


def _sage_body(do_relu, h_ref, aggA_ref, aggB_ref, degA_ref, degB_ref,
               ex_ref, ws_ref, bs_ref, wn_ref, bn_ref, o_ref):
  h = h_ref[...]
  agg = aggA_ref[...] + aggB_ref[...]
  deg = degA_ref[...] + degB_ref[...]
  mean = agg / jnp.maximum(deg, 1.0)
  y = jnp.dot(h, ws_ref[...], preferred_element_type=jnp.float32) + bs_ref[...]
  y = y + jnp.dot(mean, wn_ref[...], preferred_element_type=jnp.float32)
  y = y + bn_ref[...]
  if do_relu:
    y = jnp.maximum(y, 0.0)
  o_ref[...] = y * ex_ref[...]


def _row_blocked(rb, cols):
  return pl.BlockSpec((rb, cols), lambda i: (i, 0))


def _full(shape):
  nd = len(shape)
  return pl.BlockSpec(shape, lambda i: (0,) * nd)


def kernel(attr_features, clustering_coefficient, bidirectional_links_ratio,
           exist_nodes, edge_index, Wp, bp, Ws1, bs1, Wn1, bn1, Ws2, bs2,
           Wn2, bn2):
  n = attr_features.shape[0]
  e = edge_index.shape[1]
  hid = Wp.shape[1]
  out_dim = Ws2.shape[1]

  ept = e // NW
  n_chunks = ept // CHUNK
  assert ept * NW == e and n_chunks * CHUNK == ept

  exist_col = exist_nodes[:, None]
  x0 = jnp.concatenate(
      [attr_features, clustering_coefficient, bidirectional_links_ratio,
       exist_col], axis=1)

  src2 = edge_index[0].reshape(NW * n_chunks, CHUNK)
  dst2 = edge_index[1].reshape(NW * n_chunks, CHUNK)
  zfeat = jnp.zeros((ZROWS, hid), jnp.float32)
  ones_t = jnp.ones((CHUNK, hid), jnp.float32)

  rb = 1000
  grid = (n // rb,)
  din = x0.shape[1]

  h0 = pl.pallas_call(
      _proj_body,
      grid=grid,
      in_specs=[_row_blocked(rb, din), _full((din, hid)), _full((1, hid))],
      out_specs=_row_blocked(rb, hid),
      out_shape=jax.ShapeDtypeStruct((n, hid), jnp.float32),
  )(x0, Wp, bp[None, :])

  sc_deg, n_pad = _make_sc_deg(n, hid, n_chunks)
  (degk,) = sc_deg(dst2, zfeat, ones_t)
  degA = degk[:n, 0:1]
  degB = degk[n_pad:n_pad + n, 0:1]

  sc_agg1, _ = _make_sc_agg(n, hid, n_chunks)
  (agg1,) = sc_agg1(h0, src2, dst2, zfeat)

  def sage_tc(h, agg, Ws, bs, Wn, bn, do_relu, dout):
    return pl.pallas_call(
        functools.partial(_sage_body, do_relu),
        grid=grid,
        in_specs=[_row_blocked(rb, hid), _row_blocked(rb, hid),
                  _row_blocked(rb, hid), _row_blocked(rb, 1),
                  _row_blocked(rb, 1), _row_blocked(rb, 1),
                  _full((hid, dout)), _full((1, dout)),
                  _full((hid, dout)), _full((1, dout))],
        out_specs=_row_blocked(rb, dout),
        out_shape=jax.ShapeDtypeStruct((n, dout), jnp.float32),
    )(h, agg[:n], agg[n_pad:n_pad + n], degA, degB, exist_col, Ws,
      bs[None, :], Wn, bn[None, :])

  h1 = sage_tc(h0, agg1, Ws1, bs1, Wn1, bn1, True, hid)

  sc_agg2, _ = _make_sc_agg(n, hid, n_chunks)
  (agg2,) = sc_agg2(h1, src2, dst2, zfeat)

  out = sage_tc(h1, agg2, Ws2, bs2, Wn2, bn2, False, out_dim)
  return out

# --- scband reference (transcript-rebuilt; emitter-appended) ---
"""Pipeline reference for scband-snapshot-graph-encoder-7043746365769 (READ-ONLY COPY).

The authoritative reference and input builder live on the scoring server;
editing this copy changes nothing except your own understanding.
"""

import jax, jax.numpy as jnp
import numpy as np

N = 10000
E = 320000
ATTR = 125
HID = 128
OUT = 128


def setup_inputs(seed: int = 0) -> dict:
    key = jax.random.key(seed)
    ks = jax.random.split(key, 16)
    scale = 0.05
    inp = {}
    inp["attr_features"] = jax.random.normal(ks[0], (N, ATTR), dtype=jnp.float32)
    inp["clustering_coefficient"] = jax.random.uniform(ks[1], (N, 1), dtype=jnp.float32)
    inp["bidirectional_links_ratio"] = jax.random.uniform(ks[2], (N, 1), dtype=jnp.float32)
    inp["exist_nodes"] = jnp.ones((N,), dtype=jnp.float32)
    inp["edge_index"] = jax.random.randint(ks[3], (2, E), 0, N, dtype=jnp.int32)
    # learned params: input_proj, conv1 (self/neigh), conv2 (self/neigh)
    inp["Wp"] = jax.random.normal(ks[4], (ATTR + 3, HID), dtype=jnp.float32) * scale
    inp["bp"] = jnp.zeros((HID,), dtype=jnp.float32)
    inp["Ws1"] = jax.random.normal(ks[5], (HID, HID), dtype=jnp.float32) * scale
    inp["bs1"] = jnp.zeros((HID,), dtype=jnp.float32)
    inp["Wn1"] = jax.random.normal(ks[6], (HID, HID), dtype=jnp.float32) * scale
    inp["bn1"] = jnp.zeros((HID,), dtype=jnp.float32)
    inp["Ws2"] = jax.random.normal(ks[7], (HID, OUT), dtype=jnp.float32) * scale
    inp["bs2"] = jnp.zeros((OUT,), dtype=jnp.float32)
    inp["Wn2"] = jax.random.normal(ks[8], (HID, OUT), dtype=jnp.float32) * scale
    inp["bn2"] = jnp.zeros((OUT,), dtype=jnp.float32)
    return inp


def _sage_layer(x, edge_index, Ws, bs, Wn, bn):
    n = x.shape[0]
    src = edge_index[0]
    dst = edge_index[1]
    aggregated = jnp.zeros_like(x).at[dst].add(x[src])
    degree = jnp.zeros((n, 1), dtype=x.dtype).at[dst].add(
        jnp.ones((dst.shape[0], 1), dtype=x.dtype))
    neighbor_mean = aggregated / jnp.clip(degree, 1.0, None)
    return (x @ Ws + bs) + (neighbor_mean @ Wn + bn)


def reference(attr_features, clustering_coefficient, bidirectional_links_ratio,
              exist_nodes, edge_index, Wp, bp, Ws1, bs1, Wn1, bn1, Ws2, bs2, Wn2, bn2):
    positional = jnp.concatenate(
        [clustering_coefficient, bidirectional_links_ratio, exist_nodes[:, None]], axis=1)
    x = jnp.concatenate([attr_features, positional], axis=1)
    exist_mask = exist_nodes[:, None]
    x = x @ Wp + bp
    x = jax.nn.relu(x)
    # dropout p=0.0 -> identity
    x = _sage_layer(x, edge_index, Ws1, bs1, Wn1, bn1)
    x = jax.nn.relu(x)
    x = x * exist_mask
    x = _sage_layer(x, edge_index, Ws2, bs2, Wn2, bn2)
    x = x * exist_mask
    return x

if __name__ == "__main__":
    import jax
    _d = setup_inputs()
    print(jax.jit(kernel)(*tuple(_d.values())))

</pallas_src>

<mosaic_0001>
#map = affine_map<(d0, d1) -> (0, 0)>
module attributes {stable_mosaic.version = 14 : i64} {
  func.func @body(%arg0: i32, %arg1: i32, %arg2: memref<4000x80xi32, #tpu.memory_space<hbm>>, %arg3: memref<8x128xf32, #tpu.memory_space<hbm>>, %arg4: memref<80x128xf32, #tpu.memory_space<hbm>>, %arg5: memref<20224x128xf32, #tpu.memory_space<hbm>>, %arg6: memref<80xi32, #tpu.memory_space<vmem>>, %arg7: memref<80x128xf32, #tpu.memory_space<vmem>>, %arg8: memref<8x128xf32, #tpu.memory_space<vmem>>, %arg9: memref<10112x128xf32, #tpu.memory_space<vmem_shared>>) attributes {dimension_semantics = [#tpu.dimension_semantics<core_parallel>, #tpu.dimension_semantics<subcore_parallel>], iteration_bounds = array<i64: 2, 16>, scalar_prefetch = 0 : i64, scratch_operands = 4 : i64, tpu.core_type = #tpu.core_type<sc_vector_subcore>, window_params = [{transform_indices = #map}, {transform_indices = #map}, {transform_indices = #map}, {transform_indices = #map}]} {
    %mul3A = arith.constant 16 : i32
    %mul3A_0 = arith.muli %arg0, %mul3A : i32
    %add3A = arith.addi %mul3A_0, %arg1 : i32
    %mul3A_1 = arith.constant 632 : i32
    %mul3A_2 = arith.muli %arg1, %mul3A_1 : i32
    "tpu.region"() ({
      %run_scoped3A = tpu.sem_alloc : memref<!tpu.dma_semaphore, #tpu.memory_space<semaphore_mem>>
      tpu.enqueue_dma source(%arg3 : memref<8x128xf32, #tpu.memory_space<hbm>>) target(%arg8 : memref<8x128xf32, #tpu.memory_space<vmem>>) target_semaphore(%run_scoped3A : memref<!tpu.dma_semaphore, #tpu.memory_space<semaphore_mem>>)
      tpu.wait_dma2 semaphore(%run_scoped3A : memref<!tpu.dma_semaphore, #tpu.memory_space<semaphore_mem>>) src(%arg3 : memref<8x128xf32, #tpu.memory_space<hbm>>) dst(%arg8 : memref<8x128xf32, #tpu.memory_space<vmem>>)
      tpu.yield
    }) : () -> ()
    "tpu.region"() ({
      %run_scoped3A = tpu.sem_alloc : memref<!tpu.dma_semaphore, #tpu.memory_space<semaphore_mem>>
      tpu.enqueue_dma source(%arg4 : memref<80x128xf32, #tpu.memory_space<hbm>>) target(%arg7 : memref<80x128xf32, #tpu.memory_space<vmem>>) target_semaphore(%run_scoped3A : memref<!tpu.dma_semaphore, #tpu.memory_space<semaphore_mem>>)
      tpu.wait_dma2 semaphore(%run_scoped3A : memref<!tpu.dma_semaphore, #tpu.memory_space<semaphore_mem>>) src(%arg4 : memref<80x128xf32, #tpu.memory_space<hbm>>) dst(%arg7 : memref<80x128xf32, #tpu.memory_space<vmem>>)
      tpu.yield
    }) : () -> ()
    %scan3A = arith.constant 0 : i32
    %scan3A_3 = arith.constant 0 : i32
    %scan3A_4 = arith.constant 79 : i32
    %scan3A_5 = arith.addi %scan3A_3, %scan3A_4 : i32
    %scan3A_6 = arith.constant 1 : i32
    scf.for %scan3A_18 = %scan3A_3 to %scan3A_5 step %scan3A_6  : i32 {
      %mul3A_19 = arith.constant 8 : i32
      %mul3A_20 = arith.muli %scan3A_18, %mul3A_19 : i32
      %add3A_21 = arith.addi %mul3A_2, %mul3A_20 : i32
      "tpu.region"() ({
        %run_scoped3A = tpu.sem_alloc : memref<!tpu.dma_semaphore, #tpu.memory_space<semaphore_mem>>
        %dma_start3A = arith.constant 0 : i32
        %dma_start3A_22 = tpu.memref_slice %arg9[%add3A_21, %dma_start3A] : memref<10112x128xf32, #tpu.memory_space<vmem_shared>> -> memref<8x128xf32, #tpu.memory_space<vmem_shared>>
        %dma_start3A_23 = arith.constant 0 : i32
        %dma_start3A_24 = tpu.memref_slice %arg9[%add3A_21, %dma_start3A_23] : memref<10112x128xf32, #tpu.memory_space<vmem_shared>> -> memref<8x128xf32, #tpu.memory_space<vmem_shared>>
        tpu.enqueue_dma source(%arg8 : memref<8x128xf32, #tpu.memory_space<vmem>>) target(%dma_start3A_24 : memref<8x128xf32, #tpu.memory_space<vmem_shared>>) target_semaphore(%run_scoped3A : memref<!tpu.dma_semaphore, #tpu.memory_space<semaphore_mem>>)
        %dma_wait3A = arith.constant 0 : i32
        %dma_wait3A_25 = tpu.memref_slice %arg9[%add3A_21, %dma_wait3A] : memref<10112x128xf32, #tpu.memory_space<vmem_shared>> -> memref<8x128xf32, #tpu.memory_space<vmem_shared>>
        %dma_wait3A_26 = arith.constant 0 : i32
        %dma_wait3A_27 = tpu.memref_slice %arg9[%add3A_21, %dma_wait3A_26] : memref<10112x128xf32, #tpu.memory_space<vmem_shared>> -> memref<8x128xf32, #tpu.memory_space<vmem_shared>>
        tpu.wait_dma2 semaphore(%run_scoped3A : memref<!tpu.dma_semaphore, #tpu.memory_space<semaphore_mem>>) src(%arg8 : memref<8x128xf32, #tpu.memory_space<vmem>>) dst(%dma_wait3A_27 : memref<8x128xf32, #tpu.memory_space<vmem_shared>>)
        tpu.yield
      }) : () -> ()
    }
    %scan3A_7 = arith.constant 79 : i32
    %barrier3A = arith.constant 0 : index
    tpu.barrier barrier_id(%barrier3A)
    %scan3A_8 = arith.constant 0 : i32
    %scan3A_9 = arith.constant 0 : i32
    %scan3A_10 = arith.constant 125 : i32
    %scan3A_11 = arith.addi %scan3A_9, %scan3A_10 : i32
    %scan3A_12 = arith.constant 1 : i32
    scf.for %scan3A_18 = %scan3A_9 to %scan3A_11 step %scan3A_12  : i32 {
      %mul3A_19 = arith.constant 125 : i32
      %mul3A_20 = arith.muli %add3A, %mul3A_19 : i32
      %add3A_21 = arith.addi %mul3A_20, %scan3A_18 : i32
      "tpu.region"() ({
        %run_scoped3A = tpu.sem_alloc : memref<!tpu.dma_semaphore, #tpu.memory_space<semaphore_mem>>
        %dma_start3A = arith.constant 0 : i32
        %dma_start3A_22 = tpu.memref_slice %arg2[%add3A_21, %dma_start3A] : memref<4000x80xi32, #tpu.memory_space<hbm>> -> memref<1x80xi32, #tpu.memory_space<hbm>>
        %dma_start3A_23 = tpu.memref_squeeze %dma_start3A_22 : memref<1x80xi32, #tpu.memory_space<hbm>> -> memref<80xi32, #tpu.memory_space<hbm>>
        %dma_start3A_24 = arith.constant 0 : i32
        %dma_start3A_25 = tpu.memref_slice %arg2[%add3A_21, %dma_start3A_24] : memref<4000x80xi32, #tpu.memory_space<hbm>> -> memref<1x80xi32, #tpu.memory_space<hbm>>
        %dma_start3A_26 = tpu.memref_squeeze %dma_start3A_25 : memref<1x80xi32, #tpu.memory_space<hbm>> -> memref<80xi32, #tpu.memory_space<hbm>>
        tpu.enqueue_dma source(%dma_start3A_26 : memref<80xi32, #tpu.memory_space<hbm>>) target(%arg6 : memref<80xi32, #tpu.memory_space<vmem>>) target_semaphore(%run_scoped3A : memref<!tpu.dma_semaphore, #tpu.memory_space<semaphore_mem>>)
        %dma_wait3A = arith.constant 0 : i32
        %dma_wait3A_27 = tpu.memref_slice %arg2[%add3A_21, %dma_wait3A] : memref<4000x80xi32, #tpu.memory_space<hbm>> -> memref<1x80xi32, #tpu.memory_space<hbm>>
        %dma_wait3A_28 = tpu.memref_squeeze %dma_wait3A_27 : memref<1x80xi32, #tpu.memory_space<hbm>> -> memref<80xi32, #tpu.memory_space<hbm>>
        %dma_wait3A_29 = arith.constant 0 : i32
        %dma_wait3A_30 = tpu.memref_slice %arg2[%add3A_21, %dma_wait3A_29] : memref<4000x80xi32, #tpu.memory_space<hbm>> -> memref<1x80xi32, #tpu.memory_space<hbm>>
        %dma_wait3A_31 = tpu.memref_squeeze %dma_wait3A_30 : memref<1x80xi32, #tpu.memory_space<hbm>> -> memref<80xi32, #tpu.memory_space<hbm>>
        tpu.wait_dma2 semaphore(%run_scoped3A : memref<!tpu.dma_semaphore, #tpu.memory_space<semaphore_mem>>) src(%dma_wait3A_31 : memref<80xi32, #tpu.memory_space<hbm>>) dst(%arg6 : memref<80xi32, #tpu.memory_space<vmem>>)
        tpu.yield
      }) : () -> ()
      "tpu.region"() ({
        %run_scoped3A = tpu.sem_alloc : memref<!tpu.dma_semaphore, #tpu.memory_space<semaphore_mem>>
        %dma_start3A = arith.constant 0 : i32
        %dma_start3A_22 = arith.constant 0 : i32
        %dma_start3A_23 = tpu.memref_slice %arg9[%dma_start3A, %dma_start3A_22] : memref<10112x128xf32, #tpu.memory_space<vmem_shared>> -> memref<10112x128xf32, #tpu.memory_space<vmem_shared>>
        tpu.enqueue_indirect_dma source(%arg7 : memref<80x128xf32, #tpu.memory_space<vmem>>) target(%dma_start3A_23 : memref<10112x128xf32, #tpu.memory_space<vmem_shared>>) offsets(%arg6 : memref<80xi32, #tpu.memory_space<vmem>>) semaphore(%run_scoped3A : memref<!tpu.dma_semaphore, #tpu.memory_space<semaphore_mem>>) {add = true}
        %dma_wait3A = arith.constant 0 : i32
        %dma_wait3A_24 = arith.constant 0 : i32
        %dma_wait3A_25 = tpu.memref_slice %arg9[%dma_wait3A, %dma_wait3A_24] : memref<10112x128xf32, #tpu.memory_space<vmem_shared>> -> memref<10112x128xf32, #tpu.memory_space<vmem_shared>>
        tpu.wait_indirect_dma semaphore(%run_scoped3A : memref<!tpu.dma_semaphore, #tpu.memory_space<semaphore_mem>>) src(%arg7 : memref<80x128xf32, #tpu.memory_space<vmem>>) dst(%dma_wait3A_25 : memref<10112x128xf32, #tpu.memory_space<vmem_shared>>)
        tpu.yield
      }) : () -> ()
    }
    %scan3A_13 = arith.constant 125 : i32
    %barrier3A_14 = arith.constant 0 : index
    tpu.barrier barrier_id(%barrier3A_14)
    %mul3A_15 = arith.constant 10112 : i32
    %mul3A_16 = arith.muli %arg0, %mul3A_15 : i32
    %add3A_17 = arith.addi %mul3A_16, %mul3A_2 : i32
    "tpu.region"() ({
      %run_scoped3A = tpu.sem_alloc : memref<!tpu.dma_semaphore, #tpu.memory_space<semaphore_mem>>
      %dma_start3A = arith.constant 0 : i32
      %dma_start3A_18 = tpu.memref_slice %arg5[%add3A_17, %dma_start3A] : memref<20224x128xf32, #tpu.memory_space<hbm>> -> memref<632x128xf32, #tpu.memory_space<hbm>>
      %dma_start3A_19 = arith.constant 0 : i32
      %dma_start3A_20 = tpu.memref_slice %arg9[%mul3A_2, %dma_start3A_19] : memref<10112x128xf32, #tpu.memory_space<vmem_shared>> -> memref<632x128xf32, #tpu.memory_space<vmem_shared>>
      tpu.enqueue_dma source(%dma_start3A_20 : memref<632x128xf32, #tpu.memory_space<vmem_shared>>) target(%dma_start3A_18 : memref<632x128xf32, #tpu.memory_space<hbm>>) target_semaphore(%run_scoped3A : memref<!tpu.dma_semaphore, #tpu.memory_space<semaphore_mem>>)
      %dma_wait3A = arith.constant 0 : i32
      %dma_wait3A_21 = tpu.memref_slice %arg5[%add3A_17, %dma_wait3A] : memref<20224x128xf32, #tpu.memory_space<hbm>> -> memref<632x128xf32, #tpu.memory_space<hbm>>
      %dma_wait3A_22 = arith.constant 0 : i32
      %dma_wait3A_23 = tpu.memref_slice %arg9[%mul3A_2, %dma_wait3A_22] : memref<10112x128xf32, #tpu.memory_space<vmem_shared>> -> memref<632x128xf32, #tpu.memory_space<vmem_shared>>
      tpu.wait_dma2 semaphore(%run_scoped3A : memref<!tpu.dma_semaphore, #tpu.memory_space<semaphore_mem>>) src(%dma_wait3A_23 : memref<632x128xf32, #tpu.memory_space<vmem_shared>>) dst(%dma_wait3A_21 : memref<632x128xf32, #tpu.memory_space<hbm>>)
      tpu.yield
    }) : () -> ()
    return
  }
}

#map = affine_map<(d0, d1) -> (0, 0)>
module attributes {stable_mosaic.version = 14 : i64} {
  func.func @body(%arg0: i32, %arg1: i32, %arg2: memref<10000x128xf32, #tpu.memory_space<hbm>>, %arg3: memref<4000x80xi32, #tpu.memory_space<hbm>>, %arg4: memref<4000x80xi32, #tpu.memory_space<hbm>>, %arg5: memref<8x128xf32, #tpu.memory_space<hbm>>, %arg6: memref<20224x128xf32, #tpu.memory_space<hbm>>, %arg7: memref<80xi32, #tpu.memory_space<vmem>>, %arg8: memref<80xi32, #tpu.memory_space<vmem>>, %arg9: memref<80xi32, #tpu.memory_space<vmem>>, %arg10: memref<80xi32, #tpu.memory_space<vmem>>, %arg11: memref<80xi32, #tpu.memory_space<vmem>>, %arg12: memref<80xi32, #tpu.memory_space<vmem>>, %arg13: memref<80xi32, #tpu.memory_space<vmem>>, %arg14: memref<80xi32, #tpu.memory_space<vmem>>, %arg15: memref<80x128xf32, #tpu.memory_space<vmem>>, %arg16: memref<80x128xf32, #tpu.memory_space<vmem>>, %arg17: memref<80x128xf32, #tpu.memory_space<vmem>>, %arg18: memref<80x128xf32, #tpu.memory_space<vmem>>, %arg19: memref<8x128xf32, #tpu.memory_space<vmem>>, %arg20: memref<10112x128xf32, #tpu.memory_space<vmem_shared>>, %arg21: memref<!tpu.dma_semaphore, #tpu.memory_space<semaphore_mem>>, %arg22: memref<!tpu.dma_semaphore, #tpu.memory_space<semaphore_mem>>, %arg23: memref<!tpu.dma_semaphore, #tpu.memory_space<semaphore_mem>>, %arg24: memref<!tpu.dma_semaphore, #tpu.memory_space<semaphore_mem>>) attributes {dimension_semantics = [#tpu.dimension_semantics<core_parallel>, #tpu.dimension_semantics<subcore_parallel>], iteration_bounds = array<i64: 2, 16>, scalar_prefetch = 0 : i64, scratch_operands = 18 : i64, tpu.core_type = #tpu.core_type<sc_vector_subcore>, window_params = [{transform_indices = #map}, {transform_indices = #map}, {transform_indices = #map}, {transform_indices = #map}, {transform_indices = #map}]} {
    %mul3A = arith.constant 16 : i32
    %mul3A_0 = arith.muli %arg0, %mul3A : i32
    %add3A = arith.addi %mul3A_0, %arg1 : i32
    %mul3A_1 = arith.constant 632 : i32
    %mul3A_2 = arith.muli %arg1, %mul3A_1 : i32
    "tpu.region"() ({
      %run_scoped3A = tpu.sem_alloc : memref<!tpu.dma_semaphore, #tpu.memory_space<semaphore_mem>>
      tpu.enqueue_dma source(%arg5 : memref<8x128xf32, #tpu.memory_space<hbm>>) target(%arg19 : memref<8x128xf32, #tpu.memory_space<vmem>>) target_semaphore(%run_scoped3A : memref<!tpu.dma_semaphore, #tpu.memory_space<semaphore_mem>>)
      tpu.wait_dma2 semaphore(%run_scoped3A : memref<!tpu.dma_semaphore, #tpu.memory_space<semaphore_mem>>) src(%arg5 : memref<8x128xf32, #tpu.memory_space<hbm>>) dst(%arg19 : memref<8x128xf32, #tpu.memory_space<vmem>>)
      tpu.yield
    }) : () -> ()
    %scan3A = arith.constant 0 : i32
    %scan3A_3 = arith.constant 0 : i32
    %scan3A_4 = arith.constant 79 : i32
    %scan3A_5 = arith.addi %scan3A_3, %scan3A_4 : i32
    %scan3A_6 = arith.constant 1 : i32
    scf.for %scan3A_68 = %scan3A_3 to %scan3A_5 step %scan3A_6  : i32 {
      %mul3A_69 = arith.constant 8 : i32
      %mul3A_70 = arith.muli %scan3A_68, %mul3A_69 : i32
      %add3A_71 = arith.addi %mul3A_2, %mul3A_70 : i32
      "tpu.region"() ({
        %run_scoped3A = tpu.sem_alloc : memref<!tpu.dma_semaphore, #tpu.memory_space<semaphore_mem>>
        %dma_start3A_72 = arith.constant 0 : i32
        %dma_start3A_73 = tpu.memref_slice %arg20[%add3A_71, %dma_start3A_72] : memref<10112x128xf32, #tpu.memory_space<vmem_shared>> -> memref<8x128xf32, #tpu.memory_space<vmem_shared>>
        %dma_start3A_74 = arith.constant 0 : i32
        %dma_start3A_75 = tpu.memref_slice %arg20[%add3A_71, %dma_start3A_74] : memref<10112x128xf32, #tpu.memory_space<vmem_shared>> -> memref<8x128xf32, #tpu.memory_space<vmem_shared>>
        tpu.enqueue_dma source(%arg19 : memref<8x128xf32, #tpu.memory_space<vmem>>) target(%dma_start3A_75 : memref<8x128xf32, #tpu.memory_space<vmem_shared>>) target_semaphore(%run_scoped3A : memref<!tpu.dma_semaphore, #tpu.memory_space<semaphore_mem>>)
        %dma_wait3A_76 = arith.constant 0 : i32
        %dma_wait3A_77 = tpu.memref_slice %arg20[%add3A_71, %dma_wait3A_76] : memref<10112x128xf32, #tpu.memory_space<vmem_shared>> -> memref<8x128xf32, #tpu.memory_space<vmem_shared>>
        %dma_wait3A_78 = arith.constant 0 : i32
        %dma_wait3A_79 = tpu.memref_slice %arg20[%add3A_71, %dma_wait3A_78] : memref<10112x128xf32, #tpu.memory_space<vmem_shared>> -> memref<8x128xf32, #tpu.memory_space<vmem_shared>>
        tpu.wait_dma2 semaphore(%run_scoped3A : memref<!tpu.dma_semaphore, #tpu.memory_space<semaphore_mem>>) src(%arg19 : memref<8x128xf32, #tpu.memory_space<vmem>>) dst(%dma_wait3A_79 : memref<8x128xf32, #tpu.memory_space<vmem_shared>>)
        tpu.yield
      }) : () -> ()
    }
    %scan3A_7 = arith.constant 79 : i32
    %barrier3A = arith.constant 0 : index
    tpu.barrier barrier_id(%barrier3A)
    %mul3A_8 = arith.constant 125 : i32
    %mul3A_9 = arith.muli %add3A, %mul3A_8 : i32
    %add3A_10 = arith.constant 0 : i32
    %add3A_11 = arith.addi %mul3A_9, %add3A_10 : i32
    "tpu.region"() ({
      %run_scoped3A = tpu.sem_alloc : memref<!tpu.dma_semaphore, #tpu.memory_space<semaphore_mem>>
      %dma_start3A_68 = arith.constant 0 : i32
      %dma_start3A_69 = tpu.memref_slice %arg3[%add3A_11, %dma_start3A_68] : memref<4000x80xi32, #tpu.memory_space<hbm>> -> memref<1x80xi32, #tpu.memory_space<hbm>>
      %dma_start3A_70 = tpu.memref_squeeze %dma_start3A_69 : memref<1x80xi32, #tpu.memory_space<hbm>> -> memref<80xi32, #tpu.memory_space<hbm>>
      %dma_start3A_71 = arith.constant 0 : i32
      %dma_start3A_72 = tpu.memref_slice %arg3[%add3A_11, %dma_start3A_71] : memref<4000x80xi32, #tpu.memory_space<hbm>> -> memref<1x80xi32, #tpu.memory_space<hbm>>
      %dma_start3A_73 = tpu.memref_squeeze %dma_start3A_72 : memref<1x80xi32, #tpu.memory_space<hbm>> -> memref<80xi32, #tpu.memory_space<hbm>>
      tpu.enqueue_dma source(%dma_start3A_73 : memref<80xi32, #tpu.memory_space<hbm>>) target(%arg7 : memref<80xi32, #tpu.memory_space<vmem>>) target_semaphore(%run_scoped3A : memref<!tpu.dma_semaphore, #tpu.memory_space<semaphore_mem>>)
      %dma_wait3A_74 = arith.constant 0 : i32
      %dma_wait3A_75 = tpu.memref_slice %arg3[%add3A_11, %dma_wait3A_74] : memref<4000x80xi32, #tpu.memory_space<hbm>> -> memref<1x80xi32, #tpu.memory_space<hbm>>
      %dma_wait3A_76 = tpu.memref_squeeze %dma_wait3A_75 : memref<1x80xi32, #tpu.memory_space<hbm>> -> memref<80xi32, #tpu.memory_space<hbm>>
      %dma_wait3A_77 = arith.constant 0 : i32
      %dma_wait3A_78 = tpu.memref_slice %arg3[%add3A_11, %dma_wait3A_77] : memref<4000x80xi32, #tpu.memory_space<hbm>> -> memref<1x80xi32, #tpu.memory_space<hbm>>
      %dma_wait3A_79 = tpu.memref_squeeze %dma_wait3A_78 : memref<1x80xi32, #tpu.memory_space<hbm>> -> memref<80xi32, #tpu.memory_space<hbm>>
      tpu.wait_dma2 semaphore(%run_scoped3A : memref<!tpu.dma_semaphore, #tpu.memory_space<semaphore_mem>>) src(%dma_wait3A_79 : memref<80xi32, #tpu.memory_space<hbm>>) dst(%arg7 : memref<80xi32, #tpu.memory_space<vmem>>)
      tpu.yield
    }) : () -> ()
    "tpu.region"() ({
      %run_scoped3A = tpu.sem_alloc : memref<!tpu.dma_semaphore, #tpu.memory_space<semaphore_mem>>
      %dma_start3A_68 = arith.constant 0 : i32
      %dma_start3A_69 = tpu.memref_slice %arg4[%add3A_11, %dma_start3A_68] : memref<4000x80xi32, #tpu.memory_space<hbm>> -> memref<1x80xi32, #tpu.memory_space<hbm>>
      %dma_start3A_70 = tpu.memref_squeeze %dma_start3A_69 : memref<1x80xi32, #tpu.memory_space<hbm>> -> memref<80xi32, #tpu.memory_space<hbm>>
      %dma_start3A_71 = arith.constant 0 : i32
      %dma_start3A_72 = tpu.memref_slice %arg4[%add3A_11, %dma_start3A_71] : memref<4000x80xi32, #tpu.memory_space<hbm>> -> memref<1x80xi32, #tpu.memory_space<hbm>>
      %dma_start3A_73 = tpu.memref_squeeze %dma_start3A_72 : memref<1x80xi32, #tpu.memory_space<hbm>> -> memref<80xi32, #tpu.memory_space<hbm>>
      tpu.enqueue_dma source(%dma_start3A_73 : memref<80xi32, #tpu.memory_space<hbm>>) target(%arg11 : memref<80xi32, #tpu.memory_space<vmem>>) target_semaphore(%run_scoped3A : memref<!tpu.dma_semaphore, #tpu.memory_space<semaphore_mem>>)
      %dma_wait3A_74 = arith.constant 0 : i32
      %dma_wait3A_75 = tpu.memref_slice %arg4[%add3A_11, %dma_wait3A_74] : memref<4000x80xi32, #tpu.memory_space<hbm>> -> memref<1x80xi32, #tpu.memory_space<hbm>>
      %dma_wait3A_76 = tpu.memref_squeeze %dma_wait3A_75 : memref<1x80xi32, #tpu.memory_space<hbm>> -> memref<80xi32, #tpu.memory_space<hbm>>
      %dma_wait3A_77 = arith.constant 0 : i32
      %dma_wait3A_78 = tpu.memref_slice %arg4[%add3A_11, %dma_wait3A_77] : memref<4000x80xi32, #tpu.memory_space<hbm>> -> memref<1x80xi32, #tpu.memory_space<hbm>>
      %dma_wait3A_79 = tpu.memref_squeeze %dma_wait3A_78 : memref<1x80xi32, #tpu.memory_space<hbm>> -> memref<80xi32, #tpu.memory_space<hbm>>
      tpu.wait_dma2 semaphore(%run_scoped3A : memref<!tpu.dma_semaphore, #tpu.memory_space<semaphore_mem>>) src(%dma_wait3A_79 : memref<80xi32, #tpu.memory_space<hbm>>) dst(%arg11 : memref<80xi32, #tpu.memory_space<vmem>>)
      tpu.yield
    }) : () -> ()
    %dma_start3A = arith.constant 0 : i32
    %dma_start3A_12 = arith.constant 0 : i32
    %dma_start3A_13 = tpu.memref_slice %arg2[%dma_start3A, %dma_start3A_12] : memref<10000x128xf32, #tpu.memory_space<hbm>> -> memref<10000x128xf32, #tpu.memory_space<hbm>>
    tpu.enqueue_indirect_dma source(%dma_start3A_13 : memref<10000x128xf32, #tpu.memory_space<hbm>>) target(%arg15 : memref<80x128xf32, #tpu.memory_space<vmem>>) offsets(%arg7 : memref<80xi32, #tpu.memory_space<vmem>>) semaphore(%arg21 : memref<!tpu.dma_semaphore, #tpu.memory_space<semaphore_mem>>)
    %mul3A_14 = arith.constant 125 : i32
    %mul3A_15 = arith.muli %add3A, %mul3A_14 : i32
    %add3A_16 = arith.constant 1 : i32
    %add3A_17 = arith.addi %mul3A_15, %add3A_16 : i32
    "tpu.region"() ({
      %run_scoped3A = tpu.sem_alloc : memref<!tpu.dma_semaphore, #tpu.memory_space<semaphore_mem>>
      %dma_start3A_68 = arith.constant 0 : i32
      %dma_start3A_69 = tpu.memref_slice %arg3[%add3A_17, %dma_start3A_68] : memref<4000x80xi32, #tpu.memory_space<hbm>> -> memref<1x80xi32, #tpu.memory_space<hbm>>
      %dma_start3A_70 = tpu.memref_squeeze %dma_start3A_69 : memref<1x80xi32, #tpu.memory_space<hbm>> -> memref<80xi32, #tpu.memory_space<hbm>>
      %dma_start3A_71 = arith.constant 0 : i32
      %dma_start3A_72 = tpu.memref_slice %arg3[%add3A_17, %dma_start3A_71] : memref<4000x80xi32, #tpu.memory_space<hbm>> -> memref<1x80xi32, #tpu.memory_space<hbm>>
      %dma_start3A_73 = tpu.memref_squeeze %dma_start3A_72 : memref<1x80xi32, #tpu.memory_space<hbm>> -> memref<80xi32, #tpu.memory_space<hbm>>
      tpu.enqueue_dma source(%dma_start3A_73 : memref<80xi32, #tpu.memory_space<hbm>>) target(%arg8 : memref<80xi32, #tpu.memory_space<vmem>>) target_semaphore(%run_scoped3A : memref<!tpu.dma_semaphore, #tpu.memory_space<semaphore_mem>>)
      %dma_wait3A_74 = arith.constant 0 : i32
      %dma_wait3A_75 = tpu.memref_slice %arg3[%add3A_17, %dma_wait3A_74] : memref<4000x80xi32, #tpu.memory_space<hbm>> -> memref<1x80xi32, #tpu.memory_space<hbm>>
      %dma_wait3A_76 = tpu.memref_squeeze %dma_wait3A_75 : memref<1x80xi32, #tpu.memory_space<hbm>> -> memref<80xi32, #tpu.memory_space<hbm>>
      %dma_wait3A_77 = arith.constant 0 : i32
      %dma_wait3A_78 = tpu.memref_slice %arg3[%add3A_17, %dma_wait3A_77] : memref<4000x80xi32, #tpu.memory_space<hbm>> -> memref<1x80xi32, #tpu.memory_space<hbm>>
      %dma_wait3A_79 = tpu.memref_squeeze %dma_wait3A_78 : memref<1x80xi32, #tpu.memory_space<hbm>> -> memref<80xi32, #tpu.memory_space<hbm>>
      tpu.wait_dma2 semaphore(%run_scoped3A : memref<!tpu.dma_semaphore, #tpu.memory_space<semaphore_mem>>) src(%dma_wait3A_79 : memref<80xi32, #tpu.memory_space<hbm>>) dst(%arg8 : memref<80xi32, #tpu.memory_space<vmem>>)
      tpu.yield
    }) : () -> ()
    "tpu.region"() ({
      %run_scoped3A = tpu.sem_alloc : memref<!tpu.dma_semaphore, #tpu.memory_space<semaphore_mem>>
      %dma_start3A_68 = arith.constant 0 : i32
      %dma_start3A_69 = tpu.memref_slice %arg4[%add3A_17, %dma_start3A_68] : memref<4000x80xi32, #tpu.memory_space<hbm>> -> memref<1x80xi32, #tpu.memory_space<hbm>>
      %dma_start3A_70 = tpu.memref_squeeze %dma_start3A_69 : memref<1x80xi32, #tpu.memory_space<hbm>> -> memref<80xi32, #tpu.memory_space<hbm>>
      %dma_start3A_71 = arith.constant 0 : i32
      %dma_start3A_72 = tpu.memref_slice %arg4[%add3A_17, %dma_start3A_71] : memref<4000x80xi32, #tpu.memory_space<hbm>> -> memref<1x80xi32, #tpu.memory_space<hbm>>
      %dma_start3A_73 = tpu.memref_squeeze %dma_start3A_72 : memref<1x80xi32, #tpu.memory_space<hbm>> -> memref<80xi32, #tpu.memory_space<hbm>>
      tpu.enqueue_dma source(%dma_start3A_73 : memref<80xi32, #tpu.memory_space<hbm>>) target(%arg12 : memref<80xi32, #tpu.memory_space<vmem>>) target_semaphore(%run_scoped3A : memref<!tpu.dma_semaphore, #tpu.memory_space<semaphore_mem>>)
      %dma_wait3A_74 = arith.constant 0 : i32
      %dma_wait3A_75 = tpu.memref_slice %arg4[%add3A_17, %dma_wait3A_74] : memref<4000x80xi32, #tpu.memory_space<hbm>> -> memref<1x80xi32, #tpu.memory_space<hbm>>
      %dma_wait3A_76 = tpu.memref_squeeze %dma_wait3A_75 : memref<1x80xi32, #tpu.memory_space<hbm>> -> memref<80xi32, #tpu.memory_space<hbm>>
      %dma_wait3A_77 = arith.constant 0 : i32
      %dma_wait3A_78 = tpu.memref_slice %arg4[%add3A_17, %dma_wait3A_77] : memref<4000x80xi32, #tpu.memory_space<hbm>> -> memref<1x80xi32, #tpu.memory_space<hbm>>
      %dma_wait3A_79 = tpu.memref_squeeze %dma_wait3A_78 : memref<1x80xi32, #tpu.memory_space<hbm>> -> memref<80xi32, #tpu.memory_space<hbm>>
      tpu.wait_dma2 semaphore(%run_scoped3A : memref<!tpu.dma_semaphore, #tpu.memory_space<semaphore_mem>>) src(%dma_wait3A_79 : memref<80xi32, #tpu.memory_space<hbm>>) dst(%arg12 : memref<80xi32, #tpu.memory_space<vmem>>)
      tpu.yield
    }) : () -> ()
    %dma_start3A_18 = arith.constant 0 : i32
    %dma_start3A_19 = arith.constant 0 : i32
    %dma_start3A_20 = tpu.memref_slice %arg2[%dma_start3A_18, %dma_start3A_19] : memref<10000x128xf32, #tpu.memory_space<hbm>> -> memref<10000x128xf32, #tpu.memory_space<hbm>>
    tpu.enqueue_indirect_dma source(%dma_start3A_20 : memref<10000x128xf32, #tpu.memory_space<hbm>>) target(%arg16 : memref<80x128xf32, #tpu.memory_space<vmem>>) offsets(%arg8 : memref<80xi32, #tpu.memory_space<vmem>>) semaphore(%arg22 : memref<!tpu.dma_semaphore, #tpu.memory_space<semaphore_mem>>)
    %mul3A_21 = arith.constant 125 : i32
    %mul3A_22 = arith.muli %add3A, %mul3A_21 : i32
    %add3A_23 = arith.constant 2 : i32
    %add3A_24 = arith.addi %mul3A_22, %add3A_23 : i32
    "tpu.region"() ({
      %run_scoped3A = tpu.sem_alloc : memref<!tpu.dma_semaphore, #tpu.memory_space<semaphore_mem>>
      %dma_start3A_68 = arith.constant 0 : i32
      %dma_start3A_69 = tpu.memref_slice %arg3[%add3A_24, %dma_start3A_68] : memref<4000x80xi32, #tpu.memory_space<hbm>> -> memref<1x80xi32, #tpu.memory_space<hbm>>
      %dma_start3A_70 = tpu.memref_squeeze %dma_start3A_69 : memref<1x80xi32, #tpu.memory_space<hbm>> -> memref<80xi32, #tpu.memory_space<hbm>>
      %dma_start3A_71 = arith.constant 0 : i32
      %dma_start3A_72 = tpu.memref_slice %arg3[%add3A_24, %dma_start3A_71] : memref<4000x80xi32, #tpu.memory_space<hbm>> -> memref<1x80xi32, #tpu.memory_space<hbm>>
      %dma_start3A_73 = tpu.memref_squeeze %dma_start3A_72 : memref<1x80xi32, #tpu.memory_space<hbm>> -> memref<80xi32, #tpu.memory_space<hbm>>
      tpu.enqueue_dma source(%dma_start3A_73 : memref<80xi32, #tpu.memory_space<hbm>>) target(%arg9 : memref<80xi32, #tpu.memory_space<vmem>>) target_semaphore(%run_scoped3A : memref<!tpu.dma_semaphore, #tpu.memory_space<semaphore_mem>>)
      %dma_wait3A_74 = arith.constant 0 : i32
      %dma_wait3A_75 = tpu.memref_slice %arg3[%add3A_24, %dma_wait3A_74] : memref<4000x80xi32, #tpu.memory_space<hbm>> -> memref<1x80xi32, #tpu.memory_space<hbm>>
      %dma_wait3A_76 = tpu.memref_squeeze %dma_wait3A_75 : memref<1x80xi32, #tpu.memory_space<hbm>> -> memref<80xi32, #tpu.memory_space<hbm>>
      %dma_wait3A_77 = arith.constant 0 : i32
      %dma_wait3A_78 = tpu.memref_slice %arg3[%add3A_24, %dma_wait3A_77] : memref<4000x80xi32, #tpu.memory_space<hbm>> -> memref<1x80xi32, #tpu.memory_space<hbm>>
      %dma_wait3A_79 = tpu.memref_squeeze %dma_wait3A_78 : memref<1x80xi32, #tpu.memory_space<hbm>> -> memref<80xi32, #tpu.memory_space<hbm>>
      tpu.wait_dma2 semaphore(%run_scoped3A : memref<!tpu.dma_semaphore, #tpu.memory_space<semaphore_mem>>) src(%dma_wait3A_79 : memref<80xi32, #tpu.memory_space<hbm>>) dst(%arg9 : memref<80xi32, #tpu.memory_space<vmem>>)
      tpu.yield
    }) : () -> ()
    "tpu.region"() ({
      %run_scoped3A = tpu.sem_alloc : memref<!tpu.dma_semaphore, #tpu.memory_space<semaphore_mem>>
      %dma_start3A_68 = arith.constant 0 : i32
      %dma_start3A_69 = tpu.memref_slice %arg4[%add3A_24, %dma_start3A_68] : memref<4000x80xi32, #tpu.memory_space<hbm>> -> memref<1x80xi32, #tpu.memory_space<hbm>>
      %dma_start3A_70 = tpu.memref_squeeze %dma_start3A_69 : memref<1x80xi32, #tpu.memory_space<hbm>> -> memref<80xi32, #tpu.memory_space<hbm>>
      %dma_start3A_71 = arith.constant 0 : i32
      %dma_start3A_72 = tpu.memref_slice %arg4[%add3A_24, %dma_start3A_71] : memref<4000x80xi32, #tpu.memory_space<hbm>> -> memref<1x80xi32, #tpu.memory_space<hbm>>
      %dma_start3A_73 = tpu.memref_squeeze %dma_start3A_72 : memref<1x80xi32, #tpu.memory_space<hbm>> -> memref<80xi32, #tpu.memory_space<hbm>>
      tpu.enqueue_dma source(%dma_start3A_73 : memref<80xi32, #tpu.memory_space<hbm>>) target(%arg13 : memref<80xi32, #tpu.memory_space<vmem>>) target_semaphore(%run_scoped3A : memref<!tpu.dma_semaphore, #tpu.memory_space<semaphore_mem>>)
      %dma_wait3A_74 = arith.constant 0 : i32
      %dma_wait3A_75 = tpu.memref_slice %arg4[%add3A_24, %dma_wait3A_74] : memref<4000x80xi32, #tpu.memory_space<hbm>> -> memref<1x80xi32, #tpu.memory_space<hbm>>
      %dma_wait3A_76 = tpu.memref_squeeze %dma_wait3A_75 : memref<1x80xi32, #tpu.memory_space<hbm>> -> memref<80xi32, #tpu.memory_space<hbm>>
      %dma_wait3A_77 = arith.constant 0 : i32
      %dma_wait3A_78 = tpu.memref_slice %arg4[%add3A_24, %dma_wait3A_77] : memref<4000x80xi32, #tpu.memory_space<hbm>> -> memref<1x80xi32, #tpu.memory_space<hbm>>
      %dma_wait3A_79 = tpu.memref_squeeze %dma_wait3A_78 : memref<1x80xi32, #tpu.memory_space<hbm>> -> memref<80xi32, #tpu.memory_space<hbm>>
      tpu.wait_dma2 semaphore(%run_scoped3A : memref<!tpu.dma_semaphore, #tpu.memory_space<semaphore_mem>>) src(%dma_wait3A_79 : memref<80xi32, #tpu.memory_space<hbm>>) dst(%arg13 : memref<80xi32, #tpu.memory_space<vmem>>)
      tpu.yield
    }) : () -> ()
    %dma_start3A_25 = arith.constant 0 : i32
    %dma_start3A_26 = arith.constant 0 : i32
    %dma_start3A_27 = tpu.memref_slice %arg2[%dma_start3A_25, %dma_start3A_26] : memref<10000x128xf32, #tpu.memory_space<hbm>> -> memref<10000x128xf32, #tpu.memory_space<hbm>>
    tpu.enqueue_indirect_dma source(%dma_start3A_27 : memref<10000x128xf32, #tpu.memory_space<hbm>>) target(%arg17 : memref<80x128xf32, #tpu.memory_space<vmem>>) offsets(%arg9 : memref<80xi32, #tpu.memory_space<vmem>>) semaphore(%arg23 : memref<!tpu.dma_semaphore, #tpu.memory_space<semaphore_mem>>)
    %mul3A_28 = arith.constant 125 : i32
    %mul3A_29 = arith.muli %add3A, %mul3A_28 : i32
    %add3A_30 = arith.constant 3 : i32
    %add3A_31 = arith.addi %mul3A_29, %add3A_30 : i32
    "tpu.region"() ({
      %run_scoped3A = tpu.sem_alloc : memref<!tpu.dma_semaphore, #tpu.memory_space<semaphore_mem>>
      %dma_start3A_68 = arith.constant 0 : i32
      %dma_start3A_69 = tpu.memref_slice %arg3[%add3A_31, %dma_start3A_68] : memref<4000x80xi32, #tpu.memory_space<hbm>> -> memref<1x80xi32, #tpu.memory_space<hbm>>
      %dma_start3A_70 = tpu.memref_squeeze %dma_start3A_69 : memref<1x80xi32, #tpu.memory_space<hbm>> -> memref<80xi32, #tpu.memory_space<hbm>>
      %dma_start3A_71 = arith.constant 0 : i32
      %dma_start3A_72 = tpu.memref_slice %arg3[%add3A_31, %dma_start3A_71] : memref<4000x80xi32, #tpu.memory_space<hbm>> -> memref<1x80xi32, #tpu.memory_space<hbm>>
      %dma_start3A_73 = tpu.memref_squeeze %dma_start3A_72 : memref<1x80xi32, #tpu.memory_space<hbm>> -> memref<80xi32, #tpu.memory_space<hbm>>
      tpu.enqueue_dma source(%dma_start3A_73 : memref<80xi32, #tpu.memory_space<hbm>>) target(%arg10 : memref<80xi32, #tpu.memory_space<vmem>>) target_semaphore(%run_scoped3A : memref<!tpu.dma_semaphore, #tpu.memory_space<semaphore_mem>>)
      %dma_wait3A_74 = arith.constant 0 : i32
      %dma_wait3A_75 = tpu.memref_slice %arg3[%add3A_31, %dma_wait3A_74] : memref<4000x80xi32, #tpu.memory_space<hbm>> -> memref<1x80xi32, #tpu.memory_space<hbm>>
      %dma_wait3A_76 = tpu.memref_squeeze %dma_wait3A_75 : memref<1x80xi32, #tpu.memory_space<hbm>> -> memref<80xi32, #tpu.memory_space<hbm>>
      %dma_wait3A_77 = arith.constant 0 : i32
      %dma_wait3A_78 = tpu.memref_slice %arg3[%add3A_31, %dma_wait3A_77] : memref<4000x80xi32, #tpu.memory_space<hbm>> -> memref<1x80xi32, #tpu.memory_space<hbm>>
      %dma_wait3A_79 = tpu.memref_squeeze %dma_wait3A_78 : memref<1x80xi32, #tpu.memory_space<hbm>> -> memref<80xi32, #tpu.memory_space<hbm>>
      tpu.wait_dma2 semaphore(%run_scoped3A : memref<!tpu.dma_semaphore, #tpu.memory_space<semaphore_mem>>) src(%dma_wait3A_79 : memref<80xi32, #tpu.memory_space<hbm>>) dst(%arg10 : memref<80xi32, #tpu.memory_space<vmem>>)
      tpu.yield
    }) : () -> ()
    "tpu.region"() ({
      %run_scoped3A = tpu.sem_alloc : memref<!tpu.dma_semaphore, #tpu.memory_space<semaphore_mem>>
      %dma_start3A_68 = arith.constant 0 : i32
      %dma_start3A_69 = tpu.memref_slice %arg4[%add3A_31, %dma_start3A_68] : memref<4000x80xi32, #tpu.memory_space<hbm>> -> memref<1x80xi32, #tpu.memory_space<hbm>>
      %dma_start3A_70 = tpu.memref_squeeze %dma_start3A_69 : memref<1x80xi32, #tpu.memory_space<hbm>> -> memref<80xi32, #tpu.memory_space<hbm>>
      %dma_start3A_71 = arith.constant 0 : i32
      %dma_start3A_72 = tpu.memref_slice %arg4[%add3A_31, %dma_start3A_71] : memref<4000x80xi32, #tpu.memory_space<hbm>> -> memref<1x80xi32, #tpu.memory_space<hbm>>
      %dma_start3A_73 = tpu.memref_squeeze %dma_start3A_72 : memref<1x80xi32, #tpu.memory_space<hbm>> -> memref<80xi32, #tpu.memory_space<hbm>>
      tpu.enqueue_dma source(%dma_start3A_73 : memref<80xi32, #tpu.memory_space<hbm>>) target(%arg14 : memref<80xi32, #tpu.memory_space<vmem>>) target_semaphore(%run_scoped3A : memref<!tpu.dma_semaphore, #tpu.memory_space<semaphore_mem>>)
      %dma_wait3A_74 = arith.constant 0 : i32
      %dma_wait3A_75 = tpu.memref_slice %arg4[%add3A_31, %dma_wait3A_74] : memref<4000x80xi32, #tpu.memory_space<hbm>> -> memref<1x80xi32, #tpu.memory_space<hbm>>
      %dma_wait3A_76 = tpu.memref_squeeze %dma_wait3A_75 : memref<1x80xi32, #tpu.memory_space<hbm>> -> memref<80xi32, #tpu.memory_space<hbm>>
      %dma_wait3A_77 = arith.constant 0 : i32
      %dma_wait3A_78 = tpu.memref_slice %arg4[%add3A_31, %dma_wait3A_77] : memref<4000x80xi32, #tpu.memory_space<hbm>> -> memref<1x80xi32, #tpu.memory_space<hbm>>
      %dma_wait3A_79 = tpu.memref_squeeze %dma_wait3A_78 : memref<1x80xi32, #tpu.memory_space<hbm>> -> memref<80xi32, #tpu.memory_space<hbm>>
      tpu.wait_dma2 semaphore(%run_scoped3A : memref<!tpu.dma_semaphore, #tpu.memory_space<semaphore_mem>>) src(%dma_wait3A_79 : memref<80xi32, #tpu.memory_space<hbm>>) dst(%arg14 : memref<80xi32, #tpu.memory_space<vmem>>)
      tpu.yield
    }) : () -> ()
    %dma_start3A_32 = arith.constant 0 : i32
    %dma_start3A_33 = arith.constant 0 : i32
    %dma_start3A_34 = tpu.memref_slice %arg2[%dma_start3A_32, %dma_start3A_33] : memref<10000x128xf32, #tpu.memory_space<hbm>> -> memref<10000x128xf32, #tpu.memory_space<hbm>>
    tpu.enqueue_indirect_dma source(%dma_start3A_34 : memref<10000x128xf32, #tpu.memory_space<hbm>>) target(%arg18 : memref<80x128xf32, #tpu.memory_space<vmem>>) offsets(%arg10 : memref<80xi32, #tpu.memory_space<vmem>>) semaphore(%arg24 : memref<!tpu.dma_semaphore, #tpu.memory_space<semaphore_mem>>)
    %scan3A_35 = arith.constant 0 : i32
    %scan3A_36 = arith.constant 1 : i32
    %scan3A_37 = arith.constant 30 : i32
    %scan3A_38 = arith.addi %scan3A_36, %scan3A_37 : i32
    %scan3A_39 = arith.constant 1 : i32
    scf.for %scan3A_68 = %scan3A_36 to %scan3A_38 step %scan3A_39  : i32 {
      %mul3A_69 = arith.constant 125 : i32
      %mul3A_70 = arith.muli %add3A, %mul3A_69 : i32
      %mul3A_71 = arith.constant 4 : i32
      %mul3A_72 = arith.muli %scan3A_68, %mul3A_71 : i32
      %add3A_73 = arith.addi %mul3A_70, %mul3A_72 : i32
      %dma_wait3A_74 = arith.constant 0 : i32
      %dma_wait3A_75 = arith.constant 0 : i32
      %dma_wait3A_76 = tpu.memref_slice %arg2[%dma_wait3A_74, %dma_wait3A_75] : memref<10000x128xf32, #tpu.memory_space<hbm>> -> memref<10000x128xf32, #tpu.memory_space<hbm>>
      tpu.wait_indirect_dma semaphore(%arg21 : memref<!tpu.dma_semaphore, #tpu.memory_space<semaphore_mem>>) src(%dma_wait3A_76 : memref<10000x128xf32, #tpu.memory_space<hbm>>) dst(%arg15 : memref<80x128xf32, #tpu.memory_space<vmem>>)
      "tpu.region"() ({
        %run_scoped3A = tpu.sem_alloc : memref<!tpu.dma_semaphore, #tpu.memory_space<semaphore_mem>>
        %dma_start3A_106 = arith.constant 0 : i32
        %dma_start3A_107 = arith.constant 0 : i32
        %dma_start3A_108 = tpu.memref_slice %arg20[%dma_start3A_106, %dma_start3A_107] : memref<10112x128xf32, #tpu.memory_space<vmem_shared>> -> memref<10112x128xf32, #tpu.memory_space<vmem_shared>>
        tpu.enqueue_indirect_dma source(%arg15 : memref<80x128xf32, #tpu.memory_space<vmem>>) target(%dma_start3A_108 : memref<10112x128xf32, #tpu.memory_space<vmem_shared>>) offsets(%arg11 : memref<80xi32, #tpu.memory_space<vmem>>) semaphore(%run_scoped3A : memref<!tpu.dma_semaphore, #tpu.memory_space<semaphore_mem>>) {add = true}
        %dma_wait3A_109 = arith.constant 0 : i32
        %dma_wait3A_110 = arith.constant 0 : i32
        %dma_wait3A_111 = tpu.memref_slice %arg20[%dma_wait3A_109, %dma_wait3A_110] : memref<10112x128xf32, #tpu.memory_space<vmem_shared>> -> memref<10112x128xf32, #tpu.memory_space<vmem_shared>>
        tpu.wait_indirect_dma semaphore(%run_scoped3A : memref<!tpu.dma_semaphore, #tpu.memory_space<semaphore_mem>>) src(%arg15 : memref<80x128xf32, #tpu.memory_space<vmem>>) dst(%dma_wait3A_111 : memref<10112x128xf32, #tpu.memory_space<vmem_shared>>)
        tpu.yield
      }) : () -> ()
      %add3A_77 = arith.constant 0 : i32
      %add3A_78 = arith.addi %add3A_73, %add3A_77 : i32
      "tpu.region"() ({
        %run_scoped3A = tpu.sem_alloc : memref<!tpu.dma_semaphore, #tpu.memory_space<semaphore_mem>>
        %dma_start3A_106 = arith.constant 0 : i32
        %dma_start3A_107 = tpu.memref_slice %arg3[%add3A_78, %dma_start3A_106] : memref<4000x80xi32, #tpu.memory_space<hbm>> -> memref<1x80xi32, #tpu.memory_space<hbm>>
        %dma_start3A_108 = tpu.memref_squeeze %dma_start3A_107 : memref<1x80xi32, #tpu.memory_space<hbm>> -> memref<80xi32, #tpu.memory_space<hbm>>
        %dma_start3A_109 = arith.constant 0 : i32
        %dma_start3A_110 = tpu.memref_slice %arg3[%add3A_78, %dma_start3A_109] : memref<4000x80xi32, #tpu.memory_space<hbm>> -> memref<1x80xi32, #tpu.memory_space<hbm>>
        %dma_start3A_111 = tpu.memref_squeeze %dma_start3A_110 : memref<1x80xi32, #tpu.memory_space<hbm>> -> memref<80xi32, #tpu.memory_space<hbm>>
        tpu.enqueue_dma source(%dma_start3A_111 : memref<80xi32, #tpu.memory_space<hbm>>) target(%arg7 : memref<80xi32, #tpu.memory_space<vmem>>) target_semaphore(%run_scoped3A : memref<!tpu.dma_semaphore, #tpu.memory_space<semaphore_mem>>)
        %dma_wait3A_112 = arith.constant 0 : i32
        %dma_wait3A_113 = tpu.memref_slice %arg3[%add3A_78, %dma_wait3A_112] : memref<4000x80xi32, #tpu.memory_space<hbm>> -> memref<1x80xi32, #tpu.memory_space<hbm>>
        %dma_wait3A_114 = tpu.memref_squeeze %dma_wait3A_113 : memref<1x80xi32, #tpu.memory_space<hbm>> -> memref<80xi32, #tpu.memory_space<hbm>>
        %dma_wait3A_115 = arith.constant 0 : i32
        %dma_wait3A_116 = tpu.memref_slice %arg3[%add3A_78, %dma_wait3A_115] : memref<4000x80xi32, #tpu.memory_space<hbm>> -> memref<1x80xi32, #tpu.memory_space<hbm>>
        %dma_wait3A_117 = tpu.memref_squeeze %dma_wait3A_116 : memref<1x80xi32, #tpu.memory_space<hbm>> -> memref<80xi32, #tpu.memory_space<hbm>>
        tpu.wait_dma2 semaphore(%run_scoped3A : memref<!tpu.dma_semaphore, #tpu.memory_space<semaphore_mem>>) src(%dma_wait3A_117 : memref<80xi32, #tpu.memory_space<hbm>>) dst(%arg7 : memref<80xi32, #tpu.memory_space<vmem>>)
        tpu.yield
      }) : () -> ()
      "tpu.region"() ({
        %run_scoped3A = tpu.sem_alloc : memref<!tpu.dma_semaphore, #tpu.memory_space<semaphore_mem>>
        %dma_start3A_106 = arith.constant 0 : i32
        %dma_start3A_107 = tpu.memref_slice %arg4[%add3A_78, %dma_start3A_106] : memref<4000x80xi32, #tpu.memory_space<hbm>> -> memref<1x80xi32, #tpu.memory_space<hbm>>
        %dma_start3A_108 = tpu.memref_squeeze %dma_start3A_107 : memref<1x80xi32, #tpu.memory_space<hbm>> -> memref<80xi32, #tpu.memory_space<hbm>>
        %dma_start3A_109 = arith.constant 0 : i32
        %dma_start3A_110 = tpu.memref_slice %arg4[%add3A_78, %dma_start3A_109] : memref<4000x80xi32, #tpu.memory_space<hbm>> -> memref<1x80xi32, #tpu.memory_space<hbm>>
        %dma_start3A_111 = tpu.memref_squeeze %dma_start3A_110 : memref<1x80xi32, #tpu.memory_space<hbm>> -> memref<80xi32, #tpu.memory_space<hbm>>
        tpu.enqueue_dma source(%dma_start3A_111 : memref<80xi32, #tpu.memory_space<hbm>>) target(%arg11 : memref<80xi32, #tpu.memory_space<vmem>>) target_semaphore(%run_scoped3A : memref<!tpu.dma_semaphore, #tpu.memory_space<semaphore_mem>>)
        %dma_wait3A_112 = arith.constant 0 : i32
        %dma_wait3A_113 = tpu.memref_slice %arg4[%add3A_78, %dma_wait3A_112] : memref<4000x80xi32, #tpu.memory_space<hbm>> -> memref<1x80xi32, #tpu.memory_space<hbm>>
        %dma_wait3A_114 = tpu.memref_squeeze %dma_wait3A_113 : memref<1x80xi32, #tpu.memory_space<hbm>> -> memref<80xi32, #tpu.memory_space<hbm>>
        %dma_wait3A_115 = arith.constant 0 : i32
        %dma_wait3A_116 = tpu.memref_slice %arg4[%add3A_78, %dma_wait3A_115] : memref<4000x80xi32, #tpu.memory_space<hbm>> -> memref<1x80xi32, #tpu.memory_space<hbm>>
        %dma_wait3A_117 = tpu.memref_squeeze %dma_wait3A_116 : memref<1x80xi32, #tpu.memory_space<hbm>> -> memref<80xi32, #tpu.memory_space<hbm>>
        tpu.wait_dma2 semaphore(%run_scoped3A : memref<!tpu.dma_semaphore, #tpu.memory_space<semaphore_mem>>) src(%dma_wait3A_117 : memref<80xi32, #tpu.memory_space<hbm>>) dst(%arg11 : memref<80xi32, #tpu.memory_space<vmem>>)
        tpu.yield
      }) : () -> ()
      %dma_start3A_79 = arith.constant 0 : i32
      %dma_start3A_80 = arith.constant 0 : i32
      %dma_start3A_81 = tpu.memref_slice %arg2[%dma_start3A_79, %dma_start3A_80] : memref<10000x128xf32, #tpu.memory_space<hbm>> -> memref<10000x128xf32, #tpu.memory_space<hbm>>
      tpu.enqueue_indirect_dma source(%dma_start3A_81 : memref<10000x128xf32, #tpu.memory_space<hbm>>) target(%arg15 : memref<80x128xf32, #tpu.memory_space<vmem>>) offsets(%arg7 : memref<80xi32, #tpu.memory_space<vmem>>) semaphore(%arg21 : memref<!tpu.dma_semaphore, #tpu.memory_space<semaphore_mem>>)
      %dma_wait3A_82 = arith.constant 0 : i32
      %dma_wait3A_83 = arith.constant 0 : i32
      %dma_wait3A_84 = tpu.memref_slice %arg2[%dma_wait3A_82, %dma_wait3A_83] : memref<10000x128xf32, #tpu.memory_space<hbm>> -> memref<10000x128xf32, #tpu.memory_space<hbm>>
      tpu.wait_indirect_dma semaphore(%arg22 : memref<!tpu.dma_semaphore, #tpu.memory_space<semaphore_mem>>) src(%dma_wait3A_84 : memref<10000x128xf32, #tpu.memory_space<hbm>>) dst(%arg16 : memref<80x128xf32, #tpu.memory_space<vmem>>)
      "tpu.region"() ({
        %run_scoped3A = tpu.sem_alloc : memref<!tpu.dma_semaphore, #tpu.memory_space<semaphore_mem>>
        %dma_start3A_106 = arith.constant 0 : i32
        %dma_start3A_107 = arith.constant 0 : i32
        %dma_start3A_108 = tpu.memref_slice %arg20[%dma_start3A_106, %dma_start3A_107] : memref<10112x128xf32, #tpu.memory_space<vmem_shared>> -> memref<10112x128xf32, #tpu.memory_space<vmem_shared>>
        tpu.enqueue_indirect_dma source(%arg16 : memref<80x128xf32, #tpu.memory_space<vmem>>) target(%dma_start3A_108 : memref<10112x128xf32, #tpu.memory_space<vmem_shared>>) offsets(%arg12 : memref<80xi32, #tpu.memory_space<vmem>>) semaphore(%run_scoped3A : memref<!tpu.dma_semaphore, #tpu.memory_space<semaphore_mem>>) {add = true}
        %dma_wait3A_109 = arith.constant 0 : i32
        %dma_wait3A_110 = arith.constant 0 : i32
        %dma_wait3A_111 = tpu.memref_slice %arg20[%dma_wait3A_109, %dma_wait3A_110] : memref<10112x128xf32, #tpu.memory_space<vmem_shared>> -> memref<10112x128xf32, #tpu.memory_space<vmem_shared>>
        tpu.wait_indirect_dma semaphore(%run_scoped3A : memref<!tpu.dma_semaphore, #tpu.memory_space<semaphore_mem>>) src(%arg16 : memref<80x128xf32, #tpu.memory_space<vmem>>) dst(%dma_wait3A_111 : memref<10112x128xf32, #tpu.memory_space<vmem_shared>>)
        tpu.yield
      }) : () -> ()
      %add3A_85 = arith.constant 1 : i32
      %add3A_86 = arith.addi %add3A_73, %add3A_85 : i32
      "tpu.region"() ({
        %run_scoped3A = tpu.sem_alloc : memref<!tpu.dma_semaphore, #tpu.memory_space<semaphore_mem>>
        %dma_start3A_106 = arith.constant 0 : i32
        %dma_start3A_107 = tpu.memref_slice %arg3[%add3A_86, %dma_start3A_106] : memref<4000x80xi32, #tpu.memory_space<hbm>> -> memref<1x80xi32, #tpu.memory_space<hbm>>
        %dma_start3A_108 = tpu.memref_squeeze %dma_start3A_107 : memref<1x80xi32, #tpu.memory_space<hbm>> -> memref<80xi32, #tpu.memory_space<hbm>>
        %dma_start3A_109 = arith.constant 0 : i32
        %dma_start3A_110 = tpu.memref_slice %arg3[%add3A_86, %dma_start3A_109] : memref<4000x80xi32, #tpu.memory_space<hbm>> -> memref<1x80xi32, #tpu.memory_space<hbm>>
        %dma_start3A_111 = tpu.memref_squeeze %dma_start3A_110 : memref<1x80xi32, #tpu.memory_space<hbm>> -> memref<80xi32, #tpu.memory_space<hbm>>
        tpu.enqueue_dma source(%dma_start3A_111 : memref<80xi32, #tpu.memory_space<hbm>>) target(%arg8 : memref<80xi32, #tpu.memory_space<vmem>>) target_semaphore(%run_scoped3A : memref<!tpu.dma_semaphore, #tpu.memory_space<semaphore_mem>>)
        %dma_wait3A_112 = arith.constant 0 : i32
        %dma_wait3A_113 = tpu.memref_slice %arg3[%add3A_86, %dma_wait3A_112] : memref<4000x80xi32, #tpu.memory_space<hbm>> -> memref<1x80xi32, #tpu.memory_space<hbm>>
        %dma_wait3A_114 = tpu.memref_squeeze %dma_wait3A_113 : memref<1x80xi32, #tpu.memory_space<hbm>> -> memref<80xi32, #tpu.memory_space<hbm>>
        %dma_wait3A_115 = arith.constant 0 : i32
        %dma_wait3A_116 = tpu.memref_slice %arg3[%add3A_86, %dma_wait3A_115] : memref<4000x80xi32, #tpu.memory_space<hbm>> -> memref<1x80xi32, #tpu.memory_space<hbm>>
        %dma_wait3A_117 = tpu.memref_squeeze %dma_wait3A_116 : memref<1x80xi32, #tpu.memory_space<hbm>> -> memref<80xi32, #tpu.memory_space<hbm>>
        tpu.wait_dma2 semaphore(%run_scoped3A : memref<!tpu.dma_semaphore, #tpu.memory_space<semaphore_mem>>) src(%dma_wait3A_117 : memref<80xi32, #tpu.memory_space<hbm>>) dst(%arg8 : memref<80xi32, #tpu.memory_space<vmem>>)
        tpu.yield
      }) : () -> ()
      "tpu.region"() ({
        %run_scoped3A = tpu.sem_alloc : memref<!tpu.dma_semaphore, #tpu.memory_space<semaphore_mem>>
        %dma_start3A_106 = arith.constant 0 : i32
        %dma_start3A_107 = tpu.memref_slice %arg4[%add3A_86, %dma_start3A_106] : memref<4000x80xi32, #tpu.memory_space<hbm>> -> memref<1x80xi32, #tpu.memory_space<hbm>>
        %dma_start3A_108 = tpu.memref_squeeze %dma_start3A_107 : memref<1x80xi32, #tpu.memory_space<hbm>> -> memref<80xi32, #tpu.memory_space<hbm>>
        %dma_start3A_109 = arith.constant 0 : i32
        %dma_start3A_110 = tpu.memref_slice %arg4[%add3A_86, %dma_start3A_109] : memref<4000x80xi32, #tpu.memory_space<hbm>> -> memref<1x80xi32, #tpu.memory_space<hbm>>
        %dma_start3A_111 = tpu.memref_squeeze %dma_start3A_110 : memref<1x80xi32, #tpu.memory_space<hbm>> -> memref<80xi32, #tpu.memory_space<hbm>>
        tpu.enqueue_dma source(%dma_start3A_111 : memref<80xi32, #tpu.memory_space<hbm>>) target(%arg12 : memref<80xi32, #tpu.memory_space<vmem>>) target_semaphore(%run_scoped3A : memref<!tpu.dma_semaphore, #tpu.memory_space<semaphore_mem>>)
        %dma_wait3A_112 = arith.constant 0 : i32
        %dma_wait3A_113 = tpu.memref_slice %arg4[%add3A_86, %dma_wait3A_112] : memref<4000x80xi32, #tpu.memory_space<hbm>> -> memref<1x80xi32, #tpu.memory_space<hbm>>
        %dma_wait3A_114 = tpu.memref_squeeze %dma_wait3A_113 : memref<1x80xi32, #tpu.memory_space<hbm>> -> memref<80xi32, #tpu.memory_space<hbm>>
        %dma_wait3A_115 = arith.constant 0 : i32
        %dma_wait3A_116 = tpu.memref_slice %arg4[%add3A_86, %dma_wait3A_115] : memref<4000x80xi32, #tpu.memory_space<hbm>> -> memref<1x80xi32, #tpu.memory_space<hbm>>
        %dma_wait3A_117 = tpu.memref_squeeze %dma_wait3A_116 : memref<1x80xi32, #tpu.memory_space<hbm>> -> memref<80xi32, #tpu.memory_space<hbm>>
        tpu.wait_dma2 semaphore(%run_scoped3A : memref<!tpu.dma_semaphore, #tpu.memory_space<semaphore_mem>>) src(%dma_wait3A_117 : memref<80xi32, #tpu.memory_space<hbm>>) dst(%arg12 : memref<80xi32, #tpu.memory_space<vmem>>)
        tpu.yield
      }) : () -> ()
      %dma_start3A_87 = arith.constant 0 : i32
      %dma_start3A_88 = arith.constant 0 : i32
      %dma_start3A_89 = tpu.memref_slice %arg2[%dma_start3A_87, %dma_start3A_88] : memref<10000x128xf32, #tpu.memory_space<hbm>> -> memref<10000x128xf32, #tpu.memory_space<hbm>>
      tpu.enqueue_indirect_dma source(%dma_start3A_89 : memref<10000x128xf32, #tpu.memory_space<hbm>>) target(%arg16 : memref<80x128xf32, #tpu.memory_space<vmem>>) offsets(%arg8 : memref<80xi32, #tpu.memory_space<vmem>>) semaphore(%arg22 : memref<!tpu.dma_semaphore, #tpu.memory_space<semaphore_mem>>)
      %dma_wait3A_90 = arith.constant 0 : i32
      %dma_wait3A_91 = arith.constant 0 : i32
      %dma_wait3A_92 = tpu.memref_slice %arg2[%dma_wait3A_90, %dma_wait3A_91] : memref<10000x128xf32, #tpu.memory_space<hbm>> -> memref<10000x128xf32, #tpu.memory_space<hbm>>
      tpu.wait_indirect_dma semaphore(%arg23 : memref<!tpu.dma_semaphore, #tpu.memory_space<semaphore_mem>>) src(%dma_wait3A_92 : memref<10000x128xf32, #tpu.memory_space<hbm>>) dst(%arg17 : memref<80x128xf32, #tpu.memory_space<vmem>>)
      "tpu.region"() ({
        %run_scoped3A = tpu.sem_alloc : memref<!tpu.dma_semaphore, #tpu.memory_space<semaphore_mem>>
        %dma_start3A_106 = arith.constant 0 : i32
        %dma_start3A_107 = arith.constant 0 : i32
        %dma_start3A_108 = tpu.memref_slice %arg20[%dma_start3A_106, %dma_start3A_107] : memref<10112x128xf32, #tpu.memory_space<vmem_shared>> -> memref<10112x128xf32, #tpu.memory_space<vmem_shared>>
        tpu.enqueue_indirect_dma source(%arg17 : memref<80x128xf32, #tpu.memory_space<vmem>>) target(%dma_start3A_108 : memref<10112x128xf32, #tpu.memory_space<vmem_shared>>) offsets(%arg13 : memref<80xi32, #tpu.memory_space<vmem>>) semaphore(%run_scoped3A : memref<!tpu.dma_semaphore, #tpu.memory_space<semaphore_mem>>) {add = true}
        %dma_wait3A_109 = arith.constant 0 : i32
        %dma_wait3A_110 = arith.constant 0 : i32
        %dma_wait3A_111 = tpu.memref_slice %arg20[%dma_wait3A_109, %dma_wait3A_110] : memref<10112x128xf32, #tpu.memory_space<vmem_shared>> -> memref<10112x128xf32, #tpu.memory_space<vmem_shared>>
        tpu.wait_indirect_dma semaphore(%run_scoped3A : memref<!tpu.dma_semaphore, #tpu.memory_space<semaphore_mem>>) src(%arg17 : memref<80x128xf32, #tpu.memory_space<vmem>>) dst(%dma_wait3A_111 : memref<10112x128xf32, #tpu.memory_space<vmem_shared>>)
        tpu.yield
      }) : () -> ()
      %add3A_93 = arith.constant 2 : i32
      %add3A_94 = arith.addi %add3A_73, %add3A_93 : i32
      "tpu.region"() ({
        %run_scoped3A = tpu.sem_alloc : memref<!tpu.dma_semaphore, #tpu.memory_space<semaphore_mem>>
        %dma_start3A_106 = arith.constant 0 : i32
        %dma_start3A_107 = tpu.memref_slice %arg3[%add3A_94, %dma_start3A_106] : memref<4000x80xi32, #tpu.memory_space<hbm>> -> memref<1x80xi32, #tpu.memory_space<hbm>>
        %dma_start3A_108 = tpu.memref_squeeze %dma_start3A_107 : memref<1x80xi32, #tpu.memory_space<hbm>> -> memref<80xi32, #tpu.memory_space<hbm>>
        %dma_start3A_109 = arith.constant 0 : i32
        %dma_start3A_110 = tpu.memref_slice %arg3[%add3A_94, %dma_start3A_109] : memref<4000x80xi32, #tpu.memory_space<hbm>> -> memref<1x80xi32, #tpu.memory_space<hbm>>
        %dma_start3A_111 = tpu.memref_squeeze %dma_start3A_110 : memref<1x80xi32, #tpu.memory_space<hbm>> -> memref<80xi32, #tpu.memory_space<hbm>>
        tpu.enqueue_dma source(%dma_start3A_111 : memref<80xi32, #tpu.memory_space<hbm>>) target(%arg9 : memref<80xi32, #tpu.memory_space<vmem>>) target_semaphore(%run_scoped3A : memref<!tpu.dma_semaphore, #tpu.memory_space<semaphore_mem>>)
        %dma_wait3A_112 = arith.constant 0 : i32
        %dma_wait3A_113 = tpu.memref_slice %arg3[%add3A_94, %dma_wait3A_112] : memref<4000x80xi32, #tpu.memory_space<hbm>> -> memref<1x80xi32, #tpu.memory_space<hbm>>
        %dma_wait3A_114 = tpu.memref_squeeze %dma_wait3A_113 : memref<1x80xi32, #tpu.memory_space<hbm>> -> memref<80xi32, #tpu.memory_space<hbm>>
        %dma_wait3A_115 = arith.constant 0 : i32
        %dma_wait3A_116 = tpu.memref_slice %arg3[%add3A_94, %dma_wait3A_115] : memref<4000x80xi32, #tpu.memory_space<hbm>> -> memref<1x80xi32, #tpu.memory_space<hbm>>
        %dma_wait3A_117 = tpu.memref_squeeze %dma_wait3A_116 : memref<1x80xi32, #tpu.memory_space<hbm>> -> memref<80xi32, #tpu.memory_space<hbm>>
        tpu.wait_dma2 semaphore(%run_scoped3A : memref<!tpu.dma_semaphore, #tpu.memory_space<semaphore_mem>>) src(%dma_wait3A_117 : memref<80xi32, #tpu.memory_space<hbm>>) dst(%arg9 : memref<80xi32, #tpu.memory_space<vmem>>)
        tpu.yield
      }) : () -> ()
      "tpu.region"() ({
        %run_scoped3A = tpu.sem_alloc : memref<!tpu.dma_semaphore, #tpu.memory_space<semaphore_mem>>
        %dma_start3A_106 = arith.constant 0 : i32
        %dma_start3A_107 = tpu.memref_slice %arg4[%add3A_94, %dma_start3A_106] : memref<4000x80xi32, #tpu.memory_space<hbm>> -> memref<1x80xi32, #tpu.memory_space<hbm>>
        %dma_start3A_108 = tpu.memref_squeeze %dma_start3A_107 : memref<1x80xi32, #tpu.memory_space<hbm>> -> memref<80xi32, #tpu.memory_space<hbm>>
        %dma_start3A_109 = arith.constant 0 : i32
        %dma_start3A_110 = tpu.memref_slice %arg4[%add3A_94, %dma_start3A_109] : memref<4000x80xi32, #tpu.memory_space<hbm>> -> memref<1x80xi32, #tpu.memory_space<hbm>>
        %dma_start3A_111 = tpu.memref_squeeze %dma_start3A_110 : memref<1x80xi32, #tpu.memory_space<hbm>> -> memref<80xi32, #tpu.memory_space<hbm>>
        tpu.enqueue_dma source(%dma_start3A_111 : memref<80xi32, #tpu.memory_space<hbm>>) target(%arg13 : memref<80xi32, #tpu.memory_space<vmem>>) target_semaphore(%run_scoped3A : memref<!tpu.dma_semaphore, #tpu.memory_space<semaphore_mem>>)
        %dma_wait3A_112 = arith.constant 0 : i32
        %dma_wait3A_113 = tpu.memref_slice %arg4[%add3A_94, %dma_wait3A_112] : memref<4000x80xi32, #tpu.memory_space<hbm>> -> memref<1x80xi32, #tpu.memory_space<hbm>>
        %dma_wait3A_114 = tpu.memref_squeeze %dma_wait3A_113 : memref<1x80xi32, #tpu.memory_space<hbm>> -> memref<80xi32, #tpu.memory_space<hbm>>
        %dma_wait3A_115 = arith.constant 0 : i32
        %dma_wait3A_116 = tpu.memref_slice %arg4[%add3A_94, %dma_wait3A_115] : memref<4000x80xi32, #tpu.memory_space<hbm>> -> memref<1x80xi32, #tpu.memory_space<hbm>>
        %dma_wait3A_117 = tpu.memref_squeeze %dma_wait3A_116 : memref<1x80xi32, #tpu.memory_space<hbm>> -> memref<80xi32, #tpu.memory_space<hbm>>
        tpu.wait_dma2 semaphore(%run_scoped3A : memref<!tpu.dma_semaphore, #tpu.memory_space<semaphore_mem>>) src(%dma_wait3A_117 : memref<80xi32, #tpu.memory_space<hbm>>) dst(%arg13 : memref<80xi32, #tpu.memory_space<vmem>>)
        tpu.yield
      }) : () -> ()
      %dma_start3A_95 = arith.constant 0 : i32
      %dma_start3A_96 = arith.constant 0 : i32
      %dma_start3A_97 = tpu.memref_slice %arg2[%dma_start3A_95, %dma_start3A_96] : memref<10000x128xf32, #tpu.memory_space<hbm>> -> memref<10000x128xf32, #tpu.memory_space<hbm>>
      tpu.enqueue_indirect_dma source(%dma_start3A_97 : memref<10000x128xf32, #tpu.memory_space<hbm>>) target(%arg17 : memref<80x128xf32, #tpu.memory_space<vmem>>) offsets(%arg9 : memref<80xi32, #tpu.memory_space<vmem>>) semaphore(%arg23 : memref<!tpu.dma_semaphore, #tpu.memory_space<semaphore_mem>>)
      %dma_wait3A_98 = arith.constant 0 : i32
      %dma_wait3A_99 = arith.constant 0 : i32
      %dma_wait3A_100 = tpu.memref_slice %arg2[%dma_wait3A_98, %dma_wait3A_99] : memref<10000x128xf32, #tpu.memory_space<hbm>> -> memref<10000x128xf32, #tpu.memory_space<hbm>>
      tpu.wait_indirect_dma semaphore(%arg24 : memref<!tpu.dma_semaphore, #tpu.memory_space<semaphore_mem>>) src(%dma_wait3A_100 : memref<10000x128xf32, #tpu.memory_space<hbm>>) dst(%arg18 : memref<80x128xf32, #tpu.memory_space<vmem>>)
      "tpu.region"() ({
        %run_scoped3A = tpu.sem_alloc : memref<!tpu.dma_semaphore, #tpu.memory_space<semaphore_mem>>
        %dma_start3A_106 = arith.constant 0 : i32
        %dma_start3A_107 = arith.constant 0 : i32
        %dma_start3A_108 = tpu.memref_slice %arg20[%dma_start3A_106, %dma_start3A_107] : memref<10112x128xf32, #tpu.memory_space<vmem_shared>> -> memref<10112x128xf32, #tpu.memory_space<vmem_shared>>
        tpu.enqueue_indirect_dma source(%arg18 : memref<80x128xf32, #tpu.memory_space<vmem>>) target(%dma_start3A_108 : memref<10112x128xf32, #tpu.memory_space<vmem_shared>>) offsets(%arg14 : memref<80xi32, #tpu.memory_space<vmem>>) semaphore(%run_scoped3A : memref<!tpu.dma_semaphore, #tpu.memory_space<semaphore_mem>>) {add = true}
        %dma_wait3A_109 = arith.constant 0 : i32
        %dma_wait3A_110 = arith.constant 0 : i32
        %dma_wait3A_111 = tpu.memref_slice %arg20[%dma_wait3A_109, %dma_wait3A_110] : memref<10112x128xf32, #tpu.memory_space<vmem_shared>> -> memref<10112x128xf32, #tpu.memory_space<vmem_shared>>
        tpu.wait_indirect_dma semaphore(%run_scoped3A : memref<!tpu.dma_semaphore, #tpu.memory_space<semaphore_mem>>) src(%arg18 : memref<80x128xf32, #tpu.memory_space<vmem>>) dst(%dma_wait3A_111 : memref<10112x128xf32, #tpu.memory_space<vmem_shared>>)
        tpu.yield
      }) : () -> ()
      %add3A_101 = arith.constant 3 : i32
      %add3A_102 = arith.addi %add3A_73, %add3A_101 : i32
      "tpu.region"() ({
        %run_scoped3A = tpu.sem_alloc : memref<!tpu.dma_semaphore, #tpu.memory_space<semaphore_mem>>
        %dma_start3A_106 = arith.constant 0 : i32
        %dma_start3A_107 = tpu.memref_slice %arg3[%add3A_102, %dma_start3A_106] : memref<4000x80xi32, #tpu.memory_space<hbm>> -> memref<1x80xi32, #tpu.memory_space<hbm>>
        %dma_start3A_108 = tpu.memref_squeeze %dma_start3A_107 : memref<1x80xi32, #tpu.memory_space<hbm>> -> memref<80xi32, #tpu.memory_space<hbm>>
        %dma_start3A_109 = arith.constant 0 : i32
        %dma_start3A_110 = tpu.memref_slice %arg3[%add3A_102, %dma_start3A_109] : memref<4000x80xi32, #tpu.memory_space<hbm>> -> memref<1x80xi32, #tpu.memory_space<hbm>>
        %dma_start3A_111 = tpu.memref_squeeze %dma_start3A_110 : memref<1x80xi32, #tpu.memory_space<hbm>> -> memref<80xi32, #tpu.memory_space<hbm>>
        tpu.enqueue_dma source(%dma_start3A_111 : memref<80xi32, #tpu.memory_space<hbm>>) target(%arg10 : memref<80xi32, #tpu.memory_space<vmem>>) target_semaphore(%run_scoped3A : memref<!tpu.dma_semaphore, #tpu.memory_space<semaphore_mem>>)
        %dma_wait3A_112 = arith.constant 0 : i32
        %dma_wait3A_113 = tpu.memref_slice %arg3[%add3A_102, %dma_wait3A_112] : memref<4000x80xi32, #tpu.memory_space<hbm>> -> memref<1x80xi32, #tpu.memory_space<hbm>>
        %dma_wait3A_114 = tpu.memref_squeeze %dma_wait3A_113 : memref<1x80xi32, #tpu.memory_space<hbm>> -> memref<80xi32, #tpu.memory_space<hbm>>
        %dma_wait3A_115 = arith.constant 0 : i32
        %dma_wait3A_116 = tpu.memref_slice %arg3[%add3A_102, %dma_wait3A_115] : memref<4000x80xi32, #tpu.memory_space<hbm>> -> memref<1x80xi32, #tpu.memory_space<hbm>>
        %dma_wait3A_117 = tpu.memref_squeeze %dma_wait3A_116 : memref<1x80xi32, #tpu.memory_space<hbm>> -> memref<80xi32, #tpu.memory_space<hbm>>
        tpu.wait_dma2 semaphore(%run_scoped3A : memref<!tpu.dma_semaphore, #tpu.memory_space<semaphore_mem>>) src(%dma_wait3A_117 : memref<80xi32, #tpu.memory_space<hbm>>) dst(%arg10 : memref<80xi32, #tpu.memory_space<vmem>>)
        tpu.yield
      }) : () -> ()
      "tpu.region"() ({
        %run_scoped3A = tpu.sem_alloc : memref<!tpu.dma_semaphore, #tpu.memory_space<semaphore_mem>>
        %dma_start3A_106 = arith.constant 0 : i32
        %dma_start3A_107 = tpu.memref_slice %arg4[%add3A_102, %dma_start3A_106] : memref<4000x80xi32, #tpu.memory_space<hbm>> -> memref<1x80xi32, #tpu.memory_space<hbm>>
        %dma_start3A_108 = tpu.memref_squeeze %dma_start3A_107 : memref<1x80xi32, #tpu.memory_space<hbm>> -> memref<80xi32, #tpu.memory_space<hbm>>
        %dma_start3A_109 = arith.constant 0 : i32
        %dma_start3A_110 = tpu.memref_slice %arg4[%add3A_102, %dma_start3A_109] : memref<4000x80xi32, #tpu.memory_space<hbm>> -> memref<1x80xi32, #tpu.memory_space<hbm>>
        %dma_start3A_111 = tpu.memref_squeeze %dma_start3A_110 : memref<1x80xi32, #tpu.memory_space<hbm>> -> memref<80xi32, #tpu.memory_space<hbm>>
        tpu.enqueue_dma source(%dma_start3A_111 : memref<80xi32, #tpu.memory_space<hbm>>) target(%arg14 : memref<80xi32, #tpu.memory_space<vmem>>) target_semaphore(%run_scoped3A : memref<!tpu.dma_semaphore, #tpu.memory_space<semaphore_mem>>)
        %dma_wait3A_112 = arith.constant 0 : i32
        %dma_wait3A_113 = tpu.memref_slice %arg4[%add3A_102, %dma_wait3A_112] : memref<4000x80xi32, #tpu.memory_space<hbm>> -> memref<1x80xi32, #tpu.memory_space<hbm>>
        %dma_wait3A_114 = tpu.memref_squeeze %dma_wait3A_113 : memref<1x80xi32, #tpu.memory_space<hbm>> -> memref<80xi32, #tpu.memory_space<hbm>>
        %dma_wait3A_115 = arith.constant 0 : i32
        %dma_wait3A_116 = tpu.memref_slice %arg4[%add3A_102, %dma_wait3A_115] : memref<4000x80xi32, #tpu.memory_space<hbm>> -> memref<1x80xi32, #tpu.memory_space<hbm>>
        %dma_wait3A_117 = tpu.memref_squeeze %dma_wait3A_116 : memref<1x80xi32, #tpu.memory_space<hbm>> -> memref<80xi32, #tpu.memory_space<hbm>>
        tpu.wait_dma2 semaphore(%run_scoped3A : memref<!tpu.dma_semaphore, #tpu.memory_space<semaphore_mem>>) src(%dma_wait3A_117 : memref<80xi32, #tpu.memory_space<hbm>>) dst(%arg14 : memref<80xi32, #tpu.memory_space<vmem>>)
        tpu.yield
      }) : () -> ()
      %dma_start3A_103 = arith.constant 0 : i32
      %dma_start3A_104 = arith.constant 0 : i32
      %dma_start3A_105 = tpu.memref_slice %arg2[%dma_start3A_103, %dma_start3A_104] : memref<10000x128xf32, #tpu.memory_space<hbm>> -> memref<10000x128xf32, #tpu.memory_space<hbm>>
      tpu.enqueue_indirect_dma source(%dma_start3A_105 : memref<10000x128xf32, #tpu.memory_space<hbm>>) target(%arg18 : memref<80x128xf32, #tpu.memory_space<vmem>>) offsets(%arg10 : memref<80xi32, #tpu.memory_space<vmem>>) semaphore(%arg24 : memref<!tpu.dma_semaphore, #tpu.memory_space<semaphore_mem>>)
    }
    %scan3A_40 = arith.constant 30 : i32
    %dma_wait3A = arith.constant 0 : i32
    %dma_wait3A_41 = arith.constant 0 : i32
    %dma_wait3A_42 = tpu.memref_slice %arg2[%dma_wait3A, %dma_wait3A_41] : memref<10000x128xf32, #tpu.memory_space<hbm>> -> memref<10000x128xf32, #tpu.memory_space<hbm>>
    tpu.wait_indirect_dma semaphore(%arg21 : memref<!tpu.dma_semaphore, #tpu.memory_space<semaphore_mem>>) src(%dma_wait3A_42 : memref<10000x128xf32, #tpu.memory_space<hbm>>) dst(%arg15 : memref<80x128xf32, #tpu.memory_space<vmem>>)
    "tpu.region"() ({
      %run_scoped3A = tpu.sem_alloc : memref<!tpu.dma_semaphore, #tpu.memory_space<semaphore_mem>>
      %dma_start3A_68 = arith.constant 0 : i32
      %dma_start3A_69 = arith.constant 0 : i32
      %dma_start3A_70 = tpu.memref_slice %arg20[%dma_start3A_68, %dma_start3A_69] : memref<10112x128xf32, #tpu.memory_space<vmem_shared>> -> memref<10112x128xf32, #tpu.memory_space<vmem_shared>>
      tpu.enqueue_indirect_dma source(%arg15 : memref<80x128xf32, #tpu.memory_space<vmem>>) target(%dma_start3A_70 : memref<10112x128xf32, #tpu.memory_space<vmem_shared>>) offsets(%arg11 : memref<80xi32, #tpu.memory_space<vmem>>) semaphore(%run_scoped3A : memref<!tpu.dma_semaphore, #tpu.memory_space<semaphore_mem>>) {add = true}
      %dma_wait3A_71 = arith.constant 0 : i32
      %dma_wait3A_72 = arith.constant 0 : i32
      %dma_wait3A_73 = tpu.memref_slice %arg20[%dma_wait3A_71, %dma_wait3A_72] : memref<10112x128xf32, #tpu.memory_space<vmem_shared>> -> memref<10112x128xf32, #tpu.memory_space<vmem_shared>>
      tpu.wait_indirect_dma semaphore(%run_scoped3A : memref<!tpu.dma_semaphore, #tpu.memory_space<semaphore_mem>>) src(%arg15 : memref<80x128xf32, #tpu.memory_space<vmem>>) dst(%dma_wait3A_73 : memref<10112x128xf32, #tpu.memory_space<vmem_shared>>)
      tpu.yield
    }) : () -> ()
    %dma_wait3A_43 = arith.constant 0 : i32
    %dma_wait3A_44 = arith.constant 0 : i32
    %dma_wait3A_45 = tpu.memref_slice %arg2[%dma_wait3A_43, %dma_wait3A_44] : memref<10000x128xf32, #tpu.memory_space<hbm>> -> memref<10000x128xf32, #tpu.memory_space<hbm>>
    tpu.wait_indirect_dma semaphore(%arg22 : memref<!tpu.dma_semaphore, #tpu.memory_space<semaphore_mem>>) src(%dma_wait3A_45 : memref<10000x128xf32, #tpu.memory_space<hbm>>) dst(%arg16 : memref<80x128xf32, #tpu.memory_space<vmem>>)
    "tpu.region"() ({
      %run_scoped3A = tpu.sem_alloc : memref<!tpu.dma_semaphore, #tpu.memory_space<semaphore_mem>>
      %dma_start3A_68 = arith.constant 0 : i32
      %dma_start3A_69 = arith.constant 0 : i32
      %dma_start3A_70 = tpu.memref_slice %arg20[%dma_start3A_68, %dma_start3A_69] : memref<10112x128xf32, #tpu.memory_space<vmem_shared>> -> memref<10112x128xf32, #tpu.memory_space<vmem_shared>>
      tpu.enqueue_indirect_dma source(%arg16 : memref<80x128xf32, #tpu.memory_space<vmem>>) target(%dma_start3A_70 : memref<10112x128xf32, #tpu.memory_space<vmem_shared>>) offsets(%arg12 : memref<80xi32, #tpu.memory_space<vmem>>) semaphore(%run_scoped3A : memref<!tpu.dma_semaphore, #tpu.memory_space<semaphore_mem>>) {add = true}
      %dma_wait3A_71 = arith.constant 0 : i32
      %dma_wait3A_72 = arith.constant 0 : i32
      %dma_wait3A_73 = tpu.memref_slice %arg20[%dma_wait3A_71, %dma_wait3A_72] : memref<10112x128xf32, #tpu.memory_space<vmem_shared>> -> memref<10112x128xf32, #tpu.memory_space<vmem_shared>>
      tpu.wait_indirect_dma semaphore(%run_scoped3A : memref<!tpu.dma_semaphore, #tpu.memory_space<semaphore_mem>>) src(%arg16 : memref<80x128xf32, #tpu.memory_space<vmem>>) dst(%dma_wait3A_73 : memref<10112x128xf32, #tpu.memory_space<vmem_shared>>)
      tpu.yield
    }) : () -> ()
    %dma_wait3A_46 = arith.constant 0 : i32
    %dma_wait3A_47 = arith.constant 0 : i32
    %dma_wait3A_48 = tpu.memref_slice %arg2[%dma_wait3A_46, %dma_wait3A_47] : memref<10000x128xf32, #tpu.memory_space<hbm>> -> memref<10000x128xf32, #tpu.memory_space<hbm>>
    tpu.wait_indirect_dma semaphore(%arg23 : memref<!tpu.dma_semaphore, #tpu.memory_space<semaphore_mem>>) src(%dma_wait3A_48 : memref<10000x128xf32, #tpu.memory_space<hbm>>) dst(%arg17 : memref<80x128xf32, #tpu.memory_space<vmem>>)
    "tpu.region"() ({
      %run_scoped3A = tpu.sem_alloc : memref<!tpu.dma_semaphore, #tpu.memory_space<semaphore_mem>>
      %dma_start3A_68 = arith.constant 0 : i32
      %dma_start3A_69 = arith.constant 0 : i32
      %dma_start3A_70 = tpu.memref_slice %arg20[%dma_start3A_68, %dma_start3A_69] : memref<10112x128xf32, #tpu.memory_space<vmem_shared>> -> memref<10112x128xf32, #tpu.memory_space<vmem_shared>>
      tpu.enqueue_indirect_dma source(%arg17 : memref<80x128xf32, #tpu.memory_space<vmem>>) target(%dma_start3A_70 : memref<10112x128xf32, #tpu.memory_space<vmem_shared>>) offsets(%arg13 : memref<80xi32, #tpu.memory_space<vmem>>) semaphore(%run_scoped3A : memref<!tpu.dma_semaphore, #tpu.memory_space<semaphore_mem>>) {add = true}
      %dma_wait3A_71 = arith.constant 0 : i32
      %dma_wait3A_72 = arith.constant 0 : i32
      %dma_wait3A_73 = tpu.memref_slice %arg20[%dma_wait3A_71, %dma_wait3A_72] : memref<10112x128xf32, #tpu.memory_space<vmem_shared>> -> memref<10112x128xf32, #tpu.memory_space<vmem_shared>>
      tpu.wait_indirect_dma semaphore(%run_scoped3A : memref<!tpu.dma_semaphore, #tpu.memory_space<semaphore_mem>>) src(%arg17 : memref<80x128xf32, #tpu.memory_space<vmem>>) dst(%dma_wait3A_73 : memref<10112x128xf32, #tpu.memory_space<vmem_shared>>)
      tpu.yield
    }) : () -> ()
    %dma_wait3A_49 = arith.constant 0 : i32
    %dma_wait3A_50 = arith.constant 0 : i32
    %dma_wait3A_51 = tpu.memref_slice %arg2[%dma_wait3A_49, %dma_wait3A_50] : memref<10000x128xf32, #tpu.memory_space<hbm>> -> memref<10000x128xf32, #tpu.memory_space<hbm>>
    tpu.wait_indirect_dma semaphore(%arg24 : memref<!tpu.dma_semaphore, #tpu.memory_space<semaphore_mem>>) src(%dma_wait3A_51 : memref<10000x128xf32, #tpu.memory_space<hbm>>) dst(%arg18 : memref<80x128xf32, #tpu.memory_space<vmem>>)
    "tpu.region"() ({
      %run_scoped3A = tpu.sem_alloc : memref<!tpu.dma_semaphore, #tpu.memory_space<semaphore_mem>>
      %dma_start3A_68 = arith.constant 0 : i32
      %dma_start3A_69 = arith.constant 0 : i32
      %dma_start3A_70 = tpu.memref_slice %arg20[%dma_start3A_68, %dma_start3A_69] : memref<10112x128xf32, #tpu.memory_space<vmem_shared>> -> memref<10112x128xf32, #tpu.memory_space<vmem_shared>>
      tpu.enqueue_indirect_dma source(%arg18 : memref<80x128xf32, #tpu.memory_space<vmem>>) target(%dma_start3A_70 : memref<10112x128xf32, #tpu.memory_space<vmem_shared>>) offsets(%arg14 : memref<80xi32, #tpu.memory_space<vmem>>) semaphore(%run_scoped3A : memref<!tpu.dma_semaphore, #tpu.memory_space<semaphore_mem>>) {add = true}
      %dma_wait3A_71 = arith.constant 0 : i32
      %dma_wait3A_72 = arith.constant 0 : i32
      %dma_wait3A_73 = tpu.memref_slice %arg20[%dma_wait3A_71, %dma_wait3A_72] : memref<10112x128xf32, #tpu.memory_space<vmem_shared>> -> memref<10112x128xf32, #tpu.memory_space<vmem_shared>>
      tpu.wait_indirect_dma semaphore(%run_scoped3A : memref<!tpu.dma_semaphore, #tpu.memory_space<semaphore_mem>>) src(%arg18 : memref<80x128xf32, #tpu.memory_space<vmem>>) dst(%dma_wait3A_73 : memref<10112x128xf32, #tpu.memory_space<vmem_shared>>)
      tpu.yield
    }) : () -> ()
    %mul3A_52 = arith.constant 125 : i32
    %mul3A_53 = arith.muli %add3A, %mul3A_52 : i32
    %add3A_54 = arith.constant 124 : i32
    %add3A_55 = arith.addi %mul3A_53, %add3A_54 : i32
    %add3A_56 = arith.constant 0 : i32
    %add3A_57 = arith.addi %add3A_55, %add3A_56 : i32
    "tpu.region"() ({
      %run_scoped3A = tpu.sem_alloc : memref<!tpu.dma_semaphore, #tpu.memory_space<semaphore_mem>>
      %dma_start3A_68 = arith.constant 0 : i32
      %dma_start3A_69 = tpu.memref_slice %arg3[%add3A_57, %dma_start3A_68] : memref<4000x80xi32, #tpu.memory_space<hbm>> -> memref<1x80xi32, #tpu.memory_space<hbm>>
      %dma_start3A_70 = tpu.memref_squeeze %dma_start3A_69 : memref<1x80xi32, #tpu.memory_space<hbm>> -> memref<80xi32, #tpu.memory_space<hbm>>
      %dma_start3A_71 = arith.constant 0 : i32
      %dma_start3A_72 = tpu.memref_slice %arg3[%add3A_57, %dma_start3A_71] : memref<4000x80xi32, #tpu.memory_space<hbm>> -> memref<1x80xi32, #tpu.memory_space<hbm>>
      %dma_start3A_73 = tpu.memref_squeeze %dma_start3A_72 : memref<1x80xi32, #tpu.memory_space<hbm>> -> memref<80xi32, #tpu.memory_space<hbm>>
      tpu.enqueue_dma source(%dma_start3A_73 : memref<80xi32, #tpu.memory_space<hbm>>) target(%arg7 : memref<80xi32, #tpu.memory_space<vmem>>) target_semaphore(%run_scoped3A : memref<!tpu.dma_semaphore, #tpu.memory_space<semaphore_mem>>)
      %dma_wait3A_74 = arith.constant 0 : i32
      %dma_wait3A_75 = tpu.memref_slice %arg3[%add3A_57, %dma_wait3A_74] : memref<4000x80xi32, #tpu.memory_space<hbm>> -> memref<1x80xi32, #tpu.memory_space<hbm>>
      %dma_wait3A_76 = tpu.memref_squeeze %dma_wait3A_75 : memref<1x80xi32, #tpu.memory_space<hbm>> -> memref<80xi32, #tpu.memory_space<hbm>>
      %dma_wait3A_77 = arith.constant 0 : i32
      %dma_wait3A_78 = tpu.memref_slice %arg3[%add3A_57, %dma_wait3A_77] : memref<4000x80xi32, #tpu.memory_space<hbm>> -> memref<1x80xi32, #tpu.memory_space<hbm>>
      %dma_wait3A_79 = tpu.memref_squeeze %dma_wait3A_78 : memref<1x80xi32, #tpu.memory_space<hbm>> -> memref<80xi32, #tpu.memory_space<hbm>>
      tpu.wait_dma2 semaphore(%run_scoped3A : memref<!tpu.dma_semaphore, #tpu.memory_space<semaphore_mem>>) src(%dma_wait3A_79 : memref<80xi32, #tpu.memory_space<hbm>>) dst(%arg7 : memref<80xi32, #tpu.memory_space<vmem>>)
      tpu.yield
    }) : () -> ()
    "tpu.region"() ({
      %run_scoped3A = tpu.sem_alloc : memref<!tpu.dma_semaphore, #tpu.memory_space<semaphore_mem>>
      %dma_start3A_68 = arith.constant 0 : i32
      %dma_start3A_69 = tpu.memref_slice %arg4[%add3A_57, %dma_start3A_68] : memref<4000x80xi32, #tpu.memory_space<hbm>> -> memref<1x80xi32, #tpu.memory_space<hbm>>
      %dma_start3A_70 = tpu.memref_squeeze %dma_start3A_69 : memref<1x80xi32, #tpu.memory_space<hbm>> -> memref<80xi32, #tpu.memory_space<hbm>>
      %dma_start3A_71 = arith.constant 0 : i32
      %dma_start3A_72 = tpu.memref_slice %arg4[%add3A_57, %dma_start3A_71] : memref<4000x80xi32, #tpu.memory_space<hbm>> -> memref<1x80xi32, #tpu.memory_space<hbm>>
      %dma_start3A_73 = tpu.memref_squeeze %dma_start3A_72 : memref<1x80xi32, #tpu.memory_space<hbm>> -> memref<80xi32, #tpu.memory_space<hbm>>
      tpu.enqueue_dma source(%dma_start3A_73 : memref<80xi32, #tpu.memory_space<hbm>>) target(%arg11 : memref<80xi32, #tpu.memory_space<vmem>>) target_semaphore(%run_scoped3A : memref<!tpu.dma_semaphore, #tpu.memory_space<semaphore_mem>>)
      %dma_wait3A_74 = arith.constant 0 : i32
      %dma_wait3A_75 = tpu.memref_slice %arg4[%add3A_57, %dma_wait3A_74] : memref<4000x80xi32, #tpu.memory_space<hbm>> -> memref<1x80xi32, #tpu.memory_space<hbm>>
      %dma_wait3A_76 = tpu.memref_squeeze %dma_wait3A_75 : memref<1x80xi32, #tpu.memory_space<hbm>> -> memref<80xi32, #tpu.memory_space<hbm>>
      %dma_wait3A_77 = arith.constant 0 : i32
      %dma_wait3A_78 = tpu.memref_slice %arg4[%add3A_57, %dma_wait3A_77] : memref<4000x80xi32, #tpu.memory_space<hbm>> -> memref<1x80xi32, #tpu.memory_space<hbm>>
      %dma_wait3A_79 = tpu.memref_squeeze %dma_wait3A_78 : memref<1x80xi32, #tpu.memory_space<hbm>> -> memref<80xi32, #tpu.memory_space<hbm>>
      tpu.wait_dma2 semaphore(%run_scoped3A : memref<!tpu.dma_semaphore, #tpu.memory_space<semaphore_mem>>) src(%dma_wait3A_79 : memref<80xi32, #tpu.memory_space<hbm>>) dst(%arg11 : memref<80xi32, #tpu.memory_space<vmem>>)
      tpu.yield
    }) : () -> ()
    %dma_start3A_58 = arith.constant 0 : i32
    %dma_start3A_59 = arith.constant 0 : i32
    %dma_start3A_60 = tpu.memref_slice %arg2[%dma_start3A_58, %dma_start3A_59] : memref<10000x128xf32, #tpu.memory_space<hbm>> -> memref<10000x128xf32, #tpu.memory_space<hbm>>
    tpu.enqueue_indirect_dma source(%dma_start3A_60 : memref<10000x128xf32, #tpu.memory_space<hbm>>) target(%arg15 : memref<80x128xf32, #tpu.memory_space<vmem>>) offsets(%arg7 : memref<80xi32, #tpu.memory_space<vmem>>) semaphore(%arg21 : memref<!tpu.dma_semaphore, #tpu.memory_space<semaphore_mem>>)
    %dma_wait3A_61 = arith.constant 0 : i32
    %dma_wait3A_62 = arith.constant 0 : i32
    %dma_wait3A_63 = tpu.memref_slice %arg2[%dma_wait3A_61, %dma_wait3A_62] : memref<10000x128xf32, #tpu.memory_space<hbm>> -> memref<10000x128xf32, #tpu.memory_space<hbm>>
    tpu.wait_indirect_dma semaphore(%arg21 : memref<!tpu.dma_semaphore, #tpu.memory_space<semaphore_mem>>) src(%dma_wait3A_63 : memref<10000x128xf32, #tpu.memory_space<hbm>>) dst(%arg15 : memref<80x128xf32, #tpu.memory_space<vmem>>)
    "tpu.region"() ({
      %run_scoped3A = tpu.sem_alloc : memref<!tpu.dma_semaphore, #tpu.memory_space<semaphore_mem>>
      %dma_start3A_68 = arith.constant 0 : i32
      %dma_start3A_69 = arith.constant 0 : i32
      %dma_start3A_70 = tpu.memref_slice %arg20[%dma_start3A_68, %dma_start3A_69] : memref<10112x128xf32, #tpu.memory_space<vmem_shared>> -> memref<10112x128xf32, #tpu.memory_space<vmem_shared>>
      tpu.enqueue_indirect_dma source(%arg15 : memref<80x128xf32, #tpu.memory_space<vmem>>) target(%dma_start3A_70 : memref<10112x128xf32, #tpu.memory_space<vmem_shared>>) offsets(%arg11 : memref<80xi32, #tpu.memory_space<vmem>>) semaphore(%run_scoped3A : memref<!tpu.dma_semaphore, #tpu.memory_space<semaphore_mem>>) {add = true}
      %dma_wait3A_71 = arith.constant 0 : i32
      %dma_wait3A_72 = arith.constant 0 : i32
      %dma_wait3A_73 = tpu.memref_slice %arg20[%dma_wait3A_71, %dma_wait3A_72] : memref<10112x128xf32, #tpu.memory_space<vmem_shared>> -> memref<10112x128xf32, #tpu.memory_space<vmem_shared>>
      tpu.wait_indirect_dma semaphore(%run_scoped3A : memref<!tpu.dma_semaphore, #tpu.memory_space<semaphore_mem>>) src(%arg15 : memref<80x128xf32, #tpu.memory_space<vmem>>) dst(%dma_wait3A_73 : memref<10112x128xf32, #tpu.memory_space<vmem_shared>>)
      tpu.yield
    }) : () -> ()
    %barrier3A_64 = arith.constant 0 : index
    tpu.barrier barrier_id(%barrier3A_64)
    %mul3A_65 = arith.constant 10112 : i32
    %mul3A_66 = arith.muli %arg0, %mul3A_65 : i32
    %add3A_67 = arith.addi %mul3A_66, %mul3A_2 : i32
    "tpu.region"() ({
      %run_scoped3A = tpu.sem_alloc : memref<!tpu.dma_semaphore, #tpu.memory_space<semaphore_mem>>
      %dma_start3A_68 = arith.constant 0 : i32
      %dma_start3A_69 = tpu.memref_slice %arg6[%add3A_67, %dma_start3A_68] : memref<20224x128xf32, #tpu.memory_space<hbm>> -> memref<632x128xf32, #tpu.memory_space<hbm>>
      %dma_start3A_70 = arith.constant 0 : i32
      %dma_start3A_71 = tpu.memref_slice %arg20[%mul3A_2, %dma_start3A_70] : memref<10112x128xf32, #tpu.memory_space<vmem_shared>> -> memref<632x128xf32, #tpu.memory_space<vmem_shared>>
      tpu.enqueue_dma source(%dma_start3A_71 : memref<632x128xf32, #tpu.memory_space<vmem_shared>>) target(%dma_start3A_69 : memref<632x128xf32, #tpu.memory_space<hbm>>) target_semaphore(%run_scoped3A : memref<!tpu.dma_semaphore, #tpu.memory_space<semaphore_mem>>)
      %dma_wait3A_72 = arith.constant 0 : i32
      %dma_wait3A_73 = tpu.memref_slice %arg6[%add3A_67, %dma_wait3A_72] : memref<20224x128xf32, #tpu.memory_space<hbm>> -> memref<632x128xf32, #tpu.memory_space<hbm>>
      %dma_wait3A_74 = arith.constant 0 : i32
      %dma_wait3A_75 = tpu.memref_slice %arg20[%mul3A_2, %dma_wait3A_74] : memref<10112x128xf32, #tpu.memory_space<vmem_shared>> -> memref<632x128xf32, #tpu.memory_space<vmem_shared>>
      tpu.wait_dma2 semaphore(%run_scoped3A : memref<!tpu.dma_semaphore, #tpu.memory_space<semaphore_mem>>) src(%dma_wait3A_75 : memref<632x128xf32, #tpu.memory_space<vmem_shared>>) dst(%dma_wait3A_73 : memref<632x128xf32, #tpu.memory_space<hbm>>)
      tpu.yield
    }) : () -> ()
    return
  }
}

#map = affine_map<(d0, d1) -> (0, 0)>
module attributes {stable_mosaic.version = 14 : i64} {
  func.func @body(%arg0: i32, %arg1: i32, %arg2: memref<10000x128xf32, #tpu.memory_space<hbm>>, %arg3: memref<4000x80xi32, #tpu.memory_space<hbm>>, %arg4: memref<4000x80xi32, #tpu.memory_space<hbm>>, %arg5: memref<8x128xf32, #tpu.memory_space<hbm>>, %arg6: memref<20224x128xf32, #tpu.memory_space<hbm>>, %arg7: memref<80xi32, #tpu.memory_space<vmem>>, %arg8: memref<80xi32, #tpu.memory_space<vmem>>, %arg9: memref<80xi32, #tpu.memory_space<vmem>>, %arg10: memref<80xi32, #tpu.memory_space<vmem>>, %arg11: memref<80xi32, #tpu.memory_space<vmem>>, %arg12: memref<80xi32, #tpu.memory_space<vmem>>, %arg13: memref<80xi32, #tpu.memory_space<vmem>>, %arg14: memref<80xi32, #tpu.memory_space<vmem>>, %arg15: memref<80x128xf32, #tpu.memory_space<vmem>>, %arg16: memref<80x128xf32, #tpu.memory_space<vmem>>, %arg17: memref<80x128xf32, #tpu.memory_space<vmem>>, %arg18: memref<80x128xf32, #tpu.memory_space<vmem>>, %arg19: memref<8x128xf32, #tpu.memory_space<vmem>>, %arg20: memref<10112x128xf32, #tpu.memory_space<vmem_shared>>, %arg21: memref<!tpu.dma_semaphore, #tpu.memory_space<semaphore_mem>>, %arg22: memref<!tpu.dma_semaphore, #tpu.memory_space<semaphore_mem>>, %arg23: memref<!tpu.dma_semaphore, #tpu.memory_space<semaphore_mem>>, %arg24: memref<!tpu.dma_semaphore, #tpu.memory_space<semaphore_mem>>) attributes {dimension_semantics = [#tpu.dimension_semantics<core_parallel>, #tpu.dimension_semantics<subcore_parallel>], iteration_bounds = array<i64: 2, 16>, scalar_prefetch = 0 : i64, scratch_operands = 18 : i64, tpu.core_type = #tpu.core_type<sc_vector_subcore>, window_params = [{transform_indices = #map}, {transform_indices = #map}, {transform_indices = #map}, {transform_indices = #map}, {transform_indices = #map}]} {
    %mul3A = arith.constant 16 : i32
    %mul3A_0 = arith.muli %arg0, %mul3A : i32
    %add3A = arith.addi %mul3A_0, %arg1 : i32
    %mul3A_1 = arith.constant 632 : i32
    %mul3A_2 = arith.muli %arg1, %mul3A_1 : i32
    "tpu.region"() ({
      %run_scoped3A = tpu.sem_alloc : memref<!tpu.dma_semaphore, #tpu.memory_space<semaphore_mem>>
      tpu.enqueue_dma source(%arg5 : memref<8x128xf32, #tpu.memory_space<hbm>>) target(%arg19 : memref<8x128xf32, #tpu.memory_space<vmem>>) target_semaphore(%run_scoped3A : memref<!tpu.dma_semaphore, #tpu.memory_space<semaphore_mem>>)
      tpu.wait_dma2 semaphore(%run_scoped3A : memref<!tpu.dma_semaphore, #tpu.memory_space<semaphore_mem>>) src(%arg5 : memref<8x128xf32, #tpu.memory_space<hbm>>) dst(%arg19 : memref<8x128xf32, #tpu.memory_space<vmem>>)
      tpu.yield
    }) : () -> ()
    %scan3A = arith.constant 0 : i32
    %scan3A_3 = arith.constant 0 : i32
    %scan3A_4 = arith.constant 79 : i32
    %scan3A_5 = arith.addi %scan3A_3, %scan3A_4 : i32
    %scan3A_6 = arith.constant 1 : i32
    scf.for %scan3A_68 = %scan3A_3 to %scan3A_5 step %scan3A_6  : i32 {
      %mul3A_69 = arith.constant 8 : i32
      %mul3A_70 = arith.muli %scan3A_68, %mul3A_69 : i32
      %add3A_71 = arith.addi %mul3A_2, %mul3A_70 : i32
      "tpu.region"() ({
        %run_scoped3A = tpu.sem_alloc : memref<!tpu.dma_semaphore, #tpu.memory_space<semaphore_mem>>
        %dma_start3A_72 = arith.constant 0 : i32
        %dma_start3A_73 = tpu.memref_slice %arg20[%add3A_71, %dma_start3A_72] : memref<10112x128xf32, #tpu.memory_space<vmem_shared>> -> memref<8x128xf32, #tpu.memory_space<vmem_shared>>
        %dma_start3A_74 = arith.constant 0 : i32
        %dma_start3A_75 = tpu.memref_slice %arg20[%add3A_71, %dma_start3A_74] : memref<10112x128xf32, #tpu.memory_space<vmem_shared>> -> memref<8x128xf32, #tpu.memory_space<vmem_shared>>
        tpu.enqueue_dma source(%arg19 : memref<8x128xf32, #tpu.memory_space<vmem>>) target(%dma_start3A_75 : memref<8x128xf32, #tpu.memory_space<vmem_shared>>) target_semaphore(%run_scoped3A : memref<!tpu.dma_semaphore, #tpu.memory_space<semaphore_mem>>)
        %dma_wait3A_76 = arith.constant 0 : i32
        %dma_wait3A_77 = tpu.memref_slice %arg20[%add3A_71, %dma_wait3A_76] : memref<10112x128xf32, #tpu.memory_space<vmem_shared>> -> memref<8x128xf32, #tpu.memory_space<vmem_shared>>
        %dma_wait3A_78 = arith.constant 0 : i32
        %dma_wait3A_79 = tpu.memref_slice %arg20[%add3A_71, %dma_wait3A_78] : memref<10112x128xf32, #tpu.memory_space<vmem_shared>> -> memref<8x128xf32, #tpu.memory_space<vmem_shared>>
        tpu.wait_dma2 semaphore(%run_scoped3A : memref<!tpu.dma_semaphore, #tpu.memory_space<semaphore_mem>>) src(%arg19 : memref<8x128xf32, #tpu.memory_space<vmem>>) dst(%dma_wait3A_79 : memref<8x128xf32, #tpu.memory_space<vmem_shared>>)
        tpu.yield
      }) : () -> ()
    }
    %scan3A_7 = arith.constant 79 : i32
    %barrier3A = arith.constant 0 : index
    tpu.barrier barrier_id(%barrier3A)
    %mul3A_8 = arith.constant 125 : i32
    %mul3A_9 = arith.muli %add3A, %mul3A_8 : i32
    %add3A_10 = arith.constant 0 : i32
    %add3A_11 = arith.addi %mul3A_9, %add3A_10 : i32
    "tpu.region"() ({
      %run_scoped3A = tpu.sem_alloc : memref<!tpu.dma_semaphore, #tpu.memory_space<semaphore_mem>>
      %dma_start3A_68 = arith.constant 0 : i32
      %dma_start3A_69 = tpu.memref_slice %arg3[%add3A_11, %dma_start3A_68] : memref<4000x80xi32, #tpu.memory_space<hbm>> -> memref<1x80xi32, #tpu.memory_space<hbm>>
      %dma_start3A_70 = tpu.memref_squeeze %dma_start3A_69 : memref<1x80xi32, #tpu.memory_space<hbm>> -> memref<80xi32, #tpu.memory_space<hbm>>
      %dma_start3A_71 = arith.constant 0 : i32
      %dma_start3A_72 = tpu.memref_slice %arg3[%add3A_11, %dma_start3A_71] : memref<4000x80xi32, #tpu.memory_space<hbm>> -> memref<1x80xi32, #tpu.memory_space<hbm>>
      %dma_start3A_73 = tpu.memref_squeeze %dma_start3A_72 : memref<1x80xi32, #tpu.memory_space<hbm>> -> memref<80xi32, #tpu.memory_space<hbm>>
      tpu.enqueue_dma source(%dma_start3A_73 : memref<80xi32, #tpu.memory_space<hbm>>) target(%arg7 : memref<80xi32, #tpu.memory_space<vmem>>) target_semaphore(%run_scoped3A : memref<!tpu.dma_semaphore, #tpu.memory_space<semaphore_mem>>)
      %dma_wait3A_74 = arith.constant 0 : i32
      %dma_wait3A_75 = tpu.memref_slice %arg3[%add3A_11, %dma_wait3A_74] : memref<4000x80xi32, #tpu.memory_space<hbm>> -> memref<1x80xi32, #tpu.memory_space<hbm>>
      %dma_wait3A_76 = tpu.memref_squeeze %dma_wait3A_75 : memref<1x80xi32, #tpu.memory_space<hbm>> -> memref<80xi32, #tpu.memory_space<hbm>>
      %dma_wait3A_77 = arith.constant 0 : i32
      %dma_wait3A_78 = tpu.memref_slice %arg3[%add3A_11, %dma_wait3A_77] : memref<4000x80xi32, #tpu.memory_space<hbm>> -> memref<1x80xi32, #tpu.memory_space<hbm>>
      %dma_wait3A_79 = tpu.memref_squeeze %dma_wait3A_78 : memref<1x80xi32, #tpu.memory_space<hbm>> -> memref<80xi32, #tpu.memory_space<hbm>>
      tpu.wait_dma2 semaphore(%run_scoped3A : memref<!tpu.dma_semaphore, #tpu.memory_space<semaphore_mem>>) src(%dma_wait3A_79 : memref<80xi32, #tpu.memory_space<hbm>>) dst(%arg7 : memref<80xi32, #tpu.memory_space<vmem>>)
      tpu.yield
    }) : () -> ()
    "tpu.region"() ({
      %run_scoped3A = tpu.sem_alloc : memref<!tpu.dma_semaphore, #tpu.memory_space<semaphore_mem>>
      %dma_start3A_68 = arith.constant 0 : i32
      %dma_start3A_69 = tpu.memref_slice %arg4[%add3A_11, %dma_start3A_68] : memref<4000x80xi32, #tpu.memory_space<hbm>> -> memref<1x80xi32, #tpu.memory_space<hbm>>
      %dma_start3A_70 = tpu.memref_squeeze %dma_start3A_69 : memref<1x80xi32, #tpu.memory_space<hbm>> -> memref<80xi32, #tpu.memory_space<hbm>>
      %dma_start3A_71 = arith.constant 0 : i32
      %dma_start3A_72 = tpu.memref_slice %arg4[%add3A_11, %dma_start3A_71] : memref<4000x80xi32, #tpu.memory_space<hbm>> -> memref<1x80xi32, #tpu.memory_space<hbm>>
      %dma_start3A_73 = tpu.memref_squeeze %dma_start3A_72 : memref<1x80xi32, #tpu.memory_space<hbm>> -> memref<80xi32, #tpu.memory_space<hbm>>
      tpu.enqueue_dma source(%dma_start3A_73 : memref<80xi32, #tpu.memory_space<hbm>>) target(%arg11 : memref<80xi32, #tpu.memory_space<vmem>>) target_semaphore(%run_scoped3A : memref<!tpu.dma_semaphore, #tpu.memory_space<semaphore_mem>>)
      %dma_wait3A_74 = arith.constant 0 : i32
      %dma_wait3A_75 = tpu.memref_slice %arg4[%add3A_11, %dma_wait3A_74] : memref<4000x80xi32, #tpu.memory_space<hbm>> -> memref<1x80xi32, #tpu.memory_space<hbm>>
      %dma_wait3A_76 = tpu.memref_squeeze %dma_wait3A_75 : memref<1x80xi32, #tpu.memory_space<hbm>> -> memref<80xi32, #tpu.memory_space<hbm>>
      %dma_wait3A_77 = arith.constant 0 : i32
      %dma_wait3A_78 = tpu.memref_slice %arg4[%add3A_11, %dma_wait3A_77] : memref<4000x80xi32, #tpu.memory_space<hbm>> -> memref<1x80xi32, #tpu.memory_space<hbm>>
      %dma_wait3A_79 = tpu.memref_squeeze %dma_wait3A_78 : memref<1x80xi32, #tpu.memory_space<hbm>> -> memref<80xi32, #tpu.memory_space<hbm>>
      tpu.wait_dma2 semaphore(%run_scoped3A : memref<!tpu.dma_semaphore, #tpu.memory_space<semaphore_mem>>) src(%dma_wait3A_79 : memref<80xi32, #tpu.memory_space<hbm>>) dst(%arg11 : memref<80xi32, #tpu.memory_space<vmem>>)
      tpu.yield
    }) : () -> ()
    %dma_start3A = arith.constant 0 : i32
    %dma_start3A_12 = arith.constant 0 : i32
    %dma_start3A_13 = tpu.memref_slice %arg2[%dma_start3A, %dma_start3A_12] : memref<10000x128xf32, #tpu.memory_space<hbm>> -> memref<10000x128xf32, #tpu.memory_space<hbm>>
    tpu.enqueue_indirect_dma source(%dma_start3A_13 : memref<10000x128xf32, #tpu.memory_space<hbm>>) target(%arg15 : memref<80x128xf32, #tpu.memory_space<vmem>>) offsets(%arg7 : memref<80xi32, #tpu.memory_space<vmem>>) semaphore(%arg21 : memref<!tpu.dma_semaphore, #tpu.memory_space<semaphore_mem>>)
    %mul3A_14 = arith.constant 125 : i32
    %mul3A_15 = arith.muli %add3A, %mul3A_14 : i32
    %add3A_16 = arith.constant 1 : i32
    %add3A_17 = arith.addi %mul3A_15, %add3A_16 : i32
    "tpu.region"() ({
      %run_scoped3A = tpu.sem_alloc : memref<!tpu.dma_semaphore, #tpu.memory_space<semaphore_mem>>
      %dma_start3A_68 = arith.constant 0 : i32
      %dma_start3A_69 = tpu.memref_slice %arg3[%add3A_17, %dma_start3A_68] : memref<4000x80xi32, #tpu.memory_space<hbm>> -> memref<1x80xi32, #tpu.memory_space<hbm>>
      %dma_start3A_70 = tpu.memref_squeeze %dma_start3A_69 : memref<1x80xi32, #tpu.memory_space<hbm>> -> memref<80xi32, #tpu.memory_space<hbm>>
      %dma_start3A_71 = arith.constant 0 : i32
      %dma_start3A_72 = tpu.memref_slice %arg3[%add3A_17, %dma_start3A_71] : memref<4000x80xi32, #tpu.memory_space<hbm>> -> memref<1x80xi32, #tpu.memory_space<hbm>>
      %dma_start3A_73 = tpu.memref_squeeze %dma_start3A_72 : memref<1x80xi32, #tpu.memory_space<hbm>> -> memref<80xi32, #tpu.memory_space<hbm>>
      tpu.enqueue_dma source(%dma_start3A_73 : memref<80xi32, #tpu.memory_space<hbm>>) target(%arg8 : memref<80xi32, #tpu.memory_space<vmem>>) target_semaphore(%run_scoped3A : memref<!tpu.dma_semaphore, #tpu.memory_space<semaphore_mem>>)
      %dma_wait3A_74 = arith.constant 0 : i32
      %dma_wait3A_75 = tpu.memref_slice %arg3[%add3A_17, %dma_wait3A_74] : memref<4000x80xi32, #tpu.memory_space<hbm>> -> memref<1x80xi32, #tpu.memory_space<hbm>>
      %dma_wait3A_76 = tpu.memref_squeeze %dma_wait3A_75 : memref<1x80xi32, #tpu.memory_space<hbm>> -> memref<80xi32, #tpu.memory_space<hbm>>
      %dma_wait3A_77 = arith.constant 0 : i32
      %dma_wait3A_78 = tpu.memref_slice %arg3[%add3A_17, %dma_wait3A_77] : memref<4000x80xi32, #tpu.memory_space<hbm>> -> memref<1x80xi32, #tpu.memory_space<hbm>>
      %dma_wait3A_79 = tpu.memref_squeeze %dma_wait3A_78 : memref<1x80xi32, #tpu.memory_space<hbm>> -> memref<80xi32, #tpu.memory_space<hbm>>
      tpu.wait_dma2 semaphore(%run_scoped3A : memref<!tpu.dma_semaphore, #tpu.memory_space<semaphore_mem>>) src(%dma_wait3A_79 : memref<80xi32, #tpu.memory_space<hbm>>) dst(%arg8 : memref<80xi32, #tpu.memory_space<vmem>>)
      tpu.yield
    }) : () -> ()
    "tpu.region"() ({
      %run_scoped3A = tpu.sem_alloc : memref<!tpu.dma_semaphore, #tpu.memory_space<semaphore_mem>>
      %dma_start3A_68 = arith.constant 0 : i32
      %dma_start3A_69 = tpu.memref_slice %arg4[%add3A_17, %dma_start3A_68] : memref<4000x80xi32, #tpu.memory_space<hbm>> -> memref<1x80xi32, #tpu.memory_space<hbm>>
      %dma_start3A_70 = tpu.memref_squeeze %dma_start3A_69 : memref<1x80xi32, #tpu.memory_space<hbm>> -> memref<80xi32, #tpu.memory_space<hbm>>
      %dma_start3A_71 = arith.constant 0 : i32
      %dma_start3A_72 = tpu.memref_slice %arg4[%add3A_17, %dma_start3A_71] : memref<4000x80xi32, #tpu.memory_space<hbm>> -> memref<1x80xi32, #tpu.memory_space<hbm>>
      %dma_start3A_73 = tpu.memref_squeeze %dma_start3A_72 : memref<1x80xi32, #tpu.memory_space<hbm>> -> memref<80xi32, #tpu.memory_space<hbm>>
      tpu.enqueue_dma source(%dma_start3A_73 : memref<80xi32, #tpu.memory_space<hbm>>) target(%arg12 : memref<80xi32, #tpu.memory_space<vmem>>) target_semaphore(%run_scoped3A : memref<!tpu.dma_semaphore, #tpu.memory_space<semaphore_mem>>)
      %dma_wait3A_74 = arith.constant 0 : i32
      %dma_wait3A_75 = tpu.memref_slice %arg4[%add3A_17, %dma_wait3A_74] : memref<4000x80xi32, #tpu.memory_space<hbm>> -> memref<1x80xi32, #tpu.memory_space<hbm>>
      %dma_wait3A_76 = tpu.memref_squeeze %dma_wait3A_75 : memref<1x80xi32, #tpu.memory_space<hbm>> -> memref<80xi32, #tpu.memory_space<hbm>>
      %dma_wait3A_77 = arith.constant 0 : i32
      %dma_wait3A_78 = tpu.memref_slice %arg4[%add3A_17, %dma_wait3A_77] : memref<4000x80xi32, #tpu.memory_space<hbm>> -> memref<1x80xi32, #tpu.memory_space<hbm>>
      %dma_wait3A_79 = tpu.memref_squeeze %dma_wait3A_78 : memref<1x80xi32, #tpu.memory_space<hbm>> -> memref<80xi32, #tpu.memory_space<hbm>>
      tpu.wait_dma2 semaphore(%run_scoped3A : memref<!tpu.dma_semaphore, #tpu.memory_space<semaphore_mem>>) src(%dma_wait3A_79 : memref<80xi32, #tpu.memory_space<hbm>>) dst(%arg12 : memref<80xi32, #tpu.memory_space<vmem>>)
      tpu.yield
    }) : () -> ()
    %dma_start3A_18 = arith.constant 0 : i32
    %dma_start3A_19 = arith.constant 0 : i32
    %dma_start3A_20 = tpu.memref_slice %arg2[%dma_start3A_18, %dma_start3A_19] : memref<10000x128xf32, #tpu.memory_space<hbm>> -> memref<10000x128xf32, #tpu.memory_space<hbm>>
    tpu.enqueue_indirect_dma source(%dma_start3A_20 : memref<10000x128xf32, #tpu.memory_space<hbm>>) target(%arg16 : memref<80x128xf32, #tpu.memory_space<vmem>>) offsets(%arg8 : memref<80xi32, #tpu.memory_space<vmem>>) semaphore(%arg22 : memref<!tpu.dma_semaphore, #tpu.memory_space<semaphore_mem>>)
    %mul3A_21 = arith.constant 125 : i32
    %mul3A_22 = arith.muli %add3A, %mul3A_21 : i32
    %add3A_23 = arith.constant 2 : i32
    %add3A_24 = arith.addi %mul3A_22, %add3A_23 : i32
    "tpu.region"() ({
      %run_scoped3A = tpu.sem_alloc : memref<!tpu.dma_semaphore, #tpu.memory_space<semaphore_mem>>
      %dma_start3A_68 = arith.constant 0 : i32
      %dma_start3A_69 = tpu.memref_slice %arg3[%add3A_24, %dma_start3A_68] : memref<4000x80xi32, #tpu.memory_space<hbm>> -> memref<1x80xi32, #tpu.memory_space<hbm>>
      %dma_start3A_70 = tpu.memref_squeeze %dma_start3A_69 : memref<1x80xi32, #tpu.memory_space<hbm>> -> memref<80xi32, #tpu.memory_space<hbm>>
      %dma_start3A_71 = arith.constant 0 : i32
      %dma_start3A_72 = tpu.memref_slice %arg3[%add3A_24, %dma_start3A_71] : memref<4000x80xi32, #tpu.memory_space<hbm>> -> memref<1x80xi32, #tpu.memory_space<hbm>>
      %dma_start3A_73 = tpu.memref_squeeze %dma_start3A_72 : memref<1x80xi32, #tpu.memory_space<hbm>> -> memref<80xi32, #tpu.memory_space<hbm>>
      tpu.enqueue_dma source(%dma_start3A_73 : memref<80xi32, #tpu.memory_space<hbm>>) target(%arg9 : memref<80xi32, #tpu.memory_space<vmem>>) target_semaphore(%run_scoped3A : memref<!tpu.dma_semaphore, #tpu.memory_space<semaphore_mem>>)
      %dma_wait3A_74 = arith.constant 0 : i32
      %dma_wait3A_75 = tpu.memref_slice %arg3[%add3A_24, %dma_wait3A_74] : memref<4000x80xi32, #tpu.memory_space<hbm>> -> memref<1x80xi32, #tpu.memory_space<hbm>>
      %dma_wait3A_76 = tpu.memref_squeeze %dma_wait3A_75 : memref<1x80xi32, #tpu.memory_space<hbm>> -> memref<80xi32, #tpu.memory_space<hbm>>
      %dma_wait3A_77 = arith.constant 0 : i32
      %dma_wait3A_78 = tpu.memref_slice %arg3[%add3A_24, %dma_wait3A_77] : memref<4000x80xi32, #tpu.memory_space<hbm>> -> memref<1x80xi32, #tpu.memory_space<hbm>>
      %dma_wait3A_79 = tpu.memref_squeeze %dma_wait3A_78 : memref<1x80xi32, #tpu.memory_space<hbm>> -> memref<80xi32, #tpu.memory_space<hbm>>
      tpu.wait_dma2 semaphore(%run_scoped3A : memref<!tpu.dma_semaphore, #tpu.memory_space<semaphore_mem>>) src(%dma_wait3A_79 : memref<80xi32, #tpu.memory_space<hbm>>) dst(%arg9 : memref<80xi32, #tpu.memory_space<vmem>>)
      tpu.yield
    }) : () -> ()
    "tpu.region"() ({
      %run_scoped3A = tpu.sem_alloc : memref<!tpu.dma_semaphore, #tpu.memory_space<semaphore_mem>>
      %dma_start3A_68 = arith.constant 0 : i32
      %dma_start3A_69 = tpu.memref_slice %arg4[%add3A_24, %dma_start3A_68] : memref<4000x80xi32, #tpu.memory_space<hbm>> -> memref<1x80xi32, #tpu.memory_space<hbm>>
      %dma_start3A_70 = tpu.memref_squeeze %dma_start3A_69 : memref<1x80xi32, #tpu.memory_space<hbm>> -> memref<80xi32, #tpu.memory_space<hbm>>
      %dma_start3A_71 = arith.constant 0 : i32
      %dma_start3A_72 = tpu.memref_slice %arg4[%add3A_24, %dma_start3A_71] : memref<4000x80xi32, #tpu.memory_space<hbm>> -> memref<1x80xi32, #tpu.memory_space<hbm>>
      %dma_start3A_73 = tpu.memref_squeeze %dma_start3A_72 : memref<1x80xi32, #tpu.memory_space<hbm>> -> memref<80xi32, #tpu.memory_space<hbm>>
      tpu.enqueue_dma source(%dma_start3A_73 : memref<80xi32, #tpu.memory_space<hbm>>) target(%arg13 : memref<80xi32, #tpu.memory_space<vmem>>) target_semaphore(%run_scoped3A : memref<!tpu.dma_semaphore, #tpu.memory_space<semaphore_mem>>)
      %dma_wait3A_74 = arith.constant 0 : i32
      %dma_wait3A_75 = tpu.memref_slice %arg4[%add3A_24, %dma_wait3A_74] : memref<4000x80xi32, #tpu.memory_space<hbm>> -> memref<1x80xi32, #tpu.memory_space<hbm>>
      %dma_wait3A_76 = tpu.memref_squeeze %dma_wait3A_75 : memref<1x80xi32, #tpu.memory_space<hbm>> -> memref<80xi32, #tpu.memory_space<hbm>>
      %dma_wait3A_77 = arith.constant 0 : i32
      %dma_wait3A_78 = tpu.memref_slice %arg4[%add3A_24, %dma_wait3A_77] : memref<4000x80xi32, #tpu.memory_space<hbm>> -> memref<1x80xi32, #tpu.memory_space<hbm>>
      %dma_wait3A_79 = tpu.memref_squeeze %dma_wait3A_78 : memref<1x80xi32, #tpu.memory_space<hbm>> -> memref<80xi32, #tpu.memory_space<hbm>>
      tpu.wait_dma2 semaphore(%run_scoped3A : memref<!tpu.dma_semaphore, #tpu.memory_space<semaphore_mem>>) src(%dma_wait3A_79 : memref<80xi32, #tpu.memory_space<hbm>>) dst(%arg13 : memref<80xi32, #tpu.memory_space<vmem>>)
      tpu.yield
    }) : () -> ()
    %dma_start3A_25 = arith.constant 0 : i32
    %dma_start3A_26 = arith.constant 0 : i32
    %dma_start3A_27 = tpu.memref_slice %arg2[%dma_start3A_25, %dma_start3A_26] : memref<10000x128xf32, #tpu.memory_space<hbm>> -> memref<10000x128xf32, #tpu.memory_space<hbm>>
    tpu.enqueue_indirect_dma source(%dma_start3A_27 : memref<10000x128xf32, #tpu.memory_space<hbm>>) target(%arg17 : memref<80x128xf32, #tpu.memory_space<vmem>>) offsets(%arg9 : memref<80xi32, #tpu.memory_space<vmem>>) semaphore(%arg23 : memref<!tpu.dma_semaphore, #tpu.memory_space<semaphore_mem>>)
    %mul3A_28 = arith.constant 125 : i32
    %mul3A_29 = arith.muli %add3A, %mul3A_28 : i32
    %add3A_30 = arith.constant 3 : i32
    %add3A_31 = arith.addi %mul3A_29, %add3A_30 : i32
    "tpu.region"() ({
      %run_scoped3A = tpu.sem_alloc : memref<!tpu.dma_semaphore, #tpu.memory_space<semaphore_mem>>
      %dma_start3A_68 = arith.constant 0 : i32
      %dma_start3A_69 = tpu.memref_slice %arg3[%add3A_31, %dma_start3A_68] : memref<4000x80xi32, #tpu.memory_space<hbm>> -> memref<1x80xi32, #tpu.memory_space<hbm>>
      %dma_start3A_70 = tpu.memref_squeeze %dma_start3A_69 : memref<1x80xi32, #tpu.memory_space<hbm>> -> memref<80xi32, #tpu.memory_space<hbm>>
      %dma_start3A_71 = arith.constant 0 : i32
      %dma_start3A_72 = tpu.memref_slice %arg3[%add3A_31, %dma_start3A_71] : memref<4000x80xi32, #tpu.memory_space<hbm>> -> memref<1x80xi32, #tpu.memory_space<hbm>>
      %dma_start3A_73 = tpu.memref_squeeze %dma_start3A_72 : memref<1x80xi32, #tpu.memory_space<hbm>> -> memref<80xi32, #tpu.memory_space<hbm>>
      tpu.enqueue_dma source(%dma_start3A_73 : memref<80xi32, #tpu.memory_space<hbm>>) target(%arg10 : memref<80xi32, #tpu.memory_space<vmem>>) target_semaphore(%run_scoped3A : memref<!tpu.dma_semaphore, #tpu.memory_space<semaphore_mem>>)
      %dma_wait3A_74 = arith.constant 0 : i32
      %dma_wait3A_75 = tpu.memref_slice %arg3[%add3A_31, %dma_wait3A_74] : memref<4000x80xi32, #tpu.memory_space<hbm>> -> memref<1x80xi32, #tpu.memory_space<hbm>>
      %dma_wait3A_76 = tpu.memref_squeeze %dma_wait3A_75 : memref<1x80xi32, #tpu.memory_space<hbm>> -> memref<80xi32, #tpu.memory_space<hbm>>
      %dma_wait3A_77 = arith.constant 0 : i32
      %dma_wait3A_78 = tpu.memref_slice %arg3[%add3A_31, %dma_wait3A_77] : memref<4000x80xi32, #tpu.memory_space<hbm>> -> memref<1x80xi32, #tpu.memory_space<hbm>>
      %dma_wait3A_79 = tpu.memref_squeeze %dma_wait3A_78 : memref<1x80xi32, #tpu.memory_space<hbm>> -> memref<80xi32, #tpu.memory_space<hbm>>
      tpu.wait_dma2 semaphore(%run_scoped3A : memref<!tpu.dma_semaphore, #tpu.memory_space<semaphore_mem>>) src(%dma_wait3A_79 : memref<80xi32, #tpu.memory_space<hbm>>) dst(%arg10 : memref<80xi32, #tpu.memory_space<vmem>>)
      tpu.yield
    }) : () -> ()
    "tpu.region"() ({
      %run_scoped3A = tpu.sem_alloc : memref<!tpu.dma_semaphore, #tpu.memory_space<semaphore_mem>>
      %dma_start3A_68 = arith.constant 0 : i32
      %dma_start3A_69 = tpu.memref_slice %arg4[%add3A_31, %dma_start3A_68] : memref<4000x80xi32, #tpu.memory_space<hbm>> -> memref<1x80xi32, #tpu.memory_space<hbm>>
      %dma_start3A_70 = tpu.memref_squeeze %dma_start3A_69 : memref<1x80xi32, #tpu.memory_space<hbm>> -> memref<80xi32, #tpu.memory_space<hbm>>
      %dma_start3A_71 = arith.constant 0 : i32
      %dma_start3A_72 = tpu.memref_slice %arg4[%add3A_31, %dma_start3A_71] : memref<4000x80xi32, #tpu.memory_space<hbm>> -> memref<1x80xi32, #tpu.memory_space<hbm>>
      %dma_start3A_73 = tpu.memref_squeeze %dma_start3A_72 : memref<1x80xi32, #tpu.memory_space<hbm>> -> memref<80xi32, #tpu.memory_space<hbm>>
      tpu.enqueue_dma source(%dma_start3A_73 : memref<80xi32, #tpu.memory_space<hbm>>) target(%arg14 : memref<80xi32, #tpu.memory_space<vmem>>) target_semaphore(%run_scoped3A : memref<!tpu.dma_semaphore, #tpu.memory_space<semaphore_mem>>)
      %dma_wait3A_74 = arith.constant 0 : i32
      %dma_wait3A_75 = tpu.memref_slice %arg4[%add3A_31, %dma_wait3A_74] : memref<4000x80xi32, #tpu.memory_space<hbm>> -> memref<1x80xi32, #tpu.memory_space<hbm>>
      %dma_wait3A_76 = tpu.memref_squeeze %dma_wait3A_75 : memref<1x80xi32, #tpu.memory_space<hbm>> -> memref<80xi32, #tpu.memory_space<hbm>>
      %dma_wait3A_77 = arith.constant 0 : i32
      %dma_wait3A_78 = tpu.memref_slice %arg4[%add3A_31, %dma_wait3A_77] : memref<4000x80xi32, #tpu.memory_space<hbm>> -> memref<1x80xi32, #tpu.memory_space<hbm>>
      %dma_wait3A_79 = tpu.memref_squeeze %dma_wait3A_78 : memref<1x80xi32, #tpu.memory_space<hbm>> -> memref<80xi32, #tpu.memory_space<hbm>>
      tpu.wait_dma2 semaphore(%run_scoped3A : memref<!tpu.dma_semaphore, #tpu.memory_space<semaphore_mem>>) src(%dma_wait3A_79 : memref<80xi32, #tpu.memory_space<hbm>>) dst(%arg14 : memref<80xi32, #tpu.memory_space<vmem>>)
      tpu.yield
    }) : () -> ()
    %dma_start3A_32 = arith.constant 0 : i32
    %dma_start3A_33 = arith.constant 0 : i32
    %dma_start3A_34 = tpu.memref_slice %arg2[%dma_start3A_32, %dma_start3A_33] : memref<10000x128xf32, #tpu.memory_space<hbm>> -> memref<10000x128xf32, #tpu.memory_space<hbm>>
    tpu.enqueue_indirect_dma source(%dma_start3A_34 : memref<10000x128xf32, #tpu.memory_space<hbm>>) target(%arg18 : memref<80x128xf32, #tpu.memory_space<vmem>>) offsets(%arg10 : memref<80xi32, #tpu.memory_space<vmem>>) semaphore(%arg24 : memref<!tpu.dma_semaphore, #tpu.memory_space<semaphore_mem>>)
    %scan3A_35 = arith.constant 0 : i32
    %scan3A_36 = arith.constant 1 : i32
    %scan3A_37 = arith.constant 30 : i32
    %scan3A_38 = arith.addi %scan3A_36, %scan3A_37 : i32
    %scan3A_39 = arith.constant 1 : i32
    scf.for %scan3A_68 = %scan3A_36 to %scan3A_38 step %scan3A_39  : i32 {
      %mul3A_69 = arith.constant 125 : i32
      %mul3A_70 = arith.muli %add3A, %mul3A_69 : i32
      %mul3A_71 = arith.constant 4 : i32
      %mul3A_72 = arith.muli %scan3A_68, %mul3A_71 : i32
      %add3A_73 = arith.addi %mul3A_70, %mul3A_72 : i32
      %dma_wait3A_74 = arith.constant 0 : i32
      %dma_wait3A_75 = arith.constant 0 : i32
      %dma_wait3A_76 = tpu.memref_slice %arg2[%dma_wait3A_74, %dma_wait3A_75] : memref<10000x128xf32, #tpu.memory_space<hbm>> -> memref<10000x128xf32, #tpu.memory_space<hbm>>
      tpu.wait_indirect_dma semaphore(%arg21 : memref<!tpu.dma_semaphore, #tpu.memory_space<semaphore_mem>>) src(%dma_wait3A_76 : memref<10000x128xf32, #tpu.memory_space<hbm>>) dst(%arg15 : memref<80x128xf32, #tpu.memory_space<vmem>>)
      "tpu.region"() ({
        %run_scoped3A = tpu.sem_alloc : memref<!tpu.dma_semaphore, #tpu.memory_space<semaphore_mem>>
        %dma_start3A_106 = arith.constant 0 : i32
        %dma_start3A_107 = arith.constant 0 : i32
        %dma_start3A_108 = tpu.memref_slice %arg20[%dma_start3A_106, %dma_start3A_107] : memref<10112x128xf32, #tpu.memory_space<vmem_shared>> -> memref<10112x128xf32, #tpu.memory_space<vmem_shared>>
        tpu.enqueue_indirect_dma source(%arg15 : memref<80x128xf32, #tpu.memory_space<vmem>>) target(%dma_start3A_108 : memref<10112x128xf32, #tpu.memory_space<vmem_shared>>) offsets(%arg11 : memref<80xi32, #tpu.memory_space<vmem>>) semaphore(%run_scoped3A : memref<!tpu.dma_semaphore, #tpu.memory_space<semaphore_mem>>) {add = true}
        %dma_wait3A_109 = arith.constant 0 : i32
        %dma_wait3A_110 = arith.constant 0 : i32
        %dma_wait3A_111 = tpu.memref_slice %arg20[%dma_wait3A_109, %dma_wait3A_110] : memref<10112x128xf32, #tpu.memory_space<vmem_shared>> -> memref<10112x128xf32, #tpu.memory_space<vmem_shared>>
        tpu.wait_indirect_dma semaphore(%run_scoped3A : memref<!tpu.dma_semaphore, #tpu.memory_space<semaphore_mem>>) src(%arg15 : memref<80x128xf32, #tpu.memory_space<vmem>>) dst(%dma_wait3A_111 : memref<10112x128xf32, #tpu.memory_space<vmem_shared>>)
        tpu.yield
      }) : () -> ()
      %add3A_77 = arith.constant 0 : i32
      %add3A_78 = arith.addi %add3A_73, %add3A_77 : i32
      "tpu.region"() ({
        %run_scoped3A = tpu.sem_alloc : memref<!tpu.dma_semaphore, #tpu.memory_space<semaphore_mem>>
        %dma_start3A_106 = arith.constant 0 : i32
        %dma_start3A_107 = tpu.memref_slice %arg3[%add3A_78, %dma_start3A_106] : memref<4000x80xi32, #tpu.memory_space<hbm>> -> memref<1x80xi32, #tpu.memory_space<hbm>>
        %dma_start3A_108 = tpu.memref_squeeze %dma_start3A_107 : memref<1x80xi32, #tpu.memory_space<hbm>> -> memref<80xi32, #tpu.memory_space<hbm>>
        %dma_start3A_109 = arith.constant 0 : i32
        %dma_start3A_110 = tpu.memref_slice %arg3[%add3A_78, %dma_start3A_109] : memref<4000x80xi32, #tpu.memory_space<hbm>> -> memref<1x80xi32, #tpu.memory_space<hbm>>
        %dma_start3A_111 = tpu.memref_squeeze %dma_start3A_110 : memref<1x80xi32, #tpu.memory_space<hbm>> -> memref<80xi32, #tpu.memory_space<hbm>>
        tpu.enqueue_dma source(%dma_start3A_111 : memref<80xi32, #tpu.memory_space<hbm>>) target(%arg7 : memref<80xi32, #tpu.memory_space<vmem>>) target_semaphore(%run_scoped3A : memref<!tpu.dma_semaphore, #tpu.memory_space<semaphore_mem>>)
        %dma_wait3A_112 = arith.constant 0 : i32
        %dma_wait3A_113 = tpu.memref_slice %arg3[%add3A_78, %dma_wait3A_112] : memref<4000x80xi32, #tpu.memory_space<hbm>> -> memref<1x80xi32, #tpu.memory_space<hbm>>
        %dma_wait3A_114 = tpu.memref_squeeze %dma_wait3A_113 : memref<1x80xi32, #tpu.memory_space<hbm>> -> memref<80xi32, #tpu.memory_space<hbm>>
        %dma_wait3A_115 = arith.constant 0 : i32
        %dma_wait3A_116 = tpu.memref_slice %arg3[%add3A_78, %dma_wait3A_115] : memref<4000x80xi32, #tpu.memory_space<hbm>> -> memref<1x80xi32, #tpu.memory_space<hbm>>
        %dma_wait3A_117 = tpu.memref_squeeze %dma_wait3A_116 : memref<1x80xi32, #tpu.memory_space<hbm>> -> memref<80xi32, #tpu.memory_space<hbm>>
        tpu.wait_dma2 semaphore(%run_scoped3A : memref<!tpu.dma_semaphore, #tpu.memory_space<semaphore_mem>>) src(%dma_wait3A_117 : memref<80xi32, #tpu.memory_space<hbm>>) dst(%arg7 : memref<80xi32, #tpu.memory_space<vmem>>)
        tpu.yield
      }) : () -> ()
      "tpu.region"() ({
        %run_scoped3A = tpu.sem_alloc : memref<!tpu.dma_semaphore, #tpu.memory_space<semaphore_mem>>
        %dma_start3A_106 = arith.constant 0 : i32
        %dma_start3A_107 = tpu.memref_slice %arg4[%add3A_78, %dma_start3A_106] : memref<4000x80xi32, #tpu.memory_space<hbm>> -> memref<1x80xi32, #tpu.memory_space<hbm>>
        %dma_start3A_108 = tpu.memref_squeeze %dma_start3A_107 : memref<1x80xi32, #tpu.memory_space<hbm>> -> memref<80xi32, #tpu.memory_space<hbm>>
        %dma_start3A_109 = arith.constant 0 : i32
        %dma_start3A_110 = tpu.memref_slice %arg4[%add3A_78, %dma_start3A_109] : memref<4000x80xi32, #tpu.memory_space<hbm>> -> memref<1x80xi32, #tpu.memory_space<hbm>>
        %dma_start3A_111 = tpu.memref_squeeze %dma_start3A_110 : memref<1x80xi32, #tpu.memory_space<hbm>> -> memref<80xi32, #tpu.memory_space<hbm>>
        tpu.enqueue_dma source(%dma_start3A_111 : memref<80xi32, #tpu.memory_space<hbm>>) target(%arg11 : memref<80xi32, #tpu.memory_space<vmem>>) target_semaphore(%run_scoped3A : memref<!tpu.dma_semaphore, #tpu.memory_space<semaphore_mem>>)
        %dma_wait3A_112 = arith.constant 0 : i32
        %dma_wait3A_113 = tpu.memref_slice %arg4[%add3A_78, %dma_wait3A_112] : memref<4000x80xi32, #tpu.memory_space<hbm>> -> memref<1x80xi32, #tpu.memory_space<hbm>>
        %dma_wait3A_114 = tpu.memref_squeeze %dma_wait3A_113 : memref<1x80xi32, #tpu.memory_space<hbm>> -> memref<80xi32, #tpu.memory_space<hbm>>
        %dma_wait3A_115 = arith.constant 0 : i32
        %dma_wait3A_116 = tpu.memref_slice %arg4[%add3A_78, %dma_wait3A_115] : memref<4000x80xi32, #tpu.memory_space<hbm>> -> memref<1x80xi32, #tpu.memory_space<hbm>>
        %dma_wait3A_117 = tpu.memref_squeeze %dma_wait3A_116 : memref<1x80xi32, #tpu.memory_space<hbm>> -> memref<80xi32, #tpu.memory_space<hbm>>
        tpu.wait_dma2 semaphore(%run_scoped3A : memref<!tpu.dma_semaphore, #tpu.memory_space<semaphore_mem>>) src(%dma_wait3A_117 : memref<80xi32, #tpu.memory_space<hbm>>) dst(%arg11 : memref<80xi32, #tpu.memory_space<vmem>>)
        tpu.yield
      }) : () -> ()
      %dma_start3A_79 = arith.constant 0 : i32
      %dma_start3A_80 = arith.constant 0 : i32
      %dma_start3A_81 = tpu.memref_slice %arg2[%dma_start3A_79, %dma_start3A_80] : memref<10000x128xf32, #tpu.memory_space<hbm>> -> memref<10000x128xf32, #tpu.memory_space<hbm>>
      tpu.enqueue_indirect_dma source(%dma_start3A_81 : memref<10000x128xf32, #tpu.memory_space<hbm>>) target(%arg15 : memref<80x128xf32, #tpu.memory_space<vmem>>) offsets(%arg7 : memref<80xi32, #tpu.memory_space<vmem>>) semaphore(%arg21 : memref<!tpu.dma_semaphore, #tpu.memory_space<semaphore_mem>>)
      %dma_wait3A_82 = arith.constant 0 : i32
      %dma_wait3A_83 = arith.constant 0 : i32
      %dma_wait3A_84 = tpu.memref_slice %arg2[%dma_wait3A_82, %dma_wait3A_83] : memref<10000x128xf32, #tpu.memory_space<hbm>> -> memref<10000x128xf32, #tpu.memory_space<hbm>>
      tpu.wait_indirect_dma semaphore(%arg22 : memref<!tpu.dma_semaphore, #tpu.memory_space<semaphore_mem>>) src(%dma_wait3A_84 : memref<10000x128xf32, #tpu.memory_space<hbm>>) dst(%arg16 : memref<80x128xf32, #tpu.memory_space<vmem>>)
      "tpu.region"() ({
        %run_scoped3A = tpu.sem_alloc : memref<!tpu.dma_semaphore, #tpu.memory_space<semaphore_mem>>
        %dma_start3A_106 = arith.constant 0 : i32
        %dma_start3A_107 = arith.constant 0 : i32
        %dma_start3A_108 = tpu.memref_slice %arg20[%dma_start3A_106, %dma_start3A_107] : memref<10112x128xf32, #tpu.memory_space<vmem_shared>> -> memref<10112x128xf32, #tpu.memory_space<vmem_shared>>
        tpu.enqueue_indirect_dma source(%arg16 : memref<80x128xf32, #tpu.memory_space<vmem>>) target(%dma_start3A_108 : memref<10112x128xf32, #tpu.memory_space<vmem_shared>>) offsets(%arg12 : memref<80xi32, #tpu.memory_space<vmem>>) semaphore(%run_scoped3A : memref<!tpu.dma_semaphore, #tpu.memory_space<semaphore_mem>>) {add = true}
        %dma_wait3A_109 = arith.constant 0 : i32
        %dma_wait3A_110 = arith.constant 0 : i32
        %dma_wait3A_111 = tpu.memref_slice %arg20[%dma_wait3A_109, %dma_wait3A_110] : memref<10112x128xf32, #tpu.memory_space<vmem_shared>> -> memref<10112x128xf32, #tpu.memory_space<vmem_shared>>
        tpu.wait_indirect_dma semaphore(%run_scoped3A : memref<!tpu.dma_semaphore, #tpu.memory_space<semaphore_mem>>) src(%arg16 : memref<80x128xf32, #tpu.memory_space<vmem>>) dst(%dma_wait3A_111 : memref<10112x128xf32, #tpu.memory_space<vmem_shared>>)
        tpu.yield
      }) : () -> ()
      %add3A_85 = arith.constant 1 : i32
      %add3A_86 = arith.addi %add3A_73, %add3A_85 : i32
      "tpu.region"() ({
        %run_scoped3A = tpu.sem_alloc : memref<!tpu.dma_semaphore, #tpu.memory_space<semaphore_mem>>
        %dma_start3A_106 = arith.constant 0 : i32
        %dma_start3A_107 = tpu.memref_slice %arg3[%add3A_86, %dma_start3A_106] : memref<4000x80xi32, #tpu.memory_space<hbm>> -> memref<1x80xi32, #tpu.memory_space<hbm>>
        %dma_start3A_108 = tpu.memref_squeeze %dma_start3A_107 : memref<1x80xi32, #tpu.memory_space<hbm>> -> memref<80xi32, #tpu.memory_space<hbm>>
        %dma_start3A_109 = arith.constant 0 : i32
        %dma_start3A_110 = tpu.memref_slice %arg3[%add3A_86, %dma_start3A_109] : memref<4000x80xi32, #tpu.memory_space<hbm>> -> memref<1x80xi32, #tpu.memory_space<hbm>>
        %dma_start3A_111 = tpu.memref_squeeze %dma_start3A_110 : memref<1x80xi32, #tpu.memory_space<hbm>> -> memref<80xi32, #tpu.memory_space<hbm>>
        tpu.enqueue_dma source(%dma_start3A_111 : memref<80xi32, #tpu.memory_space<hbm>>) target(%arg8 : memref<80xi32, #tpu.memory_space<vmem>>) target_semaphore(%run_scoped3A : memref<!tpu.dma_semaphore, #tpu.memory_space<semaphore_mem>>)
        %dma_wait3A_112 = arith.constant 0 : i32
        %dma_wait3A_113 = tpu.memref_slice %arg3[%add3A_86, %dma_wait3A_112] : memref<4000x80xi32, #tpu.memory_space<hbm>> -> memref<1x80xi32, #tpu.memory_space<hbm>>
        %dma_wait3A_114 = tpu.memref_squeeze %dma_wait3A_113 : memref<1x80xi32, #tpu.memory_space<hbm>> -> memref<80xi32, #tpu.memory_space<hbm>>
        %dma_wait3A_115 = arith.constant 0 : i32
        %dma_wait3A_116 = tpu.memref_slice %arg3[%add3A_86, %dma_wait3A_115] : memref<4000x80xi32, #tpu.memory_space<hbm>> -> memref<1x80xi32, #tpu.memory_space<hbm>>
        %dma_wait3A_117 = tpu.memref_squeeze %dma_wait3A_116 : memref<1x80xi32, #tpu.memory_space<hbm>> -> memref<80xi32, #tpu.memory_space<hbm>>
        tpu.wait_dma2 semaphore(%run_scoped3A : memref<!tpu.dma_semaphore, #tpu.memory_space<semaphore_mem>>) src(%dma_wait3A_117 : memref<80xi32, #tpu.memory_space<hbm>>) dst(%arg8 : memref<80xi32, #tpu.memory_space<vmem>>)
        tpu.yield
      }) : () -> ()
      "tpu.region"() ({
        %run_scoped3A = tpu.sem_alloc : memref<!tpu.dma_semaphore, #tpu.memory_space<semaphore_mem>>
        %dma_start3A_106 = arith.constant 0 : i32
        %dma_start3A_107 = tpu.memref_slice %arg4[%add3A_86, %dma_start3A_106] : memref<4000x80xi32, #tpu.memory_space<hbm>> -> memref<1x80xi32, #tpu.memory_space<hbm>>
        %dma_start3A_108 = tpu.memref_squeeze %dma_start3A_107 : memref<1x80xi32, #tpu.memory_space<hbm>> -> memref<80xi32, #tpu.memory_space<hbm>>
        %dma_start3A_109 = arith.constant 0 : i32
        %dma_start3A_110 = tpu.memref_slice %arg4[%add3A_86, %dma_start3A_109] : memref<4000x80xi32, #tpu.memory_space<hbm>> -> memref<1x80xi32, #tpu.memory_space<hbm>>
        %dma_start3A_111 = tpu.memref_squeeze %dma_start3A_110 : memref<1x80xi32, #tpu.memory_space<hbm>> -> memref<80xi32, #tpu.memory_space<hbm>>
        tpu.enqueue_dma source(%dma_start3A_111 : memref<80xi32, #tpu.memory_space<hbm>>) target(%arg12 : memref<80xi32, #tpu.memory_space<vmem>>) target_semaphore(%run_scoped3A : memref<!tpu.dma_semaphore, #tpu.memory_space<semaphore_mem>>)
        %dma_wait3A_112 = arith.constant 0 : i32
        %dma_wait3A_113 = tpu.memref_slice %arg4[%add3A_86, %dma_wait3A_112] : memref<4000x80xi32, #tpu.memory_space<hbm>> -> memref<1x80xi32, #tpu.memory_space<hbm>>
        %dma_wait3A_114 = tpu.memref_squeeze %dma_wait3A_113 : memref<1x80xi32, #tpu.memory_space<hbm>> -> memref<80xi32, #tpu.memory_space<hbm>>
        %dma_wait3A_115 = arith.constant 0 : i32
        %dma_wait3A_116 = tpu.memref_slice %arg4[%add3A_86, %dma_wait3A_115] : memref<4000x80xi32, #tpu.memory_space<hbm>> -> memref<1x80xi32, #tpu.memory_space<hbm>>
        %dma_wait3A_117 = tpu.memref_squeeze %dma_wait3A_116 : memref<1x80xi32, #tpu.memory_space<hbm>> -> memref<80xi32, #tpu.memory_space<hbm>>
        tpu.wait_dma2 semaphore(%run_scoped3A : memref<!tpu.dma_semaphore, #tpu.memory_space<semaphore_mem>>) src(%dma_wait3A_117 : memref<80xi32, #tpu.memory_space<hbm>>) dst(%arg12 : memref<80xi32, #tpu.memory_space<vmem>>)
        tpu.yield
      }) : () -> ()
      %dma_start3A_87 = arith.constant 0 : i32
      %dma_start3A_88 = arith.constant 0 : i32
      %dma_start3A_89 = tpu.memref_slice %arg2[%dma_start3A_87, %dma_start3A_88] : memref<10000x128xf32, #tpu.memory_space<hbm>> -> memref<10000x128xf32, #tpu.memory_space<hbm>>
      tpu.enqueue_indirect_dma source(%dma_start3A_89 : memref<10000x128xf32, #tpu.memory_space<hbm>>) target(%arg16 : memref<80x128xf32, #tpu.memory_space<vmem>>) offsets(%arg8 : memref<80xi32, #tpu.memory_space<vmem>>) semaphore(%arg22 : memref<!tpu.dma_semaphore, #tpu.memory_space<semaphore_mem>>)
      %dma_wait3A_90 = arith.constant 0 : i32
      %dma_wait3A_91 = arith.constant 0 : i32
      %dma_wait3A_92 = tpu.memref_slice %arg2[%dma_wait3A_90, %dma_wait3A_91] : memref<10000x128xf32, #tpu.memory_space<hbm>> -> memref<10000x128xf32, #tpu.memory_space<hbm>>
      tpu.wait_indirect_dma semaphore(%arg23 : memref<!tpu.dma_semaphore, #tpu.memory_space<semaphore_mem>>) src(%dma_wait3A_92 : memref<10000x128xf32, #tpu.memory_space<hbm>>) dst(%arg17 : memref<80x128xf32, #tpu.memory_space<vmem>>)
      "tpu.region"() ({
        %run_scoped3A = tpu.sem_alloc : memref<!tpu.dma_semaphore, #tpu.memory_space<semaphore_mem>>
        %dma_start3A_106 = arith.constant 0 : i32
        %dma_start3A_107 = arith.constant 0 : i32
        %dma_start3A_108 = tpu.memref_slice %arg20[%dma_start3A_106, %dma_start3A_107] : memref<10112x128xf32, #tpu.memory_space<vmem_shared>> -> memref<10112x128xf32, #tpu.memory_space<vmem_shared>>
        tpu.enqueue_indirect_dma source(%arg17 : memref<80x128xf32, #tpu.memory_space<vmem>>) target(%dma_start3A_108 : memref<10112x128xf32, #tpu.memory_space<vmem_shared>>) offsets(%arg13 : memref<80xi32, #tpu.memory_space<vmem>>) semaphore(%run_scoped3A : memref<!tpu.dma_semaphore, #tpu.memory_space<semaphore_mem>>) {add = true}
        %dma_wait3A_109 = arith.constant 0 : i32
        %dma_wait3A_110 = arith.constant 0 : i32
        %dma_wait3A_111 = tpu.memref_slice %arg20[%dma_wait3A_109, %dma_wait3A_110] : memref<10112x128xf32, #tpu.memory_space<vmem_shared>> -> memref<10112x128xf32, #tpu.memory_space<vmem_shared>>
        tpu.wait_indirect_dma semaphore(%run_scoped3A : memref<!tpu.dma_semaphore, #tpu.memory_space<semaphore_mem>>) src(%arg17 : memref<80x128xf32, #tpu.memory_space<vmem>>) dst(%dma_wait3A_111 : memref<10112x128xf32, #tpu.memory_space<vmem_shared>>)
        tpu.yield
      }) : () -> ()
      %add3A_93 = arith.constant 2 : i32
      %add3A_94 = arith.addi %add3A_73, %add3A_93 : i32
      "tpu.region"() ({
        %run_scoped3A = tpu.sem_alloc : memref<!tpu.dma_semaphore, #tpu.memory_space<semaphore_mem>>
        %dma_start3A_106 = arith.constant 0 : i32
        %dma_start3A_107 = tpu.memref_slice %arg3[%add3A_94, %dma_start3A_106] : memref<4000x80xi32, #tpu.memory_space<hbm>> -> memref<1x80xi32, #tpu.memory_space<hbm>>
        %dma_start3A_108 = tpu.memref_squeeze %dma_start3A_107 : memref<1x80xi32, #tpu.memory_space<hbm>> -> memref<80xi32, #tpu.memory_space<hbm>>
        %dma_start3A_109 = arith.constant 0 : i32
        %dma_start3A_110 = tpu.memref_slice %arg3[%add3A_94, %dma_start3A_109] : memref<4000x80xi32, #tpu.memory_space<hbm>> -> memref<1x80xi32, #tpu.memory_space<hbm>>
        %dma_start3A_111 = tpu.memref_squeeze %dma_start3A_110 : memref<1x80xi32, #tpu.memory_space<hbm>> -> memref<80xi32, #tpu.memory_space<hbm>>
        tpu.enqueue_dma source(%dma_start3A_111 : memref<80xi32, #tpu.memory_space<hbm>>) target(%arg9 : memref<80xi32, #tpu.memory_space<vmem>>) target_semaphore(%run_scoped3A : memref<!tpu.dma_semaphore, #tpu.memory_space<semaphore_mem>>)
        %dma_wait3A_112 = arith.constant 0 : i32
        %dma_wait3A_113 = tpu.memref_slice %arg3[%add3A_94, %dma_wait3A_112] : memref<4000x80xi32, #tpu.memory_space<hbm>> -> memref<1x80xi32, #tpu.memory_space<hbm>>
        %dma_wait3A_114 = tpu.memref_squeeze %dma_wait3A_113 : memref<1x80xi32, #tpu.memory_space<hbm>> -> memref<80xi32, #tpu.memory_space<hbm>>
        %dma_wait3A_115 = arith.constant 0 : i32
        %dma_wait3A_116 = tpu.memref_slice %arg3[%add3A_94, %dma_wait3A_115] : memref<4000x80xi32, #tpu.memory_space<hbm>> -> memref<1x80xi32, #tpu.memory_space<hbm>>
        %dma_wait3A_117 = tpu.memref_squeeze %dma_wait3A_116 : memref<1x80xi32, #tpu.memory_space<hbm>> -> memref<80xi32, #tpu.memory_space<hbm>>
        tpu.wait_dma2 semaphore(%run_scoped3A : memref<!tpu.dma_semaphore, #tpu.memory_space<semaphore_mem>>) src(%dma_wait3A_117 : memref<80xi32, #tpu.memory_space<hbm>>) dst(%arg9 : memref<80xi32, #tpu.memory_space<vmem>>)
        tpu.yield
      }) : () -> ()
      "tpu.region"() ({
        %run_scoped3A = tpu.sem_alloc : memref<!tpu.dma_semaphore, #tpu.memory_space<semaphore_mem>>
        %dma_start3A_106 = arith.constant 0 : i32
        %dma_start3A_107 = tpu.memref_slice %arg4[%add3A_94, %dma_start3A_106] : memref<4000x80xi32, #tpu.memory_space<hbm>> -> memref<1x80xi32, #tpu.memory_space<hbm>>
        %dma_start3A_108 = tpu.memref_squeeze %dma_start3A_107 : memref<1x80xi32, #tpu.memory_space<hbm>> -> memref<80xi32, #tpu.memory_space<hbm>>
        %dma_start3A_109 = arith.constant 0 : i32
        %dma_start3A_110 = tpu.memref_slice %arg4[%add3A_94, %dma_start3A_109] : memref<4000x80xi32, #tpu.memory_space<hbm>> -> memref<1x80xi32, #tpu.memory_space<hbm>>
        %dma_start3A_111 = tpu.memref_squeeze %dma_start3A_110 : memref<1x80xi32, #tpu.memory_space<hbm>> -> memref<80xi32, #tpu.memory_space<hbm>>
        tpu.enqueue_dma source(%dma_start3A_111 : memref<80xi32, #tpu.memory_space<hbm>>) target(%arg13 : memref<80xi32, #tpu.memory_space<vmem>>) target_semaphore(%run_scoped3A : memref<!tpu.dma_semaphore, #tpu.memory_space<semaphore_mem>>)
        %dma_wait3A_112 = arith.constant 0 : i32
        %dma_wait3A_113 = tpu.memref_slice %arg4[%add3A_94, %dma_wait3A_112] : memref<4000x80xi32, #tpu.memory_space<hbm>> -> memref<1x80xi32, #tpu.memory_space<hbm>>
        %dma_wait3A_114 = tpu.memref_squeeze %dma_wait3A_113 : memref<1x80xi32, #tpu.memory_space<hbm>> -> memref<80xi32, #tpu.memory_space<hbm>>
        %dma_wait3A_115 = arith.constant 0 : i32
        %dma_wait3A_116 = tpu.memref_slice %arg4[%add3A_94, %dma_wait3A_115] : memref<4000x80xi32, #tpu.memory_space<hbm>> -> memref<1x80xi32, #tpu.memory_space<hbm>>
        %dma_wait3A_117 = tpu.memref_squeeze %dma_wait3A_116 : memref<1x80xi32, #tpu.memory_space<hbm>> -> memref<80xi32, #tpu.memory_space<hbm>>
        tpu.wait_dma2 semaphore(%run_scoped3A : memref<!tpu.dma_semaphore, #tpu.memory_space<semaphore_mem>>) src(%dma_wait3A_117 : memref<80xi32, #tpu.memory_space<hbm>>) dst(%arg13 : memref<80xi32, #tpu.memory_space<vmem>>)
        tpu.yield
      }) : () -> ()
      %dma_start3A_95 = arith.constant 0 : i32
      %dma_start3A_96 = arith.constant 0 : i32
      %dma_start3A_97 = tpu.memref_slice %arg2[%dma_start3A_95, %dma_start3A_96] : memref<10000x128xf32, #tpu.memory_space<hbm>> -> memref<10000x128xf32, #tpu.memory_space<hbm>>
      tpu.enqueue_indirect_dma source(%dma_start3A_97 : memref<10000x128xf32, #tpu.memory_space<hbm>>) target(%arg17 : memref<80x128xf32, #tpu.memory_space<vmem>>) offsets(%arg9 : memref<80xi32, #tpu.memory_space<vmem>>) semaphore(%arg23 : memref<!tpu.dma_semaphore, #tpu.memory_space<semaphore_mem>>)
      %dma_wait3A_98 = arith.constant 0 : i32
      %dma_wait3A_99 = arith.constant 0 : i32
      %dma_wait3A_100 = tpu.memref_slice %arg2[%dma_wait3A_98, %dma_wait3A_99] : memref<10000x128xf32, #tpu.memory_space<hbm>> -> memref<10000x128xf32, #tpu.memory_space<hbm>>
      tpu.wait_indirect_dma semaphore(%arg24 : memref<!tpu.dma_semaphore, #tpu.memory_space<semaphore_mem>>) src(%dma_wait3A_100 : memref<10000x128xf32, #tpu.memory_space<hbm>>) dst(%arg18 : memref<80x128xf32, #tpu.memory_space<vmem>>)
      "tpu.region"() ({
        %run_scoped3A = tpu.sem_alloc : memref<!tpu.dma_semaphore, #tpu.memory_space<semaphore_mem>>
        %dma_start3A_106 = arith.constant 0 : i32
        %dma_start3A_107 = arith.constant 0 : i32
        %dma_start3A_108 = tpu.memref_slice %arg20[%dma_start3A_106, %dma_start3A_107] : memref<10112x128xf32, #tpu.memory_space<vmem_shared>> -> memref<10112x128xf32, #tpu.memory_space<vmem_shared>>
        tpu.enqueue_indirect_dma source(%arg18 : memref<80x128xf32, #tpu.memory_space<vmem>>) target(%dma_start3A_108 : memref<10112x128xf32, #tpu.memory_space<vmem_shared>>) offsets(%arg14 : memref<80xi32, #tpu.memory_space<vmem>>) semaphore(%run_scoped3A : memref<!tpu.dma_semaphore, #tpu.memory_space<semaphore_mem>>) {add = true}
        %dma_wait3A_109 = arith.constant 0 : i32
        %dma_wait3A_110 = arith.constant 0 : i32
        %dma_wait3A_111 = tpu.memref_slice %arg20[%dma_wait3A_109, %dma_wait3A_110] : memref<10112x128xf32, #tpu.memory_space<vmem_shared>> -> memref<10112x128xf32, #tpu.memory_space<vmem_shared>>
        tpu.wait_indirect_dma semaphore(%run_scoped3A : memref<!tpu.dma_semaphore, #tpu.memory_space<semaphore_mem>>) src(%arg18 : memref<80x128xf32, #tpu.memory_space<vmem>>) dst(%dma_wait3A_111 : memref<10112x128xf32, #tpu.memory_space<vmem_shared>>)
        tpu.yield
      }) : () -> ()
      %add3A_101 = arith.constant 3 : i32
      %add3A_102 = arith.addi %add3A_73, %add3A_101 : i32
      "tpu.region"() ({
        %run_scoped3A = tpu.sem_alloc : memref<!tpu.dma_semaphore, #tpu.memory_space<semaphore_mem>>
        %dma_start3A_106 = arith.constant 0 : i32
        %dma_start3A_107 = tpu.memref_slice %arg3[%add3A_102, %dma_start3A_106] : memref<4000x80xi32, #tpu.memory_space<hbm>> -> memref<1x80xi32, #tpu.memory_space<hbm>>
        %dma_start3A_108 = tpu.memref_squeeze %dma_start3A_107 : memref<1x80xi32, #tpu.memory_space<hbm>> -> memref<80xi32, #tpu.memory_space<hbm>>
        %dma_start3A_109 = arith.constant 0 : i32
        %dma_start3A_110 = tpu.memref_slice %arg3[%add3A_102, %dma_start3A_109] : memref<4000x80xi32, #tpu.memory_space<hbm>> -> memref<1x80xi32, #tpu.memory_space<hbm>>
        %dma_start3A_111 = tpu.memref_squeeze %dma_start3A_110 : memref<1x80xi32, #tpu.memory_space<hbm>> -> memref<80xi32, #tpu.memory_space<hbm>>
        tpu.enqueue_dma source(%dma_start3A_111 : memref<80xi32, #tpu.memory_space<hbm>>) target(%arg10 : memref<80xi32, #tpu.memory_space<vmem>>) target_semaphore(%run_scoped3A : memref<!tpu.dma_semaphore, #tpu.memory_space<semaphore_mem>>)
        %dma_wait3A_112 = arith.constant 0 : i32
        %dma_wait3A_113 = tpu.memref_slice %arg3[%add3A_102, %dma_wait3A_112] : memref<4000x80xi32, #tpu.memory_space<hbm>> -> memref<1x80xi32, #tpu.memory_space<hbm>>
        %dma_wait3A_114 = tpu.memref_squeeze %dma_wait3A_113 : memref<1x80xi32, #tpu.memory_space<hbm>> -> memref<80xi32, #tpu.memory_space<hbm>>
        %dma_wait3A_115 = arith.constant 0 : i32
        %dma_wait3A_116 = tpu.memref_slice %arg3[%add3A_102, %dma_wait3A_115] : memref<4000x80xi32, #tpu.memory_space<hbm>> -> memref<1x80xi32, #tpu.memory_space<hbm>>
        %dma_wait3A_117 = tpu.memref_squeeze %dma_wait3A_116 : memref<1x80xi32, #tpu.memory_space<hbm>> -> memref<80xi32, #tpu.memory_space<hbm>>
        tpu.wait_dma2 semaphore(%run_scoped3A : memref<!tpu.dma_semaphore, #tpu.memory_space<semaphore_mem>>) src(%dma_wait3A_117 : memref<80xi32, #tpu.memory_space<hbm>>) dst(%arg10 : memref<80xi32, #tpu.memory_space<vmem>>)
        tpu.yield
      }) : () -> ()
      "tpu.region"() ({
        %run_scoped3A = tpu.sem_alloc : memref<!tpu.dma_semaphore, #tpu.memory_space<semaphore_mem>>
        %dma_start3A_106 = arith.constant 0 : i32
        %dma_start3A_107 = tpu.memref_slice %arg4[%add3A_102, %dma_start3A_106] : memref<4000x80xi32, #tpu.memory_space<hbm>> -> memref<1x80xi32, #tpu.memory_space<hbm>>
        %dma_start3A_108 = tpu.memref_squeeze %dma_start3A_107 : memref<1x80xi32, #tpu.memory_space<hbm>> -> memref<80xi32, #tpu.memory_space<hbm>>
        %dma_start3A_109 = arith.constant 0 : i32
        %dma_start3A_110 = tpu.memref_slice %arg4[%add3A_102, %dma_start3A_109] : memref<4000x80xi32, #tpu.memory_space<hbm>> -> memref<1x80xi32, #tpu.memory_space<hbm>>
        %dma_start3A_111 = tpu.memref_squeeze %dma_start3A_110 : memref<1x80xi32, #tpu.memory_space<hbm>> -> memref<80xi32, #tpu.memory_space<hbm>>
        tpu.enqueue_dma source(%dma_start3A_111 : memref<80xi32, #tpu.memory_space<hbm>>) target(%arg14 : memref<80xi32, #tpu.memory_space<vmem>>) target_semaphore(%run_scoped3A : memref<!tpu.dma_semaphore, #tpu.memory_space<semaphore_mem>>)
        %dma_wait3A_112 = arith.constant 0 : i32
        %dma_wait3A_113 = tpu.memref_slice %arg4[%add3A_102, %dma_wait3A_112] : memref<4000x80xi32, #tpu.memory_space<hbm>> -> memref<1x80xi32, #tpu.memory_space<hbm>>
        %dma_wait3A_114 = tpu.memref_squeeze %dma_wait3A_113 : memref<1x80xi32, #tpu.memory_space<hbm>> -> memref<80xi32, #tpu.memory_space<hbm>>
        %dma_wait3A_115 = arith.constant 0 : i32
        %dma_wait3A_116 = tpu.memref_slice %arg4[%add3A_102, %dma_wait3A_115] : memref<4000x80xi32, #tpu.memory_space<hbm>> -> memref<1x80xi32, #tpu.memory_space<hbm>>
        %dma_wait3A_117 = tpu.memref_squeeze %dma_wait3A_116 : memref<1x80xi32, #tpu.memory_space<hbm>> -> memref<80xi32, #tpu.memory_space<hbm>>
        tpu.wait_dma2 semaphore(%run_scoped3A : memref<!tpu.dma_semaphore, #tpu.memory_space<semaphore_mem>>) src(%dma_wait3A_117 : memref<80xi32, #tpu.memory_space<hbm>>) dst(%arg14 : memref<80xi32, #tpu.memory_space<vmem>>)
        tpu.yield
      }) : () -> ()
      %dma_start3A_103 = arith.constant 0 : i32
      %dma_start3A_104 = arith.constant 0 : i32
      %dma_start3A_105 = tpu.memref_slice %arg2[%dma_start3A_103, %dma_start3A_104] : memref<10000x128xf32, #tpu.memory_space<hbm>> -> memref<10000x128xf32, #tpu.memory_space<hbm>>
      tpu.enqueue_indirect_dma source(%dma_start3A_105 : memref<10000x128xf32, #tpu.memory_space<hbm>>) target(%arg18 : memref<80x128xf32, #tpu.memory_space<vmem>>) offsets(%arg10 : memref<80xi32, #tpu.memory_space<vmem>>) semaphore(%arg24 : memref<!tpu.dma_semaphore, #tpu.memory_space<semaphore_mem>>)
    }
    %scan3A_40 = arith.constant 30 : i32
    %dma_wait3A = arith.constant 0 : i32
    %dma_wait3A_41 = arith.constant 0 : i32
    %dma_wait3A_42 = tpu.memref_slice %arg2[%dma_wait3A, %dma_wait3A_41] : memref<10000x128xf32, #tpu.memory_space<hbm>> -> memref<10000x128xf32, #tpu.memory_space<hbm>>
    tpu.wait_indirect_dma semaphore(%arg21 : memref<!tpu.dma_semaphore, #tpu.memory_space<semaphore_mem>>) src(%dma_wait3A_42 : memref<10000x128xf32, #tpu.memory_space<hbm>>) dst(%arg15 : memref<80x128xf32, #tpu.memory_space<vmem>>)
    "tpu.region"() ({
      %run_scoped3A = tpu.sem_alloc : memref<!tpu.dma_semaphore, #tpu.memory_space<semaphore_mem>>
      %dma_start3A_68 = arith.constant 0 : i32
      %dma_start3A_69 = arith.constant 0 : i32
      %dma_start3A_70 = tpu.memref_slice %arg20[%dma_start3A_68, %dma_start3A_69] : memref<10112x128xf32, #tpu.memory_space<vmem_shared>> -> memref<10112x128xf32, #tpu.memory_space<vmem_shared>>
      tpu.enqueue_indirect_dma source(%arg15 : memref<80x128xf32, #tpu.memory_space<vmem>>) target(%dma_start3A_70 : memref<10112x128xf32, #tpu.memory_space<vmem_shared>>) offsets(%arg11 : memref<80xi32, #tpu.memory_space<vmem>>) semaphore(%run_scoped3A : memref<!tpu.dma_semaphore, #tpu.memory_space<semaphore_mem>>) {add = true}
      %dma_wait3A_71 = arith.constant 0 : i32
      %dma_wait3A_72 = arith.constant 0 : i32
      %dma_wait3A_73 = tpu.memref_slice %arg20[%dma_wait3A_71, %dma_wait3A_72] : memref<10112x128xf32, #tpu.memory_space<vmem_shared>> -> memref<10112x128xf32, #tpu.memory_space<vmem_shared>>
      tpu.wait_indirect_dma semaphore(%run_scoped3A : memref<!tpu.dma_semaphore, #tpu.memory_space<semaphore_mem>>) src(%arg15 : memref<80x128xf32, #tpu.memory_space<vmem>>) dst(%dma_wait3A_73 : memref<10112x128xf32, #tpu.memory_space<vmem_shared>>)
      tpu.yield
    }) : () -> ()
    %dma_wait3A_43 = arith.constant 0 : i32
    %dma_wait3A_44 = arith.constant 0 : i32
    %dma_wait3A_45 = tpu.memref_slice %arg2[%dma_wait3A_43, %dma_wait3A_44] : memref<10000x128xf32, #tpu.memory_space<hbm>> -> memref<10000x128xf32, #tpu.memory_space<hbm>>
    tpu.wait_indirect_dma semaphore(%arg22 : memref<!tpu.dma_semaphore, #tpu.memory_space<semaphore_mem>>) src(%dma_wait3A_45 : memref<10000x128xf32, #tpu.memory_space<hbm>>) dst(%arg16 : memref<80x128xf32, #tpu.memory_space<vmem>>)
    "tpu.region"() ({
      %run_scoped3A = tpu.sem_alloc : memref<!tpu.dma_semaphore, #tpu.memory_space<semaphore_mem>>
      %dma_start3A_68 = arith.constant 0 : i32
      %dma_start3A_69 = arith.constant 0 : i32
      %dma_start3A_70 = tpu.memref_slice %arg20[%dma_start3A_68, %dma_start3A_69] : memref<10112x128xf32, #tpu.memory_space<vmem_shared>> -> memref<10112x128xf32, #tpu.memory_space<vmem_shared>>
      tpu.enqueue_indirect_dma source(%arg16 : memref<80x128xf32, #tpu.memory_space<vmem>>) target(%dma_start3A_70 : memref<10112x128xf32, #tpu.memory_space<vmem_shared>>) offsets(%arg12 : memref<80xi32, #tpu.memory_space<vmem>>) semaphore(%run_scoped3A : memref<!tpu.dma_semaphore, #tpu.memory_space<semaphore_mem>>) {add = true}
      %dma_wait3A_71 = arith.constant 0 : i32
      %dma_wait3A_72 = arith.constant 0 : i32
      %dma_wait3A_73 = tpu.memref_slice %arg20[%dma_wait3A_71, %dma_wait3A_72] : memref<10112x128xf32, #tpu.memory_space<vmem_shared>> -> memref<10112x128xf32, #tpu.memory_space<vmem_shared>>
      tpu.wait_indirect_dma semaphore(%run_scoped3A : memref<!tpu.dma_semaphore, #tpu.memory_space<semaphore_mem>>) src(%arg16 : memref<80x128xf32, #tpu.memory_space<vmem>>) dst(%dma_wait3A_73 : memref<10112x128xf32, #tpu.memory_space<vmem_shared>>)
      tpu.yield
    }) : () -> ()
    %dma_wait3A_46 = arith.constant 0 : i32
    %dma_wait3A_47 = arith.constant 0 : i32
    %dma_wait3A_48 = tpu.memref_slice %arg2[%dma_wait3A_46, %dma_wait3A_47] : memref<10000x128xf32, #tpu.memory_space<hbm>> -> memref<10000x128xf32, #tpu.memory_space<hbm>>
    tpu.wait_indirect_dma semaphore(%arg23 : memref<!tpu.dma_semaphore, #tpu.memory_space<semaphore_mem>>) src(%dma_wait3A_48 : memref<10000x128xf32, #tpu.memory_space<hbm>>) dst(%arg17 : memref<80x128xf32, #tpu.memory_space<vmem>>)
    "tpu.region"() ({
      %run_scoped3A = tpu.sem_alloc : memref<!tpu.dma_semaphore, #tpu.memory_space<semaphore_mem>>
      %dma_start3A_68 = arith.constant 0 : i32
      %dma_start3A_69 = arith.constant 0 : i32
      %dma_start3A_70 = tpu.memref_slice %arg20[%dma_start3A_68, %dma_start3A_69] : memref<10112x128xf32, #tpu.memory_space<vmem_shared>> -> memref<10112x128xf32, #tpu.memory_space<vmem_shared>>
      tpu.enqueue_indirect_dma source(%arg17 : memref<80x128xf32, #tpu.memory_space<vmem>>) target(%dma_start3A_70 : memref<10112x128xf32, #tpu.memory_space<vmem_shared>>) offsets(%arg13 : memref<80xi32, #tpu.memory_space<vmem>>) semaphore(%run_scoped3A : memref<!tpu.dma_semaphore, #tpu.memory_space<semaphore_mem>>) {add = true}
      %dma_wait3A_71 = arith.constant 0 : i32
      %dma_wait3A_72 = arith.constant 0 : i32
      %dma_wait3A_73 = tpu.memref_slice %arg20[%dma_wait3A_71, %dma_wait3A_72] : memref<10112x128xf32, #tpu.memory_space<vmem_shared>> -> memref<10112x128xf32, #tpu.memory_space<vmem_shared>>
      tpu.wait_indirect_dma semaphore(%run_scoped3A : memref<!tpu.dma_semaphore, #tpu.memory_space<semaphore_mem>>) src(%arg17 : memref<80x128xf32, #tpu.memory_space<vmem>>) dst(%dma_wait3A_73 : memref<10112x128xf32, #tpu.memory_space<vmem_shared>>)
      tpu.yield
    }) : () -> ()
    %dma_wait3A_49 = arith.constant 0 : i32
    %dma_wait3A_50 = arith.constant 0 : i32
    %dma_wait3A_51 = tpu.memref_slice %arg2[%dma_wait3A_49, %dma_wait3A_50] : memref<10000x128xf32, #tpu.memory_space<hbm>> -> memref<10000x128xf32, #tpu.memory_space<hbm>>
    tpu.wait_indirect_dma semaphore(%arg24 : memref<!tpu.dma_semaphore, #tpu.memory_space<semaphore_mem>>) src(%dma_wait3A_51 : memref<10000x128xf32, #tpu.memory_space<hbm>>) dst(%arg18 : memref<80x128xf32, #tpu.memory_space<vmem>>)
    "tpu.region"() ({
      %run_scoped3A = tpu.sem_alloc : memref<!tpu.dma_semaphore, #tpu.memory_space<semaphore_mem>>
      %dma_start3A_68 = arith.constant 0 : i32
      %dma_start3A_69 = arith.constant 0 : i32
      %dma_start3A_70 = tpu.memref_slice %arg20[%dma_start3A_68, %dma_start3A_69] : memref<10112x128xf32, #tpu.memory_space<vmem_shared>> -> memref<10112x128xf32, #tpu.memory_space<vmem_shared>>
      tpu.enqueue_indirect_dma source(%arg18 : memref<80x128xf32, #tpu.memory_space<vmem>>) target(%dma_start3A_70 : memref<10112x128xf32, #tpu.memory_space<vmem_shared>>) offsets(%arg14 : memref<80xi32, #tpu.memory_space<vmem>>) semaphore(%run_scoped3A : memref<!tpu.dma_semaphore, #tpu.memory_space<semaphore_mem>>) {add = true}
      %dma_wait3A_71 = arith.constant 0 : i32
      %dma_wait3A_72 = arith.constant 0 : i32
      %dma_wait3A_73 = tpu.memref_slice %arg20[%dma_wait3A_71, %dma_wait3A_72] : memref<10112x128xf32, #tpu.memory_space<vmem_shared>> -> memref<10112x128xf32, #tpu.memory_space<vmem_shared>>
      tpu.wait_indirect_dma semaphore(%run_scoped3A : memref<!tpu.dma_semaphore, #tpu.memory_space<semaphore_mem>>) src(%arg18 : memref<80x128xf32, #tpu.memory_space<vmem>>) dst(%dma_wait3A_73 : memref<10112x128xf32, #tpu.memory_space<vmem_shared>>)
      tpu.yield
    }) : () -> ()
    %mul3A_52 = arith.constant 125 : i32
    %mul3A_53 = arith.muli %add3A, %mul3A_52 : i32
    %add3A_54 = arith.constant 124 : i32
    %add3A_55 = arith.addi %mul3A_53, %add3A_54 : i32
    %add3A_56 = arith.constant 0 : i32
    %add3A_57 = arith.addi %add3A_55, %add3A_56 : i32
    "tpu.region"() ({
      %run_scoped3A = tpu.sem_alloc : memref<!tpu.dma_semaphore, #tpu.memory_space<semaphore_mem>>
      %dma_start3A_68 = arith.constant 0 : i32
      %dma_start3A_69 = tpu.memref_slice %arg3[%add3A_57, %dma_start3A_68] : memref<4000x80xi32, #tpu.memory_space<hbm>> -> memref<1x80xi32, #tpu.memory_space<hbm>>
      %dma_start3A_70 = tpu.memref_squeeze %dma_start3A_69 : memref<1x80xi32, #tpu.memory_space<hbm>> -> memref<80xi32, #tpu.memory_space<hbm>>
      %dma_start3A_71 = arith.constant 0 : i32
      %dma_start3A_72 = tpu.memref_slice %arg3[%add3A_57, %dma_start3A_71] : memref<4000x80xi32, #tpu.memory_space<hbm>> -> memref<1x80xi32, #tpu.memory_space<hbm>>
      %dma_start3A_73 = tpu.memref_squeeze %dma_start3A_72 : memref<1x80xi32, #tpu.memory_space<hbm>> -> memref<80xi32, #tpu.memory_space<hbm>>
      tpu.enqueue_dma source(%dma_start3A_73 : memref<80xi32, #tpu.memory_space<hbm>>) target(%arg7 : memref<80xi32, #tpu.memory_space<vmem>>) target_semaphore(%run_scoped3A : memref<!tpu.dma_semaphore, #tpu.memory_space<semaphore_mem>>)
      %dma_wait3A_74 = arith.constant 0 : i32
      %dma_wait3A_75 = tpu.memref_slice %arg3[%add3A_57, %dma_wait3A_74] : memref<4000x80xi32, #tpu.memory_space<hbm>> -> memref<1x80xi32, #tpu.memory_space<hbm>>
      %dma_wait3A_76 = tpu.memref_squeeze %dma_wait3A_75 : memref<1x80xi32, #tpu.memory_space<hbm>> -> memref<80xi32, #tpu.memory_space<hbm>>
      %dma_wait3A_77 = arith.constant 0 : i32
      %dma_wait3A_78 = tpu.memref_slice %arg3[%add3A_57, %dma_wait3A_77] : memref<4000x80xi32, #tpu.memory_space<hbm>> -> memref<1x80xi32, #tpu.memory_space<hbm>>
      %dma_wait3A_79 = tpu.memref_squeeze %dma_wait3A_78 : memref<1x80xi32, #tpu.memory_space<hbm>> -> memref<80xi32, #tpu.memory_space<hbm>>
      tpu.wait_dma2 semaphore(%run_scoped3A : memref<!tpu.dma_semaphore, #tpu.memory_space<semaphore_mem>>) src(%dma_wait3A_79 : memref<80xi32, #tpu.memory_space<hbm>>) dst(%arg7 : memref<80xi32, #tpu.memory_space<vmem>>)
      tpu.yield
    }) : () -> ()
    "tpu.region"() ({
      %run_scoped3A = tpu.sem_alloc : memref<!tpu.dma_semaphore, #tpu.memory_space<semaphore_mem>>
      %dma_start3A_68 = arith.constant 0 : i32
      %dma_start3A_69 = tpu.memref_slice %arg4[%add3A_57, %dma_start3A_68] : memref<4000x80xi32, #tpu.memory_space<hbm>> -> memref<1x80xi32, #tpu.memory_space<hbm>>
      %dma_start3A_70 = tpu.memref_squeeze %dma_start3A_69 : memref<1x80xi32, #tpu.memory_space<hbm>> -> memref<80xi32, #tpu.memory_space<hbm>>
      %dma_start3A_71 = arith.constant 0 : i32
      %dma_start3A_72 = tpu.memref_slice %arg4[%add3A_57, %dma_start3A_71] : memref<4000x80xi32, #tpu.memory_space<hbm>> -> memref<1x80xi32, #tpu.memory_space<hbm>>
      %dma_start3A_73 = tpu.memref_squeeze %dma_start3A_72 : memref<1x80xi32, #tpu.memory_space<hbm>> -> memref<80xi32, #tpu.memory_space<hbm>>
      tpu.enqueue_dma source(%dma_start3A_73 : memref<80xi32, #tpu.memory_space<hbm>>) target(%arg11 : memref<80xi32, #tpu.memory_space<vmem>>) target_semaphore(%run_scoped3A : memref<!tpu.dma_semaphore, #tpu.memory_space<semaphore_mem>>)
      %dma_wait3A_74 = arith.constant 0 : i32
      %dma_wait3A_75 = tpu.memref_slice %arg4[%add3A_57, %dma_wait3A_74] : memref<4000x80xi32, #tpu.memory_space<hbm>> -> memref<1x80xi32, #tpu.memory_space<hbm>>
      %dma_wait3A_76 = tpu.memref_squeeze %dma_wait3A_75 : memref<1x80xi32, #tpu.memory_space<hbm>> -> memref<80xi32, #tpu.memory_space<hbm>>
      %dma_wait3A_77 = arith.constant 0 : i32
      %dma_wait3A_78 = tpu.memref_slice %arg4[%add3A_57, %dma_wait3A_77] : memref<4000x80xi32, #tpu.memory_space<hbm>> -> memref<1x80xi32, #tpu.memory_space<hbm>>
      %dma_wait3A_79 = tpu.memref_squeeze %dma_wait3A_78 : memref<1x80xi32, #tpu.memory_space<hbm>> -> memref<80xi32, #tpu.memory_space<hbm>>
      tpu.wait_dma2 semaphore(%run_scoped3A : memref<!tpu.dma_semaphore, #tpu.memory_space<semaphore_mem>>) src(%dma_wait3A_79 : memref<80xi32, #tpu.memory_space<hbm>>) dst(%arg11 : memref<80xi32, #tpu.memory_space<vmem>>)
      tpu.yield
    }) : () -> ()
    %dma_start3A_58 = arith.constant 0 : i32
    %dma_start3A_59 = arith.constant 0 : i32
    %dma_start3A_60 = tpu.memref_slice %arg2[%dma_start3A_58, %dma_start3A_59] : memref<10000x128xf32, #tpu.memory_space<hbm>> -> memref<10000x128xf32, #tpu.memory_space<hbm>>
    tpu.enqueue_indirect_dma source(%dma_start3A_60 : memref<10000x128xf32, #tpu.memory_space<hbm>>) target(%arg15 : memref<80x128xf32, #tpu.memory_space<vmem>>) offsets(%arg7 : memref<80xi32, #tpu.memory_space<vmem>>) semaphore(%arg21 : memref<!tpu.dma_semaphore, #tpu.memory_space<semaphore_mem>>)
    %dma_wait3A_61 = arith.constant 0 : i32
    %dma_wait3A_62 = arith.constant 0 : i32
    %dma_wait3A_63 = tpu.memref_slice %arg2[%dma_wait3A_61, %dma_wait3A_62] : memref<10000x128xf32, #tpu.memory_space<hbm>> -> memref<10000x128xf32, #tpu.memory_space<hbm>>
    tpu.wait_indirect_dma semaphore(%arg21 : memref<!tpu.dma_semaphore, #tpu.memory_space<semaphore_mem>>) src(%dma_wait3A_63 : memref<10000x128xf32, #tpu.memory_space<hbm>>) dst(%arg15 : memref<80x128xf32, #tpu.memory_space<vmem>>)
    "tpu.region"() ({
      %run_scoped3A = tpu.sem_alloc : memref<!tpu.dma_semaphore, #tpu.memory_space<semaphore_mem>>
      %dma_start3A_68 = arith.constant 0 : i32
      %dma_start3A_69 = arith.constant 0 : i32
      %dma_start3A_70 = tpu.memref_slice %arg20[%dma_start3A_68, %dma_start3A_69] : memref<10112x128xf32, #tpu.memory_space<vmem_shared>> -> memref<10112x128xf32, #tpu.memory_space<vmem_shared>>
      tpu.enqueue_indirect_dma source(%arg15 : memref<80x128xf32, #tpu.memory_space<vmem>>) target(%dma_start3A_70 : memref<10112x128xf32, #tpu.memory_space<vmem_shared>>) offsets(%arg11 : memref<80xi32, #tpu.memory_space<vmem>>) semaphore(%run_scoped3A : memref<!tpu.dma_semaphore, #tpu.memory_space<semaphore_mem>>) {add = true}
      %dma_wait3A_71 = arith.constant 0 : i32
      %dma_wait3A_72 = arith.constant 0 : i32
      %dma_wait3A_73 = tpu.memref_slice %arg20[%dma_wait3A_71, %dma_wait3A_72] : memref<10112x128xf32, #tpu.memory_space<vmem_shared>> -> memref<10112x128xf32, #tpu.memory_space<vmem_shared>>
      tpu.wait_indirect_dma semaphore(%run_scoped3A : memref<!tpu.dma_semaphore, #tpu.memory_space<semaphore_mem>>) src(%arg15 : memref<80x128xf32, #tpu.memory_space<vmem>>) dst(%dma_wait3A_73 : memref<10112x128xf32, #tpu.memory_space<vmem_shared>>)
      tpu.yield
    }) : () -> ()
    %barrier3A_64 = arith.constant 0 : index
    tpu.barrier barrier_id(%barrier3A_64)
    %mul3A_65 = arith.constant 10112 : i32
    %mul3A_66 = arith.muli %arg0, %mul3A_65 : i32
    %add3A_67 = arith.addi %mul3A_66, %mul3A_2 : i32
    "tpu.region"() ({
      %run_scoped3A = tpu.sem_alloc : memref<!tpu.dma_semaphore, #tpu.memory_space<semaphore_mem>>
      %dma_start3A_68 = arith.constant 0 : i32
      %dma_start3A_69 = tpu.memref_slice %arg6[%add3A_67, %dma_start3A_68] : memref<20224x128xf32, #tpu.memory_space<hbm>> -> memref<632x128xf32, #tpu.memory_space<hbm>>
      %dma_start3A_70 = arith.constant 0 : i32
      %dma_start3A_71 = tpu.memref_slice %arg20[%mul3A_2, %dma_start3A_70] : memref<10112x128xf32, #tpu.memory_space<vmem_shared>> -> memref<632x128xf32, #tpu.memory_space<vmem_shared>>
      tpu.enqueue_dma source(%dma_start3A_71 : memref<632x128xf32, #tpu.memory_space<vmem_shared>>) target(%dma_start3A_69 : memref<632x128xf32, #tpu.memory_space<hbm>>) target_semaphore(%run_scoped3A : memref<!tpu.dma_semaphore, #tpu.memory_space<semaphore_mem>>)
      %dma_wait3A_72 = arith.constant 0 : i32
      %dma_wait3A_73 = tpu.memref_slice %arg6[%add3A_67, %dma_wait3A_72] : memref<20224x128xf32, #tpu.memory_space<hbm>> -> memref<632x128xf32, #tpu.memory_space<hbm>>
      %dma_wait3A_74 = arith.constant 0 : i32
      %dma_wait3A_75 = tpu.memref_slice %arg20[%mul3A_2, %dma_wait3A_74] : memref<10112x128xf32, #tpu.memory_space<vmem_shared>> -> memref<632x128xf32, #tpu.memory_space<vmem_shared>>
      tpu.wait_dma2 semaphore(%run_scoped3A : memref<!tpu.dma_semaphore, #tpu.memory_space<semaphore_mem>>) src(%dma_wait3A_75 : memref<632x128xf32, #tpu.memory_space<vmem_shared>>) dst(%dma_wait3A_73 : memref<632x128xf32, #tpu.memory_space<hbm>>)
      tpu.yield
    }) : () -> ()
    return
  }
}

module attributes {stable_mosaic.version = 14 : i64} {
  func.func @_proj_body(%arg0: i32, %arg1: memref<1000x128xf32, #tpu.memory_space<vmem>>, %arg2: memref<128x128xf32, #tpu.memory_space<vmem>>, %arg3: memref<1x128xf32, #tpu.memory_space<vmem>>, %arg4: memref<1000x128xf32, #tpu.memory_space<vmem>>) attributes {dimension_semantics = [#tpu.dimension_semantics<arbitrary>], iteration_bounds = array<i64: 10>, scalar_prefetch = 0 : i64, scratch_operands = 0 : i64, tpu.core_type = #tpu.core_type<tc>, window_params = [{transform_indices = @transform_0, window_bounds = array<i64: 1000, 128>}, {pipeline_mode = #tpu.pipeline_mode<synchronous>, transform_indices = @transform_1, window_bounds = array<i64: 128, 128>}, {pipeline_mode = #tpu.pipeline_mode<synchronous>, transform_indices = @transform_2, window_bounds = array<i64: 1, 128>}, {transform_indices = @transform_3, window_bounds = array<i64: 1000, 128>}]} {
    %get3A = arith.constant 0 : index
    %get3A_0 = arith.constant 0 : index
    %get3A_1 = vector.load %arg1[%get3A, %get3A_0] : memref<1000x128xf32, #tpu.memory_space<vmem>>, vector<1000x128xf32>
    %get3A_2 = arith.constant 0 : index
    %get3A_3 = arith.constant 0 : index
    %get3A_4 = vector.load %arg2[%get3A_2, %get3A_3] : memref<128x128xf32, #tpu.memory_space<vmem>>, vector<128x128xf32>
    %dot_general3A = arith.constant dense<0.000000e+00> : vector<1000x128xf32>
    %dot_general3A_5 = tpu.matmul %get3A_1, %get3A_4, %dot_general3A {dimension_numbers = #tpu.dot_dimension_numbers<[1], [0], [0], [1], [0, 0, 1, 1], [], []>, transpose_lhs_hint = false} : vector<1000x128xf32>, vector<128x128xf32>, vector<1000x128xf32> -> vector<1000x128xf32>
    %get3A_6 = arith.constant 0 : index
    %get3A_7 = arith.constant 0 : index
    %get3A_8 = vector.load %arg3[%get3A_6, %get3A_7] : memref<1x128xf32, #tpu.memory_space<vmem>>, vector<1x128xf32>
    %add3A = vector.broadcast %get3A_8 : vector<1x128xf32> to vector<1000x128xf32>
    %add3A_9 = arith.addf %dot_general3A_5, %add3A : vector<1000x128xf32>
    %max3A = arith.constant 0.000000e+00 : f32
    %max3A_10 = vector.broadcast %max3A : f32 to vector<1000x128xf32>
    %max3A_11 = arith.maximumf %add3A_9, %max3A_10 : vector<1000x128xf32>
    %swap3A = arith.constant 0 : index
    %swap3A_12 = arith.constant 0 : index
    %swap3A_13 = vector.load %arg4[%swap3A, %swap3A_12] : memref<1000x128xf32, #tpu.memory_space<vmem>>, vector<1000x128xf32>
    tpu.vector_store %arg4[%swap3A, %swap3A_12], %max3A_11 {strides = array<i32>} : memref<1000x128xf32, #tpu.memory_space<vmem>>, vector<1000x128xf32>,
    return
  }
  func.func @transform_0(%arg0: i32) -> (i32, i32) {
    %c0_i32 = arith.constant 0 : i32
    %c0_i32_0 = arith.constant 0 : i32
    return %arg0, %c0_i32 : i32, i32
  }
  func.func @transform_1(%arg0: i32) -> (i32, i32) {
    %c0_i32 = arith.constant 0 : i32
    %c0_i32_0 = arith.constant 0 : i32
    %c0_i32_1 = arith.constant 0 : i32
    return %c0_i32, %c0_i32_0 : i32, i32
  }
  func.func @transform_2(%arg0: i32) -> (i32, i32) {
    %c0_i32 = arith.constant 0 : i32
    %c0_i32_0 = arith.constant 0 : i32
    %c0_i32_1 = arith.constant 0 : i32
    return %c0_i32, %c0_i32_0 : i32, i32
  }
  func.func @transform_3(%arg0: i32) -> (i32, i32) {
    %c0_i32 = arith.constant 0 : i32
    %c0_i32_0 = arith.constant 0 : i32
    return %arg0, %c0_i32 : i32, i32
  }
}

module attributes {stable_mosaic.version = 14 : i64} {
  func.func @_sage_body(%arg0: i32, %arg1: memref<1000x128xf32, #tpu.memory_space<vmem>>, %arg2: memref<1000x128xf32, #tpu.memory_space<vmem>>, %arg3: memref<1000x128xf32, #tpu.memory_space<vmem>>, %arg4: memref<1000x1xf32, #tpu.memory_space<vmem>>, %arg5: memref<1000x1xf32, #tpu.memory_space<vmem>>, %arg6: memref<1000x1xf32, #tpu.memory_space<vmem>>, %arg7: memref<128x128xf32, #tpu.memory_space<vmem>>, %arg8: memref<1x128xf32, #tpu.memory_space<vmem>>, %arg9: memref<128x128xf32, #tpu.memory_space<vmem>>, %arg10: memref<1x128xf32, #tpu.memory_space<vmem>>, %arg11: memref<1000x128xf32, #tpu.memory_space<vmem>>) attributes {dimension_semantics = [#tpu.dimension_semantics<arbitrary>], iteration_bounds = array<i64: 10>, scalar_prefetch = 0 : i64, scratch_operands = 0 : i64, tpu.core_type = #tpu.core_type<tc>, window_params = [{transform_indices = @transform_0, window_bounds = array<i64: 1000, 128>}, {transform_indices = @transform_1, window_bounds = array<i64: 1000, 128>}, {transform_indices = @transform_2, window_bounds = array<i64: 1000, 128>}, {transform_indices = @transform_3, window_bounds = array<i64: 1000, 1>}, {transform_indices = @transform_4, window_bounds = array<i64: 1000, 1>}, {transform_indices = @transform_5, window_bounds = array<i64: 1000, 1>}, {pipeline_mode = #tpu.pipeline_mode<synchronous>, transform_indices = @transform_6, window_bounds = array<i64: 128, 128>}, {pipeline_mode = #tpu.pipeline_mode<synchronous>, transform_indices = @transform_7, window_bounds = array<i64: 1, 128>}, {pipeline_mode = #tpu.pipeline_mode<synchronous>, transform_indices = @transform_8, window_bounds = array<i64: 128, 128>}, {pipeline_mode = #tpu.pipeline_mode<synchronous>, transform_indices = @transform_9, window_bounds = array<i64: 1, 128>}, {transform_indices = @transform_10, window_bounds = array<i64: 1000, 128>}]} {
    %get3A = arith.constant 0 : index
    %get3A_0 = arith.constant 0 : index
    %get3A_1 = vector.load %arg1[%get3A, %get3A_0] : memref<1000x128xf32, #tpu.memory_space<vmem>>, vector<1000x128xf32>
    %get3A_2 = arith.constant 0 : index
    %get3A_3 = arith.constant 0 : index
    %get3A_4 = vector.load %arg2[%get3A_2, %get3A_3] : memref<1000x128xf32, #tpu.memory_space<vmem>>, vector<1000x128xf32>
    %get3A_5 = arith.constant 0 : index
    %get3A_6 = arith.constant 0 : index
    %get3A_7 = vector.load %arg3[%get3A_5, %get3A_6] : memref<1000x128xf32, #tpu.memory_space<vmem>>, vector<1000x128xf32>
    %add3A = arith.addf %get3A_4, %get3A_7 : vector<1000x128xf32>
    %get3A_8 = arith.constant 0 : index
    %get3A_9 = arith.constant 0 : index
    %get3A_10 = vector.load %arg4[%get3A_8, %get3A_9] : memref<1000x1xf32, #tpu.memory_space<vmem>>, vector<1000x1xf32>
    %get3A_11 = arith.constant 0 : index
    %get3A_12 = arith.constant 0 : index
    %get3A_13 = vector.load %arg5[%get3A_11, %get3A_12] : memref<1000x1xf32, #tpu.memory_space<vmem>>, vector<1000x1xf32>
    %add3A_14 = arith.addf %get3A_10, %get3A_13 : vector<1000x1xf32>
    %max3A = arith.constant 1.000000e+00 : f32
    %max3A_15 = vector.broadcast %max3A : f32 to vector<1000x1xf32>
    %max3A_16 = arith.maximumf %add3A_14, %max3A_15 : vector<1000x1xf32>
    %div3A = vector.broadcast %max3A_16 : vector<1000x1xf32> to vector<1000x128xf32>
    %div3A_17 = arith.divf %add3A, %div3A : vector<1000x128xf32>
    %get3A_18 = arith.constant 0 : index
    %get3A_19 = arith.constant 0 : index
    %get3A_20 = vector.load %arg7[%get3A_18, %get3A_19] : memref<128x128xf32, #tpu.memory_space<vmem>>, vector<128x128xf32>
    %dot_general3A = arith.constant dense<0.000000e+00> : vector<1000x128xf32>
    %dot_general3A_21 = tpu.matmul %get3A_1, %get3A_20, %dot_general3A {dimension_numbers = #tpu.dot_dimension_numbers<[1], [0], [0], [1], [0, 0, 1, 1], [], []>, transpose_lhs_hint = false} : vector<1000x128xf32>, vector<128x128xf32>, vector<1000x128xf32> -> vector<1000x128xf32>
    %get3A_22 = arith.constant 0 : index
    %get3A_23 = arith.constant 0 : index
    %get3A_24 = vector.load %arg8[%get3A_22, %get3A_23] : memref<1x128xf32, #tpu.memory_space<vmem>>, vector<1x128xf32>
    %add3A_25 = vector.broadcast %get3A_24 : vector<1x128xf32> to vector<1000x128xf32>
    %add3A_26 = arith.addf %dot_general3A_21, %add3A_25 : vector<1000x128xf32>
    %get3A_27 = arith.constant 0 : index
    %get3A_28 = arith.constant 0 : index
    %get3A_29 = vector.load %arg9[%get3A_27, %get3A_28] : memref<128x128xf32, #tpu.memory_space<vmem>>, vector<128x128xf32>
    %dot_general3A_30 = arith.constant dense<0.000000e+00> : vector<1000x128xf32>
    %dot_general3A_31 = tpu.matmul %div3A_17, %get3A_29, %dot_general3A_30 {dimension_numbers = #tpu.dot_dimension_numbers<[1], [0], [0], [1], [0, 0, 1, 1], [], []>, transpose_lhs_hint = false} : vector<1000x128xf32>, vector<128x128xf32>, vector<1000x128xf32> -> vector<1000x128xf32>
    %add3A_32 = arith.addf %add3A_26, %dot_general3A_31 : vector<1000x128xf32>
    %get3A_33 = arith.constant 0 : index
    %get3A_34 = arith.constant 0 : index
    %get3A_35 = vector.load %arg10[%get3A_33, %get3A_34] : memref<1x128xf32, #tpu.memory_space<vmem>>, vector<1x128xf32>
    %add3A_36 = vector.broadcast %get3A_35 : vector<1x128xf32> to vector<1000x128xf32>
    %add3A_37 = arith.addf %add3A_32, %add3A_36 : vector<1000x128xf32>
    %max3A_38 = arith.constant 0.000000e+00 : f32
    %max3A_39 = vector.broadcast %max3A_38 : f32 to vector<1000x128xf32>
    %max3A_40 = arith.maximumf %add3A_37, %max3A_39 : vector<1000x128xf32>
    %get3A_41 = arith.constant 0 : index
    %get3A_42 = arith.constant 0 : index
    %get3A_43 = vector.load %arg6[%get3A_41, %get3A_42] : memref<1000x1xf32, #tpu.memory_space<vmem>>, vector<1000x1xf32>
    %mul3A = vector.broadcast %get3A_43 : vector<1000x1xf32> to vector<1000x128xf32>
    %mul3A_44 = arith.mulf %max3A_40, %mul3A : vector<1000x128xf32>
    %swap3A = arith.constant 0 : index
    %swap3A_45 = arith.constant 0 : index
    %swap3A_46 = vector.load %arg11[%swap3A, %swap3A_45] : memref<1000x128xf32, #tpu.memory_space<vmem>>, vector<1000x128xf32>
    tpu.vector_store %arg11[%swap3A, %swap3A_45], %mul3A_44 {strides = array<i32>} : memref<1000x128xf32, #tpu.memory_space<vmem>>, vector<1000x128xf32>,
    return
  }
  func.func @transform_0(%arg0: i32) -> (i32, i32) {
    %c0_i32 = arith.constant 0 : i32
    %c0_i32_0 = arith.constant 0 : i32
    return %arg0, %c0_i32 : i32, i32
  }
  func.func @transform_1(%arg0: i32) -> (i32, i32) {
    %c0_i32 = arith.constant 0 : i32
    %c0_i32_0 = arith.constant 0 : i32
    return %arg0, %c0_i32 : i32, i32
  }
  func.func @transform_2(%arg0: i32) -> (i32, i32) {
    %c0_i32 = arith.constant 0 : i32
    %c0_i32_0 = arith.constant 0 : i32
    return %arg0, %c0_i32 : i32, i32
  }
  func.func @transform_3(%arg0: i32) -> (i32, i32) {
    %c0_i32 = arith.constant 0 : i32
    %c0_i32_0 = arith.constant 0 : i32
    return %arg0, %c0_i32 : i32, i32
  }
  func.func @transform_4(%arg0: i32) -> (i32, i32) {
    %c0_i32 = arith.constant 0 : i32
    %c0_i32_0 = arith.constant 0 : i32
    return %arg0, %c0_i32 : i32, i32
  }
  func.func @transform_5(%arg0: i32) -> (i32, i32) {
    %c0_i32 = arith.constant 0 : i32
    %c0_i32_0 = arith.constant 0 : i32
    return %arg0, %c0_i32 : i32, i32
  }
  func.func @transform_6(%arg0: i32) -> (i32, i32) {
    %c0_i32 = arith.constant 0 : i32
    %c0_i32_0 = arith.constant 0 : i32
    %c0_i32_1 = arith.constant 0 : i32
    return %c0_i32, %c0_i32_0 : i32, i32
  }
  func.func @transform_7(%arg0: i32) -> (i32, i32) {
    %c0_i32 = arith.constant 0 : i32
    %c0_i32_0 = arith.constant 0 : i32
    %c0_i32_1 = arith.constant 0 : i32
    return %c0_i32, %c0_i32_0 : i32, i32
  }
  func.func @transform_8(%arg0: i32) -> (i32, i32) {
    %c0_i32 = arith.constant 0 : i32
    %c0_i32_0 = arith.constant 0 : i32
    %c0_i32_1 = arith.constant 0 : i32
    return %c0_i32, %c0_i32_0 : i32, i32
  }
  func.func @transform_9(%arg0: i32) -> (i32, i32) {
    %c0_i32 = arith.constant 0 : i32
    %c0_i32_0 = arith.constant 0 : i32
    %c0_i32_1 = arith.constant 0 : i32
    return %c0_i32, %c0_i32_0 : i32, i32
  }
  func.func @transform_10(%arg0: i32) -> (i32, i32) {
    %c0_i32 = arith.constant 0 : i32
    %c0_i32_0 = arith.constant 0 : i32
    return %arg0, %c0_i32 : i32, i32
  }
}

module attributes {stable_mosaic.version = 14 : i64} {
  func.func @_sage_body(%arg0: i32, %arg1: memref<1000x128xf32, #tpu.memory_space<vmem>>, %arg2: memref<1000x128xf32, #tpu.memory_space<vmem>>, %arg3: memref<1000x128xf32, #tpu.memory_space<vmem>>, %arg4: memref<1000x1xf32, #tpu.memory_space<vmem>>, %arg5: memref<1000x1xf32, #tpu.memory_space<vmem>>, %arg6: memref<1000x1xf32, #tpu.memory_space<vmem>>, %arg7: memref<128x128xf32, #tpu.memory_space<vmem>>, %arg8: memref<1x128xf32, #tpu.memory_space<vmem>>, %arg9: memref<128x128xf32, #tpu.memory_space<vmem>>, %arg10: memref<1x128xf32, #tpu.memory_space<vmem>>, %arg11: memref<1000x128xf32, #tpu.memory_space<vmem>>) attributes {dimension_semantics = [#tpu.dimension_semantics<arbitrary>], iteration_bounds = array<i64: 10>, scalar_prefetch = 0 : i64, scratch_operands = 0 : i64, tpu.core_type = #tpu.core_type<tc>, window_params = [{transform_indices = @transform_0, window_bounds = array<i64: 1000, 128>}, {transform_indices = @transform_1, window_bounds = array<i64: 1000, 128>}, {transform_indices = @transform_2, window_bounds = array<i64: 1000, 128>}, {transform_indices = @transform_3, window_bounds = array<i64: 1000, 1>}, {transform_indices = @transform_4, window_bounds = array<i64: 1000, 1>}, {transform_indices = @transform_5, window_bounds = array<i64: 1000, 1>}, {pipeline_mode = #tpu.pipeline_mode<synchronous>, transform_indices = @transform_6, window_bounds = array<i64: 128, 128>}, {pipeline_mode = #tpu.pipeline_mode<synchronous>, transform_indices = @transform_7, window_bounds = array<i64: 1, 128>}, {pipeline_mode = #tpu.pipeline_mode<synchronous>, transform_indices = @transform_8, window_bounds = array<i64: 128, 128>}, {pipeline_mode = #tpu.pipeline_mode<synchronous>, transform_indices = @transform_9, window_bounds = array<i64: 1, 128>}, {transform_indices = @transform_10, window_bounds = array<i64: 1000, 128>}]} {
    %get3A = arith.constant 0 : index
    %get3A_0 = arith.constant 0 : index
    %get3A_1 = vector.load %arg1[%get3A, %get3A_0] : memref<1000x128xf32, #tpu.memory_space<vmem>>, vector<1000x128xf32>
    %get3A_2 = arith.constant 0 : index
    %get3A_3 = arith.constant 0 : index
    %get3A_4 = vector.load %arg2[%get3A_2, %get3A_3] : memref<1000x128xf32, #tpu.memory_space<vmem>>, vector<1000x128xf32>
    %get3A_5 = arith.constant 0 : index
    %get3A_6 = arith.constant 0 : index
    %get3A_7 = vector.load %arg3[%get3A_5, %get3A_6] : memref<1000x128xf32, #tpu.memory_space<vmem>>, vector<1000x128xf32>
    %add3A = arith.addf %get3A_4, %get3A_7 : vector<1000x128xf32>
    %get3A_8 = arith.constant 0 : index
    %get3A_9 = arith.constant 0 : index
    %get3A_10 = vector.load %arg4[%get3A_8, %get3A_9] : memref<1000x1xf32, #tpu.memory_space<vmem>>, vector<1000x1xf32>
    %get3A_11 = arith.constant 0 : index
    %get3A_12 = arith.constant 0 : index
    %get3A_13 = vector.load %arg5[%get3A_11, %get3A_12] : memref<1000x1xf32, #tpu.memory_space<vmem>>, vector<1000x1xf32>
    %add3A_14 = arith.addf %get3A_10, %get3A_13 : vector<1000x1xf32>
    %max3A = arith.constant 1.000000e+00 : f32
    %max3A_15 = vector.broadcast %max3A : f32 to vector<1000x1xf32>
    %max3A_16 = arith.maximumf %add3A_14, %max3A_15 : vector<1000x1xf32>
    %div3A = vector.broadcast %max3A_16 : vector<1000x1xf32> to vector<1000x128xf32>
    %div3A_17 = arith.divf %add3A, %div3A : vector<1000x128xf32>
    %get3A_18 = arith.constant 0 : index
    %get3A_19 = arith.constant 0 : index
    %get3A_20 = vector.load %arg7[%get3A_18, %get3A_19] : memref<128x128xf32, #tpu.memory_space<vmem>>, vector<128x128xf32>
    %dot_general3A = arith.constant dense<0.000000e+00> : vector<1000x128xf32>
    %dot_general3A_21 = tpu.matmul %get3A_1, %get3A_20, %dot_general3A {dimension_numbers = #tpu.dot_dimension_numbers<[1], [0], [0], [1], [0, 0, 1, 1], [], []>, transpose_lhs_hint = false} : vector<1000x128xf32>, vector<128x128xf32>, vector<1000x128xf32> -> vector<1000x128xf32>
    %get3A_22 = arith.constant 0 : index
    %get3A_23 = arith.constant 0 : index
    %get3A_24 = vector.load %arg8[%get3A_22, %get3A_23] : memref<1x128xf32, #tpu.memory_space<vmem>>, vector<1x128xf32>
    %add3A_25 = vector.broadcast %get3A_24 : vector<1x128xf32> to vector<1000x128xf32>
    %add3A_26 = arith.addf %dot_general3A_21, %add3A_25 : vector<1000x128xf32>
    %get3A_27 = arith.constant 0 : index
    %get3A_28 = arith.constant 0 : index
    %get3A_29 = vector.load %arg9[%get3A_27, %get3A_28] : memref<128x128xf32, #tpu.memory_space<vmem>>, vector<128x128xf32>
    %dot_general3A_30 = arith.constant dense<0.000000e+00> : vector<1000x128xf32>
    %dot_general3A_31 = tpu.matmul %div3A_17, %get3A_29, %dot_general3A_30 {dimension_numbers = #tpu.dot_dimension_numbers<[1], [0], [0], [1], [0, 0, 1, 1], [], []>, transpose_lhs_hint = false} : vector<1000x128xf32>, vector<128x128xf32>, vector<1000x128xf32> -> vector<1000x128xf32>
    %add3A_32 = arith.addf %add3A_26, %dot_general3A_31 : vector<1000x128xf32>
    %get3A_33 = arith.constant 0 : index
    %get3A_34 = arith.constant 0 : index
    %get3A_35 = vector.load %arg10[%get3A_33, %get3A_34] : memref<1x128xf32, #tpu.memory_space<vmem>>, vector<1x128xf32>
    %add3A_36 = vector.broadcast %get3A_35 : vector<1x128xf32> to vector<1000x128xf32>
    %add3A_37 = arith.addf %add3A_32, %add3A_36 : vector<1000x128xf32>
    %get3A_38 = arith.constant 0 : index
    %get3A_39 = arith.constant 0 : index
    %get3A_40 = vector.load %arg6[%get3A_38, %get3A_39] : memref<1000x1xf32, #tpu.memory_space<vmem>>, vector<1000x1xf32>
    %mul3A = vector.broadcast %get3A_40 : vector<1000x1xf32> to vector<1000x128xf32>
    %mul3A_41 = arith.mulf %add3A_37, %mul3A : vector<1000x128xf32>
    %swap3A = arith.constant 0 : index
    %swap3A_42 = arith.constant 0 : index
    %swap3A_43 = vector.load %arg11[%swap3A, %swap3A_42] : memref<1000x128xf32, #tpu.memory_space<vmem>>, vector<1000x128xf32>
    tpu.vector_store %arg11[%swap3A, %swap3A_42], %mul3A_41 {strides = array<i32>} : memref<1000x128xf32, #tpu.memory_space<vmem>>, vector<1000x128xf32>,
    return
  }
  func.func @transform_0(%arg0: i32) -> (i32, i32) {
    %c0_i32 = arith.constant 0 : i32
    %c0_i32_0 = arith.constant 0 : i32
    return %arg0, %c0_i32 : i32, i32
  }
  func.func @transform_1(%arg0: i32) -> (i32, i32) {
    %c0_i32 = arith.constant 0 : i32
    %c0_i32_0 = arith.constant 0 : i32
    return %arg0, %c0_i32 : i32, i32
  }
  func.func @transform_2(%arg0: i32) -> (i32, i32) {
    %c0_i32 = arith.constant 0 : i32
    %c0_i32_0 = arith.constant 0 : i32
    return %arg0, %c0_i32 : i32, i32
  }
  func.func @transform_3(%arg0: i32) -> (i32, i32) {
    %c0_i32 = arith.constant 0 : i32
    %c0_i32_0 = arith.constant 0 : i32
    return %arg0, %c0_i32 : i32, i32
  }
  func.func @transform_4(%arg0: i32) -> (i32, i32) {
    %c0_i32 = arith.constant 0 : i32
    %c0_i32_0 = arith.constant 0 : i32
    return %arg0, %c0_i32 : i32, i32
  }
  func.func @transform_5(%arg0: i32) -> (i32, i32) {
    %c0_i32 = arith.constant 0 : i32
    %c0_i32_0 = arith.constant 0 : i32
    return %arg0, %c0_i32 : i32, i32
  }
  func.func @transform_6(%arg0: i32) -> (i32, i32) {
    %c0_i32 = arith.constant 0 : i32
    %c0_i32_0 = arith.constant 0 : i32
    %c0_i32_1 = arith.constant 0 : i32
    return %c0_i32, %c0_i32_0 : i32, i32
  }
  func.func @transform_7(%arg0: i32) -> (i32, i32) {
    %c0_i32 = arith.constant 0 : i32
    %c0_i32_0 = arith.constant 0 : i32
    %c0_i32_1 = arith.constant 0 : i32
    return %c0_i32, %c0_i32_0 : i32, i32
  }
  func.func @transform_8(%arg0: i32) -> (i32, i32) {
    %c0_i32 = arith.constant 0 : i32
    %c0_i32_0 = arith.constant 0 : i32
    %c0_i32_1 = arith.constant 0 : i32
    return %c0_i32, %c0_i32_0 : i32, i32
  }
  func.func @transform_9(%arg0: i32) -> (i32, i32) {
    %c0_i32 = arith.constant 0 : i32
    %c0_i32_0 = arith.constant 0 : i32
    %c0_i32_1 = arith.constant 0 : i32
    return %c0_i32, %c0_i32_0 : i32, i32
  }
  func.func @transform_10(%arg0: i32) -> (i32, i32) {
    %c0_i32 = arith.constant 0 : i32
    %c0_i32_0 = arith.constant 0 : i32
    return %arg0, %c0_i32 : i32, i32
  }
}

</mosaic_0001>

<sc_bundles>
// kernel: kernel.11.cloned.1.call-start
scs
__scs_entry_jumppad:
0x0: {  	(pc) =	sbr.rel $0x88, $3  }
0x1: {  	(tag) =	ssettag $0x0;
	lr =	simm.s32 $0x1  }
0x2: {  	[smem:$0x3F92] =	sst lr;
	_ =	strace $0xD0000000  }
0x3: {  	_ = 	snop  }
0x4: {  	_ = 	snop  }
0x5: {  	_ = 	snop  }
0x6: {  	_ = 	snop  }
0x7: {  	_ = 	snop  }
__scs_overlays_trampoline_lowered:
0x8: {  	[smem:$0x3FA1] =	sst s0  }
0x9: {  	[smem:$0x3FA2] =	sst s1  }
0xa: {  	[smem:$0x3FA3] =	sst s2  }
0xb: {  	[smem:$0x3FA4] =	sst s3  }
0xc: {  	[smem:$0x3FA5] =	sst s4  }
0xd: {  	[smem:$0x3FA6] =	sst s5  }
0xe: {  	[smem:$0x3FA7] =	sst s6  }
0xf: {  	[smem:$0x3FA8] =	sst s7  }
0x10: {  	[smem:$0x3FA9] =	sst s8  }
0x11: {  	[smem:$0x3FAA] =	sst s9;
	s0 =	simm.s32 @!p0 $0x0  }
0x12: {  	s1 =	sld [smem:$0x3F90];
	s0 =	simm.s32 @p0 $0x1  }
0x13: {  	[smem:$0x3FAB] =	sst s0;
	s0 =	simm.s32 @!p1 $0x0  }
0x14: {  	s2 =	sld [smem:$0x3F8F];
	s0 =	simm.s32 @p1 $0x1  }
0x15: {  	[smem:$0x3FAC] =	sst s0;
	s0 =	simm.s32 @!p2 $0x0  }
0x16: {  	s3 =	sld [smem:$0x3FDB];
	s0 =	simm.s32 @p2 $0x1  }
0x17: {  	s4 =	simm.s32 $0x1BF5;
	[smem:$0x3FAE] =	sst s0  }
0x18: {  	s0 =	sld [smem:$0x3F91];
	_ =	swait.ge [sflag:s4], $0x0  }
0x19: {  	s7 =	sld [smem:$0x3F92]  }
0x1a: {  	s8 =	sadd.s32 $0xFFFFE003, lr  }
0x1b: {  	s9 =	sadd.s32 $0xFFFFFEF7, lr;
	s5 =	simm.s32 $0xFFFFFFFF;
	p2 =	slt.u32 s8, $0xFFFFF086  }
0x1c: {  	p1 =	slt.u32 s9, $0xF7A;
	s5 =	simm.s32 @!p2 $0x0  }
0x1d: {  	s5 =	simm.s32 @p1 $0x1;
	p0 =	seq.s32 s7, s2  }
0x1e: {  	s7 =	smul.u32 @!p0 $0xF7A, s2;
	p2 =	seq.s32 @!p0 s5, $0x0  }
0x1f: {  	s9 =	smul.u32 $0xF7A, s1;
	s8 =	simm.s32 @!p0 $0x1BF5;
	p2 =	por !p2, p0  }
0x20: {  	[sflag:s8] =	ssyncset.s32 @!p0 $0xFFFFF086;
	s6 =	sadd.s32 @!p0 s3, s7;
	s7 =	simm.s32 @!p0 $0x108  }
0x21: {  	s3 =	sadd.s32 s3, s9;
	s6 =	sadd.s32 @!p0 $0x88, s6;
	s7 =	simm.s32 @p2 $0x1082  }
0x22: {  	[simem:s7], [sflag:s8] =	dma.local @!p0 [hbm:s6], $0xF7A  }
0x23: {  	s9 =	sor.u32 $0xD0000000, s2;
	s6 =	simm.s32 $0x108;
	_ =	swait.ge @!p0 [sflag:s8], $0x0  }
0x24: {  	s3 =	sadd.s32 $0x88, s3;
	s6 =	simm.s32 @!p1 $0x1082;
	[sflag:s4] =	ssyncset.s32 $0xFFFFF086  }
0x25: {  	[simem:s6], [sflag:s4] =	dma.local [hbm:s3], $0xF7A  }
0x26: {  	[smem:$0x3F92] =	sst s1;
	(tag) =	ssettag s2;
	_ =	strace s9  }
0x27: {  	s1 =	sld [smem:$0x3FA2]  }
0x28: {  	s2 =	sld [smem:$0x3FA3]  }
0x29: {  	s4 =	sld [smem:$0x3FA5]  }
0x2a: {  	p0 =	seq.s32 s5, $0x0;
	s5 =	sld [smem:$0x3FA6]  }
0x2b: {  	s6 =	sld [smem:$0x3FA7]  }
0x2c: {  	s7 =	sld [smem:$0x3FA8]  }
0x2d: {  	s3 =	simm.s32 $0x108;
	s8 =	sld [smem:$0x3FA9]  }
0x2e: {  	s3 =	simm.s32 @!p0 $0x1082;
	s9 =	sld [smem:$0x3FAA]  }
0x2f: {  	lr =	sadd.s32 s0, s3;
	s0 =	sld [smem:$0x3FA1]  }
0x30: {  	s3 =	sld [smem:$0x3FA4]  }
0x31: {  	[smem:$0x3FAD] =	sst s10  }
0x32: {  	s10 =	sld [smem:$0x3FAB];
	_ =	sdelay $0x3  }
0x33: {  	p0 =	seq.s32 s10, $0x1;
	s10 =	sld [smem:$0x3FAD];
	_ =	sdelay $0x3  }
0x34: {  	[smem:$0x3FAD] =	sst s10  }
0x35: {  	s10 =	sld [smem:$0x3FAC];
	_ =	sdelay $0x3  }
0x36: {  	p1 =	seq.s32 s10, $0x1;
	s10 =	sld [smem:$0x3FAD];
	_ =	sdelay $0x3  }
0x37: {  	[smem:$0x3FAD] =	sst s10  }
0x38: {  	s10 =	sld [smem:$0x3FAE]  }
0x39: {  	_ = 	snop;
	(pc) =	sbr.ind lr, $3  }
0x3a: {  	_ = 	snop  }
0x3b: {  	_ = 	snop  }
0x3c: {  	p2 =	seq.s32 s10, $0x1;
	s10 =	sld [smem:$0x3FAD]  }
0x3d: {  	_ =	shalt  }
0x3e: {  	_ =	shalt  }
0x3f: {  	_ =	shalt  }
0x40: {  	_ =	shalt  }
0x41: {  	_ =	shalt  }
0x42: {  	_ =	shalt  }
0x43: {  	_ =	shalt  }
0x44: {  	_ =	shalt  }
0x45: {  	_ =	shalt  }
0x46: {  	_ =	shalt  }
0x47: {  	_ =	shalt  }
0x48: {  	_ =	shalt  }
0x49: {  	_ =	shalt  }
0x4a: {  	_ =	shalt  }
0x4b: {  	_ =	shalt  }
0x4c: {  	_ =	shalt  }
0x4d: {  	_ =	shalt  }
0x4e: {  	_ =	shalt  }
0x4f: {  	_ =	shalt  }
0x50: {  	_ =	shalt  }
0x51: {  	_ =	shalt  }
0x52: {  	_ =	shalt  }
0x53: {  	_ =	shalt  }
0x54: {  	_ =	shalt  }
0x55: {  	_ =	shalt  }
0x56: {  	_ =	shalt  }
0x57: {  	_ =	shalt  }
0x58: {  	_ =	shalt  }
0x59: {  	_ =	shalt  }
0x5a: {  	_ =	shalt  }
0x5b: {  	_ =	shalt  }
0x5c: {  	_ =	shalt  }
0x5d: {  	_ =	shalt  }
0x5e: {  	_ =	shalt  }
0x5f: {  	_ =	shalt  }
0x60: {  	_ =	shalt  }
0x61: {  	_ =	shalt  }
0x62: {  	_ =	shalt  }
0x63: {  	_ =	shalt  }
0x64: {  	_ =	shalt  }
0x65: {  	_ =	shalt  }
0x66: {  	_ =	shalt  }
0x67: {  	_ =	shalt  }
0x68: {  	_ =	shalt  }
0x69: {  	_ =	shalt  }
0x6a: {  	_ =	shalt  }
0x6b: {  	_ =	shalt  }
0x6c: {  	_ =	shalt  }
0x6d: {  	_ =	shalt  }
0x6e: {  	_ =	shalt  }
0x6f: {  	_ =	shalt  }
0x70: {  	_ =	shalt  }
0x71: {  	_ =	shalt  }
0x72: {  	_ =	shalt  }
0x73: {  	_ =	shalt  }
0x74: {  	_ =	shalt  }
0x75: {  	_ =	shalt  }
0x76: {  	_ =	shalt  }
0x77: {  	_ =	shalt  }
0x78: {  	_ =	shalt  }
0x79: {  	_ =	shalt  }
0x7a: {  	_ =	shalt  }
0x7b: {  	_ =	shalt  }
0x7c: {  	_ =	shalt  }
0x7d: {  	_ =	shalt  }
0x7e: {  	_ =	shalt  }
0x7f: {  	_ =	shalt  }
0x80: {  	_ =	shalt  }
0x81: {  	_ =	shalt  }
0x82: {  	_ =	shalt  }
0x83: {  	_ =	shalt  }
0x84: {  	_ =	shalt  }
0x85: {  	_ =	shalt  }
0x86: {  	_ =	shalt  }
0x87: {  	_ =	shalt  }
.Lfunc_end0:
.L_simem_size_0:
called_computation.1_lowered:
.L_overlay_start_0:
0x88: {  	s2 =	sld [smem:$0x3FD9]  }
0x89: {  	s3 =	sld [smem:$0x3FFE];
	_ =	sdelay $0x1  }
0x8a: {  	s1 =	srdreg.scid  }
0x8b: {  	s0 =	sand.u32 $0x1, s1  }
0x8c: {  	s17 =	sshll.u32 s0, $0xA;
	s2 =	sadd.s32 s3, s2  }
0x8d: {  	s2 =	sadd.s32 s2, s17  }
0x8e: {  	[smem:$0x3FB9] =	sst s2  }
0x8f: {  	_ = 	snop  }
0x90: {  	s2 =	sld [smem:$0x3FD0];
	(tm) =	ssettm $0x1  }
0x91: {  	s18 =	sld [smem:$0x3FFB];
	_ =	sdelay $0x3  }
0x92: {  	_ =	strace s18  }
0x93: {  	s3 =	sld [smem:$0x3FFC];
	_ =	sdelay $0x3  }
0x94: {  	_ =	strace s3  }
0x95: {  	s3 =	sld [smem:$0x3FFD];
	_ =	sdelay $0x3  }
0x96: {  	_ =	strace s3  }
0x97: {  	_ =	strace $0x8FFFFFFF  }
0x98: {  	s19 =	sld [smem:$0x3FDB];
	_ =	sdelay $0x1  }
0x99: {  	s4 =	simm.s32 $_scs_section_size  }
0x9a: {  	s5 =	simm.s32 $_size__tile_overlayer_lowered;
	s6 =	simm.s32 $_tile_overlayer_lowered  }
0x9b: {  	s22 =	simm.s32 $0x1BFF;
	s21 =	sshll.u32 s6, $0x1;
	s3 =	sadd.s32 s4, s19  }
0x9c: {  	s7 =	simm.s32 $0x0;
	s20 =	sshll.u32 s5, $0x1;
	s5 =	sadd.s32 s21, s3  }
0x9d: {  	[timem:s7], [sflag:s22] =	dma.local [hbm:s5], s20  }
0x9e: {  	_ =	swait.ge [sflag:s22], s20  }
0x9f: {  	s4 =	ssub.s32 $0x0, s20;
	[sflag:s22] =	ssyncset.done $0x0  }
0xa0: {  	[sflag:s22] =	ssyncadd.s32 s4;
	_ =	sdelay $0x1  }
0xa1: {  	s23 =	simm.s32 $0x1B8B  }
0xa2: {  	_ =	swait.ge [sflag:s23], $0x1  }
0xa3: {  	[sflag:s23] =	ssyncset.done $0x0  }
0xa4: {  	s25 =	simm.s32 $0x1B8E;
	s24 =	sld [smem:$0x3FFE];
	[sflag:s23] =	ssyncadd.s32 $0xFFFFFFFF  }
0xa5: {  	s26 =	simm.s32 $execute0_lowered;
	[smem:$0x3FD2] =	sst s25  }
0xa6: {  	s5 =	sshll.u32 s26, $0x1;
	_ =	strace $0x80000046;
	[dreg:$0x1] =	wrdreg $0xFFFFFFFF  }
0xa7: {  	s28 =	simm.s32 $_size_execute0_lowered;
	s3 =	sadd.s32 s3, s5;
	[dreg:$0x0] =	wrdreg $0x0  }
0xa8: {  	s5 =	sshll.u32 s28, $0x1;
	[dreg:$0x2] =	wrdreg s3  }
0xa9: {  	[dreg:$0x3] =	wrdreg s5  }
0xaa: {  	[dreg:$0x4] =	wrdreg $0xC0  }
0xab: {  	_ =	task [dreg:s7], $0x5FFFF  }
0xac: {  	[dreg:$0x1] =	wrdreg $0xFFFFFFFF  }
0xad: {  	[dreg:$0x0] =	wrdreg $0x60  }
0xae: {  	[dreg:$0x2] =	wrdreg s2  }
0xaf: {  	[dreg:$0x3] =	wrdreg s24  }
0xb0: {  	[dreg:$0x4] =	wrdreg $0xA8000  }
0xb1: {  	[dreg:$0x5] =	wrdreg $0xA  }
0xb2: {  	_ =	task.clear_ibuf [dreg:s7], $0x6FFFF;
	_ =	strace $0x90000046  }
0xb3: {  	s29 =	simm.s32 $0xA;
	_ =	strace $0x80000048  }
0xb4: {  	_ =	swait.ge [sflag:s29], $0x1  }
0xb5: {  	[sflag:s29] =	ssyncadd.s32 $0xFFFFFFFF  }
0xb6: {  	_ =	strace $0x90000048  }
0xb7: {  	_ =	sfence  }
0xb8: {  	s30 =	sld [smem:$0x0];
	_ =	sdelay $0x2  }
0xb9: {  	s31 =	sshll.u32 s1, $0xD;
	s1 =	sshrl.u32 s1, $0x2  }
0xba: {  	s3 =	sand.u32 $0x4000, s31;
	s1 =	sadd.s32 s1, s30  }
0xbb: {  	s0 =	sor.u32 s3, s0;
	s1 =	sshll.u32 s1, $0x11  }
0xbc: {  	s0 =	sor.u32 s1, s0  }
0xbd: {  	s0 =	sadd.s32 $0x8F2B, s0  }
0xbe: {  	[sflag:s0] =	ssyncadd.remote.s32 $0x1  }
0xbf: {  	_ =	sfence.sel $0xFFFF  }
0xc0: {  	[dreg:$0x0] =	wrdreg $0xFFFFFFFF;
	(pc) =	sbr.abs _section_cstart, $3  }
0xc1: {  	[dreg:$0x1] =	wrdreg $0xFFFFFFFF  }
0xc2: {  	_ =	task.clear_ibuf [dreg:s7], $0x2FFFF;
	_ =	strace $0x9FFFFFFF  }
0xc3: {  	(tm) =	ssettm $0x7FFFFFFF  }
tec
execute0_lowered:
.L_overlay_start_1:
0x0: {  	(tag) =	ssettag $0x1  }
0x1: {  	s1 =	rddreg [dreg:$0x0]  }
0x2: {  	s0 =	rddreg [dreg:$0x1]  }
0x3: {  	s3 =	rddreg [dreg:$0x2];
	s2 =	srdreg.scid;
	s4 =	simm.s32 $0x0  }
0x4: {  	s13 =	stileid.u32;
	s28 =	simm.s32 $0x2C00;
	s29 =	simm.s32 $0x100  }
0x5: {  	s30 =	simm.s32 $0x300;
	s31 =	simm.s32 $0x5400;
	s5 =	smul.u32 $0x2780, s13  }
0x6: {  	s2 =	sand.u32 $0x1, s2;
	[smem:$0x7FF] =	sst s4;
	s14 =	smul.u32 $0x4F000, s13  }
0x7: {  	s11 =	sadd.s32 $0x4AA00, s0;
	s25 =	smul.u32 $0x7D0, s13;
	s6 =	sshll.u32 s2, $0x4  }
0x8: {  	_ =	strace $0x80000047;
	s7 =	smul.u32 $0x27800, s2;
	[dreg:$0x5] =	wrdreg s11  }
0x9: {  	s11 =	ssub.s32 $0x2, s2;
	s2 =	smul.u32 $0x7D00, s2;
	s6 =	sor.u32 s13, s6  }
0xa: {  	s8 =	sadd.s32 $0x13E00, s0;
	s9 =	sadd.s32 $0x4400, s0;
	s10 =	smul.u32 $0x3E80, s6  }
0xb: {  	s15 =	sshrl.u32 s11, $0x1;
	s5 =	sadd.s32 s5, s7;
	s6 =	smul.u32 $0x280, s6  }
0xc: {  	s7 =	sshrl.u32 s14, $0x2;
	s26 =	sadd.s32 s2, s9;
	s2 =	sadd.s32 s2, s8  }
0xd: {  	s0 =	sadd.s32 s5, s0;
	s12 =	sand.u32 $0x7FC00, s10;
	s6 =	sand.u32 $0x380, s6  }
0xe: {  	s5 =	ssub.s32 s11, s15;
	s10 =	sshrl.u32 s10, $0x3;
	s16 =	sor.u32 s6, s12  }
0xf: {  	s6 =	sadd.s32 s7, s3;
	s18 =	sadd.s32 $0x10, s10;
	s20 =	sadd.s32 $0x20, s10  }
0x10: {  	s22 =	sadd.s32 $0x30, s10;
	s10 =	sadd.s32 $0x7C0, s10;
	s19 =	sadd.s32 s8, s18  }
0x11: {  	s17 =	sshrl.u32 s16, $0x3;
	s21 =	sadd.s32 s8, s20;
	[dreg:$0x8] =	wrdreg s19  }
0x12: {  	s23 =	sadd.s32 s8, s22;
	s24 =	sadd.s32 s8, s10;
	[dreg:$0xa] =	wrdreg s21  }
0x13: {  	s16 =	sadd.s32 s9, s10;
	s10 =	simm.s32 $0x4;
	[dreg:$0xc] =	wrdreg s23  }
0x14: {  	s11 =	sadd.s32 s8, s17;
	s7 =	sadd.s32 s9, s17;
	[dreg:$0xe] =	wrdreg s24  }
0x15: {  	s17 =	sadd.s32 $0x4AC00, s0;
	s0 =	sadd.s32 s25, s26;
	s19 =	sadd.s32 s25, s2  }
0x16: {  	s21 =	simm.s32 $0x5;
	s23 =	simm.s32 $0x50;
	s24 =	simm.s32 $0x400  }
0x17: {  	s25 =	simm.s32 $0x80;
	s26 =	simm.s32 $0x280;
	[dreg:$0x6] =	wrdreg s11  }
0x18: {  	s2 =	simm.s32 $0x380;
	s8 =	simm.s32 $0x2;
	[dreg:$0x7] =	wrdreg s7  }
0x19: {  	s7 =	sadd.s32 s9, s18;
	s18 =	smax.u32 s5, $0x1;
	[dreg:$0x4] =	wrdreg s0  }
0x1a: {  	s0 =	simm.s32 $0x180;
	s5 =	simm.s32 $0x7C00;
	s11 =	simm.s32 $0x0  }
0x1b: {  	[dreg:$0x9] =	wrdreg s7;
	s7 =	sadd.s32 s9, s20;
	s20 =	simm.s32 $0xA400  }
0x1c: {  	[dreg:$0xb] =	wrdreg s7;
	s7 =	sadd.s32 s9, s22;
	s22 =	simm.s32 $0x200  }
0x1d: {  	s9 =	simm.s32 $0x3;
	[dreg:$0xd] =	wrdreg s7;
	s7 =	simm.s32 $0x1  }
.LBB2_1:
0x1e: {  	s12 =	rddreg [dreg:$0x5]  }
0x1f: {  	[tilespmem:s20], [sflag:$0x5] =	stream.linear.gather [hbm4b:s12+s4], $0x400, $0x38;
	[tilespmem:$0x1E400] =	vst v63  }
0x20: {  	_ =	swait.ge [sflag:s21], $0x400  }
0x21: {  	[sflag:s21] =	ssyncset.done $0x0  }
0x22: {  	s15 =	sadd.s32 $0x0, s6;
	[sflag:s21] =	ssyncadd.s32 $0xFFFFFC00  }
0x23: {  	[spmem:s15] =	stream.linear.scatter [tilespmem:s20], [sflag:$0x5], $0x400, $0x38;
	[tilespmem:$0x1E400] =	vst v63  }
0x24: {  	s12 =	simm.s32 $0x1000;
	_ =	swait.ge [sflag:s21], $0x400  }
.LBB2_2:
0x25: {  	s13 =	sshra.s32 s12, $0x2;
	[sflag:s21] =	ssyncset.done $0x0;
	p0 =	sne.s32 s12, $0x4E000  }
.Ltmp0:
0x26: {  	s13 =	sadd.s32 s13, s6;
	[sflag:s21] =	ssyncadd.s32 $0xFFFFFC00;
	(pc) =	sbr.rel @p0 .LBB2_2-.Ltmp0, $3  }
0x27: {  	[spmem:s13] =	stream.linear.scatter [tilespmem:s20], [sflag:$0x5], $0x400, $0x38;
	[tilespmem:$0x1E400] =	vst v63  }
0x28: {  	s12 =	sadd.s32 $0x1000, s12;
	_ =	sdelay $0x1  }
0x29: {  	_ =	swait.ge [sflag:s21], $0x400  }
0x2a: {  	[sflag:s21] =	ssyncset.done $0x0  }
0x2b: {  	[sflag:s21] =	ssyncadd.s32 $0xFFFFFC00  }
0x2c: {  	[bflag:$0x0] =	sbarrier.arrive $0xFFFF  }
0x2d: {  	s12 =	simm.s32 $0x0;
	s13 =	rddreg [dreg:$0x6]  }
0x2e: {  	[tilespmem:s12], [sflag:$0x5] =	stream.linear.gather [hbm4b:s13+s12], $0x80, $0x38;
	[tilespmem:$0x1E400] =	vst v63  }
0x2f: {  	_ =	swait.ge [sflag:s21], $0x80  }
0x30: {  	[sflag:s21] =	ssyncset.done $0x0  }
0x31: {  	s14 =	rddreg [dreg:$0x7];
	[sflag:s21] =	ssyncadd.s32 $0xFFFFFF80  }
0x32: {  	[tilespmem:s22], [sflag:$0x5] =	stream.linear.gather [hbm4b:s14+s12], $0x80, $0x38;
	[tilespmem:$0x1E400] =	vst v63  }
0x33: {  	_ =	swait.ge [sflag:s21], $0x80  }
0x34: {  	[sflag:s21] =	ssyncset.done $0x0  }
0x35: {  	[sflag:s21] =	ssyncadd.s32 $0xFFFFFF80  }
0x36: {  	[tilespmem:s24], [sflag:$0x1] =	stream.indirect.gather [hbm4b:s1+s23], $0x80, s12, s23, $0xb8;
	[tilespmem:$0x1E400] =	vst v63  }
0x37: {  	s15 =	rddreg [dreg:$0x8]  }
0x38: {  	[tilespmem:s25], [sflag:$0x5] =	stream.linear.gather [hbm4b:s15+s12], $0x80, $0x38;
	[tilespmem:$0x1E400] =	vst v63  }
0x39: {  	_ =	swait.ge [sflag:s21], $0x80  }
0x3a: {  	[sflag:s21] =	ssyncset.done $0x0  }
0x3b: {  	s14 =	rddreg [dreg:$0x9];
	[sflag:s21] =	ssyncadd.s32 $0xFFFFFF80  }
0x3c: {  	[tilespmem:s26], [sflag:$0x5] =	stream.linear.gather [hbm4b:s14+s12], $0x80, $0x38;
	[tilespmem:$0x1E400] =	vst v63  }
0x3d: {  	_ =	swait.ge [sflag:s21], $0x80  }
0x3e: {  	[sflag:s21] =	ssyncset.done $0x0  }
0x3f: {  	[sflag:s21] =	ssyncadd.s32 $0xFFFFFF80  }
0x40: {  	[tilespmem:s28], [sflag:$0x2] =	stream.indirect.gather [hbm4b:s1+s23], $0x80, s25, s23, $0xb8;
	[tilespmem:$0x1E400] =	vst v63  }
0x41: {  	s15 =	rddreg [dreg:$0xa]  }
0x42: {  	[tilespmem:s29], [sflag:$0x5] =	stream.linear.gather [hbm4b:s15+s12], $0x80, $0x38;
	[tilespmem:$0x1E400] =	vst v63  }
0x43: {  	_ =	swait.ge [sflag:s21], $0x80  }
0x44: {  	[sflag:s21] =	ssyncset.done $0x0  }
0x45: {  	s14 =	rddreg [dreg:$0xb];
	[sflag:s21] =	ssyncadd.s32 $0xFFFFFF80  }
0x46: {  	[tilespmem:s30], [sflag:$0x5] =	stream.linear.gather [hbm4b:s14+s12], $0x80, $0x38;
	[tilespmem:$0x1E400] =	vst v63  }
0x47: {  	_ =	swait.ge [sflag:s21], $0x80  }
0x48: {  	[sflag:s21] =	ssyncset.done $0x0  }
0x49: {  	[sflag:s21] =	ssyncadd.s32 $0xFFFFFF80  }
0x4a: {  	[tilespmem:s31], [sflag:$0x3] =	stream.indirect.gather [hbm4b:s1+s23], $0x80, s29, s23, $0xb8;
	[tilespmem:$0x1E400] =	vst v63  }
0x4b: {  	s15 =	rddreg [dreg:$0xc]  }
0x4c: {  	[tilespmem:s0], [sflag:$0x5] =	stream.linear.gather [hbm4b:s15+s12], $0x80, $0x38;
	[tilespmem:$0x1E400] =	vst v63  }
0x4d: {  	_ =	swait.ge [sflag:s21], $0x80  }
0x4e: {  	[sflag:s21] =	ssyncset.done $0x0  }
0x4f: {  	s14 =	rddreg [dreg:$0xd];
	[sflag:s21] =	ssyncadd.s32 $0xFFFFFF80  }
0x50: {  	[tilespmem:s2], [sflag:$0x5] =	stream.linear.gather [hbm4b:s14+s12], $0x80, $0x38;
	[tilespmem:$0x1E400] =	vst v63  }
0x51: {  	_ =	swait.ge [sflag:s21], $0x80  }
0x52: {  	[sflag:s21] =	ssyncset.done $0x0  }
0x53: {  	[sflag:s21] =	ssyncadd.s32 $0xFFFFFF80  }
0x54: {  	[tilespmem:s5], [sflag:$0x4] =	stream.indirect.gather [hbm4b:s1+s23], $0x80, s0, s23, $0xb8;
	[tilespmem:$0x1E400] =	vst v63  }
0x55: {  	_ =	swait.ge [sflag:s7], $0x2800  }
0x56: {  	[sflag:s7] =	ssyncset.done $0x0  }
0x57: {  	[sflag:s7] =	ssyncadd.s32 $0xFFFFD800  }
0x58: {  	[spmem:s3] =	stream.indirect.scatter.add.f32 [tilespmem:s24], [sflag:$0x5], $0x80, s22, s23, $0xb8;
	[tilespmem:$0x1E400] =	vst v63  }
0x59: {  	_ =	swait.ge [sflag:s21], $0x2800  }
0x5a: {  	s12 =	sadd.s32 $0x0, s19;
	[sflag:s21] =	ssyncset.done $0x0  }
0x5b: {  	s15 =	sadd.s32 $0x40, s12;
	[sflag:s21] =	ssyncadd.s32 $0xFFFFD800  }
0x5c: {  	[tilespmem:s4], [sflag:$0x5] =	stream.linear.gather [hbm4b:s15+s4], $0x80, $0x38;
	[tilespmem:$0x1E400] =	vst v63  }
0x5d: {  	_ =	swait.ge [sflag:s21], $0x80  }
0x5e: {  	s14 =	rddreg [dreg:$0x4]  }
0x5f: {  	[sflag:s21] =	ssyncset.done $0x0;
	s13 =	sadd.s32 $0x0, s14  }
0x60: {  	[sflag:s21] =	ssyncadd.s32 $0xFFFFFF80;
	s14 =	sadd.s32 $0x40, s13  }
0x61: {  	[tilespmem:s22], [sflag:$0x5] =	stream.linear.gather [hbm4b:s14+s4], $0x80, $0x38;
	[tilespmem:$0x1E400] =	vst v63  }
0x62: {  	_ =	swait.ge [sflag:s21], $0x80  }
0x63: {  	[sflag:s21] =	ssyncset.done $0x0  }
0x64: {  	[sflag:s21] =	ssyncadd.s32 $0xFFFFFF80  }
0x65: {  	[tilespmem:s24], [sflag:$0x1] =	stream.indirect.gather [hbm4b:s1+s23], $0x80, s4, s23, $0xb8;
	[tilespmem:$0x1E400] =	vst v63  }
0x66: {  	_ =	swait.ge [sflag:s8], $0x2800  }
0x67: {  	[sflag:s8] =	ssyncset.done $0x0  }
0x68: {  	[sflag:s8] =	ssyncadd.s32 $0xFFFFD800  }
0x69: {  	[spmem:s3] =	stream.indirect.scatter.add.f32 [tilespmem:s28], [sflag:$0x5], $0x80, s26, s23, $0xb8;
	[tilespmem:$0x1E400] =	vst v63  }
0x6a: {  	_ =	swait.ge [sflag:s21], $0x2800  }
0x6b: {  	[sflag:s21] =	ssyncset.done $0x0  }
0x6c: {  	s15 =	sadd.s32 $0x50, s12;
	[sflag:s21] =	ssyncadd.s32 $0xFFFFD800  }
0x6d: {  	[tilespmem:s25], [sflag:$0x5] =	stream.linear.gather [hbm4b:s15+s4], $0x80, $0x38;
	[tilespmem:$0x1E400] =	vst v63  }
0x6e: {  	_ =	swait.ge [sflag:s21], $0x80  }
0x6f: {  	[sflag:s21] =	ssyncset.done $0x0  }
0x70: {  	s15 =	sadd.s32 $0x50, s13;
	[sflag:s21] =	ssyncadd.s32 $0xFFFFFF80  }
0x71: {  	[tilespmem:s26], [sflag:$0x5] =	stream.linear.gather [hbm4b:s15+s4], $0x80, $0x38;
	[tilespmem:$0x1E400] =	vst v63  }
0x72: {  	_ =	swait.ge [sflag:s21], $0x80  }
0x73: {  	[sflag:s21] =	ssyncset.done $0x0  }
0x74: {  	[sflag:s21] =	ssyncadd.s32 $0xFFFFFF80  }
0x75: {  	[tilespmem:s28], [sflag:$0x2] =	stream.indirect.gather [hbm4b:s1+s23], $0x80, s25, s23, $0xb8;
	[tilespmem:$0x1E400] =	vst v63  }
0x76: {  	_ =	swait.ge [sflag:s9], $0x2800  }
0x77: {  	[sflag:s9] =	ssyncset.done $0x0  }
0x78: {  	[sflag:s9] =	ssyncadd.s32 $0xFFFFD800  }
0x79: {  	[spmem:s3] =	stream.indirect.scatter.add.f32 [tilespmem:s31], [sflag:$0x5], $0x80, s30, s23, $0xb8;
	[tilespmem:$0x1E400] =	vst v63  }
0x7a: {  	_ =	swait.ge [sflag:s21], $0x2800  }
0x7b: {  	[sflag:s21] =	ssyncset.done $0x0  }
0x7c: {  	s15 =	sadd.s32 $0x60, s12;
	[sflag:s21] =	ssyncadd.s32 $0xFFFFD800  }
0x7d: {  	[tilespmem:s29], [sflag:$0x5] =	stream.linear.gather [hbm4b:s15+s4], $0x80, $0x38;
	[tilespmem:$0x1E400] =	vst v63  }
0x7e: {  	_ =	swait.ge [sflag:s21], $0x80  }
0x7f: {  	[sflag:s21] =	ssyncset.done $0x0  }
0x80: {  	s15 =	sadd.s32 $0x60, s13;
	[sflag:s21] =	ssyncadd.s32 $0xFFFFFF80  }
0x81: {  	[tilespmem:s30], [sflag:$0x5] =	stream.linear.gather [hbm4b:s15+s4], $0x80, $0x38;
	[tilespmem:$0x1E400] =	vst v63  }
0x82: {  	_ =	swait.ge [sflag:s21], $0x80  }
0x83: {  	[sflag:s21] =	ssyncset.done $0x0  }
0x84: {  	[sflag:s21] =	ssyncadd.s32 $0xFFFFFF80  }
0x85: {  	[tilespmem:s31], [sflag:$0x3] =	stream.indirect.gather [hbm4b:s1+s23], $0x80, s29, s23, $0xb8;
	[tilespmem:$0x1E400] =	vst v63  }
0x86: {  	_ =	swait.ge [sflag:s10], $0x2800  }
0x87: {  	[sflag:s10] =	ssyncset.done $0x0  }
0x88: {  	[sflag:s10] =	ssyncadd.s32 $0xFFFFD800  }
0x89: {  	[spmem:s3] =	stream.indirect.scatter.add.f32 [tilespmem:s5], [sflag:$0x5], $0x80, s2, s23, $0xb8;
	[tilespmem:$0x1E400] =	vst v63  }
0x8a: {  	_ =	swait.ge [sflag:s21], $0x2800  }
0x8b: {  	[sflag:s21] =	ssyncset.done $0x0  }
0x8c: {  	s12 =	sadd.s32 $0x70, s12;
	[sflag:s21] =	ssyncadd.s32 $0xFFFFD800  }
0x8d: {  	[tilespmem:s0], [sflag:$0x5] =	stream.linear.gather [hbm4b:s12+s4], $0x80, $0x38;
	[tilespmem:$0x1E400] =	vst v63  }
0x8e: {  	_ =	swait.ge [sflag:s21], $0x80  }
0x8f: {  	[sflag:s21] =	ssyncset.done $0x0  }
0x90: {  	s15 =	sadd.s32 $0x70, s13;
	[sflag:s21] =	ssyncadd.s32 $0xFFFFFF80  }
0x91: {  	[tilespmem:s2], [sflag:$0x5] =	stream.linear.gather [hbm4b:s15+s4], $0x80, $0x38;
	[tilespmem:$0x1E400] =	vst v63  }
0x92: {  	_ =	swait.ge [sflag:s21], $0x80  }
0x93: {  	[sflag:s21] =	ssyncset.done $0x0  }
0x94: {  	s12 =	simm.s32 $0x40;
	[sflag:s21] =	ssyncadd.s32 $0xFFFFFF80  }
.LBB2_4:
0x95: {  	[tilespmem:s5], [sflag:$0x4] =	stream.indirect.gather [hbm4b:s1+s23], $0x80, s0, s23, $0xb8;
	[tilespmem:$0x1E400] =	vst v63  }
0x96: {  	_ =	swait.ge [sflag:s7], $0x2800  }
0x97: {  	[sflag:s7] =	ssyncset.done $0x0  }
0x98: {  	[sflag:s7] =	ssyncadd.s32 $0xFFFFD800  }
0x99: {  	[spmem:s3] =	stream.indirect.scatter.add.f32 [tilespmem:s24], [sflag:$0x5], $0x80, s22, s23, $0xb8;
	[tilespmem:$0x1E400] =	vst v63  }
0x9a: {  	s14 =	smov.u32 s12;
	_ =	swait.ge [sflag:s21], $0x2800  }
0x9b: {  	s13 =	sadd.s32 s14, s19;
	[sflag:s21] =	ssyncset.done $0x0  }
0x9c: {  	s15 =	sadd.s32 $0x40, s13;
	[sflag:s21] =	ssyncadd.s32 $0xFFFFD800  }
0x9d: {  	[tilespmem:s4], [sflag:$0x5] =	stream.linear.gather [hbm4b:s15+s4], $0x80, $0x38;
	[tilespmem:$0x1E400] =	vst v63  }
0x9e: {  	_ =	swait.ge [sflag:s21], $0x80  }
0x9f: {  	s15 =	rddreg [dreg:$0x4]  }
0xa0: {  	[sflag:s21] =	ssyncset.done $0x0;
	s14 =	sadd.s32 s14, s15  }
0xa1: {  	[sflag:s21] =	ssyncadd.s32 $0xFFFFFF80;
	s15 =	sadd.s32 $0x40, s14  }
0xa2: {  	[tilespmem:s22], [sflag:$0x5] =	stream.linear.gather [hbm4b:s15+s4], $0x80, $0x38;
	[tilespmem:$0x1E400] =	vst v63  }
0xa3: {  	_ =	swait.ge [sflag:s21], $0x80  }
0xa4: {  	[sflag:s21] =	ssyncset.done $0x0  }
0xa5: {  	[sflag:s21] =	ssyncadd.s32 $0xFFFFFF80  }
0xa6: {  	[tilespmem:s24], [sflag:$0x1] =	stream.indirect.gather [hbm4b:s1+s23], $0x80, s4, s23, $0xb8;
	[tilespmem:$0x1E400] =	vst v63  }
0xa7: {  	_ =	swait.ge [sflag:s8], $0x2800  }
0xa8: {  	[sflag:s8] =	ssyncset.done $0x0  }
0xa9: {  	[sflag:s8] =	ssyncadd.s32 $0xFFFFD800  }
0xaa: {  	[spmem:s3] =	stream.indirect.scatter.add.f32 [tilespmem:s28], [sflag:$0x5], $0x80, s26, s23, $0xb8;
	[tilespmem:$0x1E400] =	vst v63  }
0xab: {  	_ =	swait.ge [sflag:s21], $0x2800  }
0xac: {  	[sflag:s21] =	ssyncset.done $0x0  }
0xad: {  	s15 =	sadd.s32 $0x50, s13;
	[sflag:s21] =	ssyncadd.s32 $0xFFFFD800  }
0xae: {  	[tilespmem:s25], [sflag:$0x5] =	stream.linear.gather [hbm4b:s15+s4], $0x80, $0x38;
	[tilespmem:$0x1E400] =	vst v63  }
0xaf: {  	_ =	swait.ge [sflag:s21], $0x80  }
0xb0: {  	[sflag:s21] =	ssyncset.done $0x0  }
0xb1: {  	s15 =	sadd.s32 $0x50, s14;
	[sflag:s21] =	ssyncadd.s32 $0xFFFFFF80  }
0xb2: {  	[tilespmem:s26], [sflag:$0x5] =	stream.linear.gather [hbm4b:s15+s4], $0x80, $0x38;
	[tilespmem:$0x1E400] =	vst v63  }
0xb3: {  	_ =	swait.ge [sflag:s21], $0x80  }
0xb4: {  	[sflag:s21] =	ssyncset.done $0x0  }
0xb5: {  	[sflag:s21] =	ssyncadd.s32 $0xFFFFFF80  }
0xb6: {  	[tilespmem:s28], [sflag:$0x2] =	stream.indirect.gather [hbm4b:s1+s23], $0x80, s25, s23, $0xb8;
	[tilespmem:$0x1E400] =	vst v63  }
0xb7: {  	_ =	swait.ge [sflag:s9], $0x2800  }
0xb8: {  	[sflag:s9] =	ssyncset.done $0x0  }
0xb9: {  	[sflag:s9] =	ssyncadd.s32 $0xFFFFD800  }
0xba: {  	[spmem:s3] =	stream.indirect.scatter.add.f32 [tilespmem:s31], [sflag:$0x5], $0x80, s30, s23, $0xb8;
	[tilespmem:$0x1E400] =	vst v63  }
0xbb: {  	_ =	swait.ge [sflag:s21], $0x2800  }
0xbc: {  	[sflag:s21] =	ssyncset.done $0x0  }
0xbd: {  	s15 =	sadd.s32 $0x60, s13;
	[sflag:s21] =	ssyncadd.s32 $0xFFFFD800  }
0xbe: {  	[tilespmem:s29], [sflag:$0x5] =	stream.linear.gather [hbm4b:s15+s4], $0x80, $0x38;
	[tilespmem:$0x1E400] =	vst v63  }
0xbf: {  	_ =	swait.ge [sflag:s21], $0x80  }
0xc0: {  	[sflag:s21] =	ssyncset.done $0x0  }
0xc1: {  	s15 =	sadd.s32 $0x60, s14;
	[sflag:s21] =	ssyncadd.s32 $0xFFFFFF80  }
0xc2: {  	[tilespmem:s30], [sflag:$0x5] =	stream.linear.gather [hbm4b:s15+s4], $0x80, $0x38;
	[tilespmem:$0x1E400] =	vst v63  }
0xc3: {  	_ =	swait.ge [sflag:s21], $0x80  }
0xc4: {  	[sflag:s21] =	ssyncset.done $0x0  }
0xc5: {  	[sflag:s21] =	ssyncadd.s32 $0xFFFFFF80  }
0xc6: {  	[tilespmem:s31], [sflag:$0x3] =	stream.indirect.gather [hbm4b:s1+s23], $0x80, s29, s23, $0xb8;
	[tilespmem:$0x1E400] =	vst v63  }
0xc7: {  	_ =	swait.ge [sflag:s10], $0x2800  }
0xc8: {  	[sflag:s10] =	ssyncset.done $0x0  }
0xc9: {  	[sflag:s10] =	ssyncadd.s32 $0xFFFFD800  }
0xca: {  	[spmem:s3] =	stream.indirect.scatter.add.f32 [tilespmem:s5], [sflag:$0x5], $0x80, s2, s23, $0xb8;
	[tilespmem:$0x1E400] =	vst v63  }
0xcb: {  	_ =	swait.ge [sflag:s21], $0x2800  }
0xcc: {  	[sflag:s21] =	ssyncset.done $0x0  }
0xcd: {  	s13 =	sadd.s32 $0x70, s13;
	[sflag:s21] =	ssyncadd.s32 $0xFFFFD800  }
0xce: {  	[tilespmem:s0], [sflag:$0x5] =	stream.linear.gather [hbm4b:s13+s4], $0x80, $0x38;
	[tilespmem:$0x1E400] =	vst v63  }
0xcf: {  	_ =	swait.ge [sflag:s21], $0x80  }
0xd0: {  	p0 =	sne.s32 s12, $0x740;
	[sflag:s21] =	ssyncset.done $0x0  }
.Ltmp1:
0xd1: {  	s15 =	sadd.s32 $0x70, s14;
	[sflag:s21] =	ssyncadd.s32 $0xFFFFFF80;
	(pc) =	sbr.rel @p0 .LBB2_4-.Ltmp1, $4  }
0xd2: {  	[tilespmem:s2], [sflag:$0x5] =	stream.linear.gather [hbm4b:s15+s4], $0x80, $0x38;
	[tilespmem:$0x1E400] =	vst v63  }
0xd3: {  	_ =	swait.ge [sflag:s21], $0x80  }
0xd4: {  	[sflag:s21] =	ssyncset.done $0x0  }
0xd5: {  	s12 =	sadd.s32 $0x40, s12;
	[sflag:s21] =	ssyncadd.s32 $0xFFFFFF80  }
0xd6: {  	[tilespmem:s5], [sflag:$0x4] =	stream.indirect.gather [hbm4b:s1+s23], $0x80, s0, s23, $0xb8;
	[tilespmem:$0x1E400] =	vst v63  }
0xd7: {  	_ =	swait.ge [sflag:s7], $0x2800  }
0xd8: {  	[sflag:s7] =	ssyncset.done $0x0  }
0xd9: {  	[sflag:s7] =	ssyncadd.s32 $0xFFFFD800  }
0xda: {  	[spmem:s3] =	stream.indirect.scatter.add.f32 [tilespmem:s24], [sflag:$0x5], $0x80, s22, s23, $0xb8;
	[tilespmem:$0x1E400] =	vst v63  }
0xdb: {  	_ =	swait.ge [sflag:s21], $0x2800  }
0xdc: {  	[sflag:s21] =	ssyncset.done $0x0  }
0xdd: {  	[sflag:s21] =	ssyncadd.s32 $0xFFFFD800  }
0xde: {  	_ =	swait.ge [sflag:s8], $0x2800  }
0xdf: {  	[sflag:s8] =	ssyncset.done $0x0  }
0xe0: {  	[sflag:s8] =	ssyncadd.s32 $0xFFFFD800  }
0xe1: {  	[spmem:s3] =	stream.indirect.scatter.add.f32 [tilespmem:s28], [sflag:$0x5], $0x80, s26, s23, $0xb8;
	[tilespmem:$0x1E400] =	vst v63  }
0xe2: {  	_ =	swait.ge [sflag:s21], $0x2800  }
0xe3: {  	[sflag:s21] =	ssyncset.done $0x0  }
0xe4: {  	[sflag:s21] =	ssyncadd.s32 $0xFFFFD800  }
0xe5: {  	_ =	swait.ge [sflag:s9], $0x2800  }
0xe6: {  	[sflag:s9] =	ssyncset.done $0x0  }
0xe7: {  	[sflag:s9] =	ssyncadd.s32 $0xFFFFD800  }
0xe8: {  	[spmem:s3] =	stream.indirect.scatter.add.f32 [tilespmem:s31], [sflag:$0x5], $0x80, s30, s23, $0xb8;
	[tilespmem:$0x1E400] =	vst v63  }
0xe9: {  	_ =	swait.ge [sflag:s21], $0x2800  }
0xea: {  	[sflag:s21] =	ssyncset.done $0x0  }
0xeb: {  	[sflag:s21] =	ssyncadd.s32 $0xFFFFD800  }
0xec: {  	_ =	swait.ge [sflag:s10], $0x2800  }
0xed: {  	[sflag:s10] =	ssyncset.done $0x0  }
0xee: {  	[sflag:s10] =	ssyncadd.s32 $0xFFFFD800  }
0xef: {  	[spmem:s3] =	stream.indirect.scatter.add.f32 [tilespmem:s5], [sflag:$0x5], $0x80, s2, s23, $0xb8;
	[tilespmem:$0x1E400] =	vst v63  }
0xf0: {  	_ =	swait.ge [sflag:s21], $0x2800  }
0xf1: {  	[sflag:s21] =	ssyncset.done $0x0  }
0xf2: {  	s12 =	rddreg [dreg:$0xe];
	[sflag:s21] =	ssyncadd.s32 $0xFFFFD800  }
0xf3: {  	[tilespmem:s4], [sflag:$0x5] =	stream.linear.gather [hbm4b:s12+s4], $0x80, $0x38;
	[tilespmem:$0x1E400] =	vst v63  }
0xf4: {  	_ =	swait.ge [sflag:s21], $0x80  }
0xf5: {  	[sflag:s21] =	ssyncset.done $0x0  }
0xf6: {  	[sflag:s21] =	ssyncadd.s32 $0xFFFFFF80  }
0xf7: {  	[tilespmem:s22], [sflag:$0x5] =	stream.linear.gather [hbm4b:s16+s4], $0x80, $0x38;
	[tilespmem:$0x1E400] =	vst v63  }
0xf8: {  	_ =	swait.ge [sflag:s21], $0x80  }
0xf9: {  	[sflag:s21] =	ssyncset.done $0x0  }
0xfa: {  	[sflag:s21] =	ssyncadd.s32 $0xFFFFFF80  }
0xfb: {  	[tilespmem:s24], [sflag:$0x1] =	stream.indirect.gather [hbm4b:s1+s23], $0x80, s4, s23, $0xb8;
	[tilespmem:$0x1E400] =	vst v63  }
0xfc: {  	_ =	swait.ge [sflag:s7], $0x2800  }
0xfd: {  	[sflag:s7] =	ssyncset.done $0x0  }
0xfe: {  	[sflag:s7] =	ssyncadd.s32 $0xFFFFD800  }
0xff: {  	[spmem:s3] =	stream.indirect.scatter.add.f32 [tilespmem:s24], [sflag:$0x5], $0x80, s22, s23, $0xb8;
	[tilespmem:$0x1E400] =	vst v63  }
0x100: {  	s15 =	stileid.u32;
	_ =	swait.ge [sflag:s21], $0x2800  }
0x101: {  	s13 =	sshrl.u32 s6, $0x3;
	s11 =	sadd.s32 $0x1, s11;
	[sflag:s21] =	ssyncset.done $0x0  }
0x102: {  	p0 =	sne.s32 s11, s18;
	s12 =	sshll.u32 s15, $0x6;
	[sflag:s21] =	ssyncadd.s32 $0xFFFFD800  }
.Ltmp2:
0x103: {  	s12 =	sor.u32 $0x1C05, s12;
	[bflag:$0x0] =	sbarrier.arrive $0xFFFF;
	(pc) =	sbr.rel @p0 .LBB2_1-.Ltmp2, $4  }
0x104: {  	[hbm:s17], [sflag:s12] =	dma.local [spmem:s13], $0x2780  }
0x105: {  	_ =	swait.ge [sflag:s21], $0x2780  }
0x106: {  	[sflag:s21] =	ssyncset.done $0x0  }
0x107: {  	[sflag:s21] =	ssyncadd.s32 $0xFFFFD880  }
0x108: {  	_ =	sfence.sel $0x180000  }
0x109: {  	[bflag:$0x0] =	sbarrier.arrive $0xFFFF  }
0x10a: {  	_ =	strace $0x90000047  }
0x10b: {  	s0 =	stileid.u32;
	[bflag:$0x2] =	sbarrier.arrive $0xFFFF  }
0x10c: {  	p0 =	sne.s32 s0, $0x0;
	s0 =	rddreg [dreg:$0x3]  }
0x10d: {  	s0 =	sadd.s32 @!p0 $0x100000, s0  }
0x10e: {  	[sflag:s0] =	ssyncadd.tile.s32 @!p0 $0x1;
	_ =	shalt  }
.Lfunc_end2:
_tile_overlayer_lowered:
.L_overlay_start_2:
0x10f: {  	(tag) =	ssettag $0x2  }
0x110: {  	s0 =	rddreg [dreg:$0x0];
	s2 =	stileid.u32  }
0x111: {  	s1 =	rddreg [dreg:$0x1];
	p0 =	sne.s32 s2, $0x0  }
0x112: {  	s3 =	rddreg [dreg:$0x2];
	[bflag:$0x3] =	sbarrier.arrive $0xFFFF;
	s2 =	simm.s32 @!p0 $0x1C05  }
0x113: {  	[timem:s3], [sflag:s2] =	dma.local @!p0 [hbm:s0], s1  }
0x114: {  	s0 =	simm.s32 @!p0 $0x5  }
0x115: {  	_ =	swait.ge @!p0 [sflag:s0], s1  }
0x116: {  	s1 =	ssub.s32 @!p0 $0x0, s1;
	[sflag:s0] =	ssyncset.done @!p0 $0x0  }
0x117: {  	[sflag:s0] =	ssyncadd.s32 @!p0 s1  }
0x118: {  	[bflag:$0x3] =	sbarrier.arrive $0xFFFF  }
0x119: {  	_ =	shalt  }

// kernel: kernel.14.cloned.1.call-start
scs
__scs_entry_jumppad:
0x0: {  	(pc) =	sbr.rel $0x88, $3  }
0x1: {  	(tag) =	ssettag $0x0;
	lr =	simm.s32 $0x1  }
0x2: {  	[smem:$0x3F92] =	sst lr;
	_ =	strace $0xD0000000  }
0x3: {  	_ = 	snop  }
0x4: {  	_ = 	snop  }
0x5: {  	_ = 	snop  }
0x6: {  	_ = 	snop  }
0x7: {  	_ = 	snop  }
__scs_overlays_trampoline_lowered:
0x8: {  	[smem:$0x3FA1] =	sst s0  }
0x9: {  	[smem:$0x3FA2] =	sst s1  }
0xa: {  	[smem:$0x3FA3] =	sst s2  }
0xb: {  	[smem:$0x3FA4] =	sst s3  }
0xc: {  	[smem:$0x3FA5] =	sst s4  }
0xd: {  	[smem:$0x3FA6] =	sst s5  }
0xe: {  	[smem:$0x3FA7] =	sst s6  }
0xf: {  	[smem:$0x3FA8] =	sst s7  }
0x10: {  	[smem:$0x3FA9] =	sst s8  }
0x11: {  	[smem:$0x3FAA] =	sst s9;
	s0 =	simm.s32 @!p0 $0x0  }
0x12: {  	s1 =	sld [smem:$0x3F90];
	s0 =	simm.s32 @p0 $0x1  }
0x13: {  	[smem:$0x3FAB] =	sst s0;
	s0 =	simm.s32 @!p1 $0x0  }
0x14: {  	s2 =	sld [smem:$0x3F8F];
	s0 =	simm.s32 @p1 $0x1  }
0x15: {  	[smem:$0x3FAC] =	sst s0;
	s0 =	simm.s32 @!p2 $0x0  }
0x16: {  	s3 =	sld [smem:$0x3FDB];
	s0 =	simm.s32 @p2 $0x1  }
0x17: {  	s4 =	simm.s32 $0x1BF5;
	[smem:$0x3FAE] =	sst s0  }
0x18: {  	s0 =	sld [smem:$0x3F91];
	_ =	swait.ge [sflag:s4], $0x0  }
0x19: {  	s7 =	sld [smem:$0x3F92]  }
0x1a: {  	s8 =	sadd.s32 $0xFFFFE003, lr  }
0x1b: {  	s9 =	sadd.s32 $0xFFFFFEF7, lr;
	s5 =	simm.s32 $0xFFFFFFFF;
	p2 =	slt.u32 s8, $0xFFFFF086  }
0x1c: {  	p1 =	slt.u32 s9, $0xF7A;
	s5 =	simm.s32 @!p2 $0x0  }
0x1d: {  	s5 =	simm.s32 @p1 $0x1;
	p0 =	seq.s32 s7, s2  }
0x1e: {  	s7 =	smul.u32 @!p0 $0xF7A, s2;
	p2 =	seq.s32 @!p0 s5, $0x0  }
0x1f: {  	s9 =	smul.u32 $0xF7A, s1;
	s8 =	simm.s32 @!p0 $0x1BF5;
	p2 =	por !p2, p0  }
0x20: {  	[sflag:s8] =	ssyncset.s32 @!p0 $0xFFFFF086;
	s6 =	sadd.s32 @!p0 s3, s7;
	s7 =	simm.s32 @!p0 $0x108  }
0x21: {  	s3 =	sadd.s32 s3, s9;
	s6 =	sadd.s32 @!p0 $0x88, s6;
	s7 =	simm.s32 @p2 $0x1082  }
0x22: {  	[simem:s7], [sflag:s8] =	dma.local @!p0 [hbm:s6], $0xF7A  }
0x23: {  	s9 =	sor.u32 $0xD0000000, s2;
	s6 =	simm.s32 $0x108;
	_ =	swait.ge @!p0 [sflag:s8], $0x0  }
0x24: {  	s3 =	sadd.s32 $0x88, s3;
	s6 =	simm.s32 @!p1 $0x1082;
	[sflag:s4] =	ssyncset.s32 $0xFFFFF086  }
0x25: {  	[simem:s6], [sflag:s4] =	dma.local [hbm:s3], $0xF7A  }
0x26: {  	[smem:$0x3F92] =	sst s1;
	(tag) =	ssettag s2;
	_ =	strace s9  }
0x27: {  	s1 =	sld [smem:$0x3FA2]  }
0x28: {  	s2 =	sld [smem:$0x3FA3]  }
0x29: {  	s4 =	sld [smem:$0x3FA5]  }
0x2a: {  	p0 =	seq.s32 s5, $0x0;
	s5 =	sld [smem:$0x3FA6]  }
0x2b: {  	s6 =	sld [smem:$0x3FA7]  }
0x2c: {  	s7 =	sld [smem:$0x3FA8]  }
0x2d: {  	s3 =	simm.s32 $0x108;
	s8 =	sld [smem:$0x3FA9]  }
0x2e: {  	s3 =	simm.s32 @!p0 $0x1082;
	s9 =	sld [smem:$0x3FAA]  }
0x2f: {  	lr =	sadd.s32 s0, s3;
	s0 =	sld [smem:$0x3FA1]  }
0x30: {  	s3 =	sld [smem:$0x3FA4]  }
0x31: {  	[smem:$0x3FAD] =	sst s10  }
0x32: {  	s10 =	sld [smem:$0x3FAB];
	_ =	sdelay $0x3  }
0x33: {  	p0 =	seq.s32 s10, $0x1;
	s10 =	sld [smem:$0x3FAD];
	_ =	sdelay $0x3  }
0x34: {  	[smem:$0x3FAD] =	sst s10  }
0x35: {  	s10 =	sld [smem:$0x3FAC];
	_ =	sdelay $0x3  }
0x36: {  	p1 =	seq.s32 s10, $0x1;
	s10 =	sld [smem:$0x3FAD];
	_ =	sdelay $0x3  }
0x37: {  	[smem:$0x3FAD] =	sst s10  }
0x38: {  	s10 =	sld [smem:$0x3FAE]  }
0x39: {  	_ = 	snop;
	(pc) =	sbr.ind lr, $3  }
0x3a: {  	_ = 	snop  }
0x3b: {  	_ = 	snop  }
0x3c: {  	p2 =	seq.s32 s10, $0x1;
	s10 =	sld [smem:$0x3FAD]  }
0x3d: {  	_ =	shalt  }
0x3e: {  	_ =	shalt  }
0x3f: {  	_ =	shalt  }
0x40: {  	_ =	shalt  }
0x41: {  	_ =	shalt  }
0x42: {  	_ =	shalt  }
0x43: {  	_ =	shalt  }
0x44: {  	_ =	shalt  }
0x45: {  	_ =	shalt  }
0x46: {  	_ =	shalt  }
0x47: {  	_ =	shalt  }
0x48: {  	_ =	shalt  }
0x49: {  	_ =	shalt  }
0x4a: {  	_ =	shalt  }
0x4b: {  	_ =	shalt  }
0x4c: {  	_ =	shalt  }
0x4d: {  	_ =	shalt  }
0x4e: {  	_ =	shalt  }
0x4f: {  	_ =	shalt  }
0x50: {  	_ =	shalt  }
0x51: {  	_ =	shalt  }
0x52: {  	_ =	shalt  }
0x53: {  	_ =	shalt  }
0x54: {  	_ =	shalt  }
0x55: {  	_ =	shalt  }
0x56: {  	_ =	shalt  }
0x57: {  	_ =	shalt  }
0x58: {  	_ =	shalt  }
0x59: {  	_ =	shalt  }
0x5a: {  	_ =	shalt  }
0x5b: {  	_ =	shalt  }
0x5c: {  	_ =	shalt  }
0x5d: {  	_ =	shalt  }
0x5e: {  	_ =	shalt  }
0x5f: {  	_ =	shalt  }
0x60: {  	_ =	shalt  }
0x61: {  	_ =	shalt  }
0x62: {  	_ =	shalt  }
0x63: {  	_ =	shalt  }
0x64: {  	_ =	shalt  }
0x65: {  	_ =	shalt  }
0x66: {  	_ =	shalt  }
0x67: {  	_ =	shalt  }
0x68: {  	_ =	shalt  }
0x69: {  	_ =	shalt  }
0x6a: {  	_ =	shalt  }
0x6b: {  	_ =	shalt  }
0x6c: {  	_ =	shalt  }
0x6d: {  	_ =	shalt  }
0x6e: {  	_ =	shalt  }
0x6f: {  	_ =	shalt  }
0x70: {  	_ =	shalt  }
0x71: {  	_ =	shalt  }
0x72: {  	_ =	shalt  }
0x73: {  	_ =	shalt  }
0x74: {  	_ =	shalt  }
0x75: {  	_ =	shalt  }
0x76: {  	_ =	shalt  }
0x77: {  	_ =	shalt  }
0x78: {  	_ =	shalt  }
0x79: {  	_ =	shalt  }
0x7a: {  	_ =	shalt  }
0x7b: {  	_ =	shalt  }
0x7c: {  	_ =	shalt  }
0x7d: {  	_ =	shalt  }
0x7e: {  	_ =	shalt  }
0x7f: {  	_ =	shalt  }
0x80: {  	_ =	shalt  }
0x81: {  	_ =	shalt  }
0x82: {  	_ =	shalt  }
0x83: {  	_ =	shalt  }
0x84: {  	_ =	shalt  }
0x85: {  	_ =	shalt  }
0x86: {  	_ =	shalt  }
0x87: {  	_ =	shalt  }
.Lfunc_end0:
.L_simem_size_0:
called_computation.2_lowered:
.L_overlay_start_0:
0x88: {  	s2 =	sld [smem:$0x3FD9]  }
0x89: {  	s3 =	sld [smem:$0x3FFE];
	_ =	sdelay $0x1  }
0x8a: {  	s1 =	srdreg.scid  }
0x8b: {  	s0 =	sand.u32 $0x1, s1  }
0x8c: {  	s17 =	sshll.u32 s0, $0xA;
	s2 =	sadd.s32 s3, s2  }
0x8d: {  	s2 =	sadd.s32 s2, s17  }
0x8e: {  	[smem:$0x3FB9] =	sst s2  }
0x8f: {  	_ = 	snop  }
0x90: {  	s2 =	sld [smem:$0x3FD0];
	(tm) =	ssettm $0x1  }
0x91: {  	s18 =	sld [smem:$0x3FFB];
	_ =	sdelay $0x3  }
0x92: {  	_ =	strace s18  }
0x93: {  	s3 =	sld [smem:$0x3FFC];
	_ =	sdelay $0x3  }
0x94: {  	_ =	strace s3  }
0x95: {  	s3 =	sld [smem:$0x3FFD];
	_ =	sdelay $0x3  }
0x96: {  	_ =	strace s3  }
0x97: {  	_ =	strace $0x8FFFFFFF  }
0x98: {  	s19 =	sld [smem:$0x3FDB];
	_ =	sdelay $0x1  }
0x99: {  	s4 =	simm.s32 $_scs_section_size  }
0x9a: {  	s5 =	simm.s32 $_size__tile_overlayer_lowered;
	s6 =	simm.s32 $_tile_overlayer_lowered  }
0x9b: {  	s22 =	simm.s32 $0x1BFF;
	s21 =	sshll.u32 s6, $0x1;
	s3 =	sadd.s32 s4, s19  }
0x9c: {  	s7 =	simm.s32 $0x0;
	s20 =	sshll.u32 s5, $0x1;
	s5 =	sadd.s32 s21, s3  }
0x9d: {  	[timem:s7], [sflag:s22] =	dma.local [hbm:s5], s20  }
0x9e: {  	_ =	swait.ge [sflag:s22], s20  }
0x9f: {  	s4 =	ssub.s32 $0x0, s20;
	[sflag:s22] =	ssyncset.done $0x0  }
0xa0: {  	[sflag:s22] =	ssyncadd.s32 s4;
	_ =	sdelay $0x1  }
0xa1: {  	s23 =	simm.s32 $0x1B8B  }
0xa2: {  	_ =	swait.ge [sflag:s23], $0x1  }
0xa3: {  	[sflag:s23] =	ssyncset.done $0x0  }
0xa4: {  	s25 =	simm.s32 $0x1B8E;
	s24 =	sld [smem:$0x3FFE];
	[sflag:s23] =	ssyncadd.s32 $0xFFFFFFFF  }
0xa5: {  	s26 =	simm.s32 $execute0_lowered;
	[smem:$0x3FD2] =	sst s25  }
0xa6: {  	s5 =	sshll.u32 s26, $0x1;
	_ =	strace $0x8000004C;
	[dreg:$0x1] =	wrdreg $0xFFFFFFFF  }
0xa7: {  	s28 =	simm.s32 $_size_execute0_lowered;
	s3 =	sadd.s32 s3, s5;
	[dreg:$0x0] =	wrdreg $0x0  }
0xa8: {  	s5 =	sshll.u32 s28, $0x1;
	[dreg:$0x2] =	wrdreg s3  }
0xa9: {  	[dreg:$0x3] =	wrdreg s5  }
0xaa: {  	[dreg:$0x4] =	wrdreg $0xC0  }
0xab: {  	_ =	task [dreg:s7], $0x5FFFF  }
0xac: {  	[dreg:$0x1] =	wrdreg $0xFFFFFFFF  }
0xad: {  	[dreg:$0x0] =	wrdreg $0x60  }
0xae: {  	[dreg:$0x2] =	wrdreg s2  }
0xaf: {  	[dreg:$0x3] =	wrdreg s24  }
0xb0: {  	[dreg:$0x4] =	wrdreg $0xA8000  }
0xb1: {  	[dreg:$0x5] =	wrdreg $0x9  }
0xb2: {  	_ =	task.clear_ibuf [dreg:s7], $0x6FFFF;
	_ =	strace $0x9000004C  }
0xb3: {  	s29 =	simm.s32 $0x9;
	_ =	strace $0x8000004E  }
0xb4: {  	_ =	swait.ge [sflag:s29], $0x1  }
0xb5: {  	[sflag:s29] =	ssyncadd.s32 $0xFFFFFFFF  }
0xb6: {  	_ =	strace $0x9000004E  }
0xb7: {  	_ =	sfence  }
0xb8: {  	s30 =	sld [smem:$0x0];
	_ =	sdelay $0x2  }
0xb9: {  	s31 =	sshll.u32 s1, $0xD;
	s1 =	sshrl.u32 s1, $0x2  }
0xba: {  	s3 =	sand.u32 $0x4000, s31;
	s1 =	sadd.s32 s1, s30  }
0xbb: {  	s0 =	sor.u32 s3, s0;
	s1 =	sshll.u32 s1, $0x11  }
0xbc: {  	s0 =	sor.u32 s1, s0  }
0xbd: {  	s0 =	sadd.s32 $0x8F2B, s0  }
0xbe: {  	[sflag:s0] =	ssyncadd.remote.s32 $0x1  }
0xbf: {  	_ =	sfence.sel $0xFFFF  }
0xc0: {  	[dreg:$0x0] =	wrdreg $0xFFFFFFFF;
	(pc) =	sbr.abs _section_cstart, $3  }
0xc1: {  	[dreg:$0x1] =	wrdreg $0xFFFFFFFF  }
0xc2: {  	_ =	task.clear_ibuf [dreg:s7], $0x2FFFF;
	_ =	strace $0x9FFFFFFF  }
0xc3: {  	(tm) =	ssettm $0x7FFFFFFF  }
tec
execute0_lowered:
.L_overlay_start_1:
0x0: {  	(tag) =	ssettag $0x1  }
0x1: {  	s1 =	rddreg [dreg:$0x0]  }
0x2: {  	s0 =	rddreg [dreg:$0x1]  }
0x3: {  	s3 =	rddreg [dreg:$0x2];
	s2 =	srdreg.scid;
	s4 =	simm.s32 $0x0  }
0x4: {  	s13 =	stileid.u32;
	s28 =	simm.s32 $0x2C00;
	s29 =	simm.s32 $0x100  }
0x5: {  	s30 =	simm.s32 $0x300;
	s31 =	simm.s32 $0x5400;
	s5 =	smul.u32 $0x2780, s13  }
0x6: {  	s2 =	sand.u32 $0x1, s2;
	[smem:$0x7FF] =	sst s4;
	s14 =	smul.u32 $0x4F000, s13  }
0x7: {  	s11 =	sadd.s32 $0x4AA00, s0;
	s25 =	smul.u32 $0x7D0, s13;
	s6 =	sshll.u32 s2, $0x4  }
0x8: {  	_ =	strace $0x8000004D;
	s7 =	smul.u32 $0x27800, s2;
	[dreg:$0x5] =	wrdreg s11  }
0x9: {  	s11 =	ssub.s32 $0x2, s2;
	s2 =	smul.u32 $0x7D00, s2;
	s6 =	sor.u32 s13, s6  }
0xa: {  	s8 =	sadd.s32 $0x13E00, s0;
	s9 =	sadd.s32 $0x4400, s0;
	s10 =	smul.u32 $0x3E80, s6  }
0xb: {  	s15 =	sshrl.u32 s11, $0x1;
	s5 =	sadd.s32 s5, s7;
	s6 =	smul.u32 $0x280, s6  }
0xc: {  	s7 =	sshrl.u32 s14, $0x2;
	s26 =	sadd.s32 s2, s9;
	s2 =	sadd.s32 s2, s8  }
0xd: {  	s0 =	sadd.s32 s5, s0;
	s12 =	sand.u32 $0x7FC00, s10;
	s6 =	sand.u32 $0x380, s6  }
0xe: {  	s5 =	ssub.s32 s11, s15;
	s10 =	sshrl.u32 s10, $0x3;
	s16 =	sor.u32 s6, s12  }
0xf: {  	s6 =	sadd.s32 s7, s3;
	s18 =	sadd.s32 $0x10, s10;
	s20 =	sadd.s32 $0x20, s10  }
0x10: {  	s22 =	sadd.s32 $0x30, s10;
	s10 =	sadd.s32 $0x7C0, s10;
	s19 =	sadd.s32 s8, s18  }
0x11: {  	s17 =	sshrl.u32 s16, $0x3;
	s21 =	sadd.s32 s8, s20;
	[dreg:$0x8] =	wrdreg s19  }
0x12: {  	s23 =	sadd.s32 s8, s22;
	s24 =	sadd.s32 s8, s10;
	[dreg:$0xa] =	wrdreg s21  }
0x13: {  	s16 =	sadd.s32 s9, s10;
	s10 =	simm.s32 $0x4;
	[dreg:$0xc] =	wrdreg s23  }
0x14: {  	s11 =	sadd.s32 s8, s17;
	s7 =	sadd.s32 s9, s17;
	[dreg:$0xe] =	wrdreg s24  }
0x15: {  	s17 =	sadd.s32 $0x99000, s0;
	s0 =	sadd.s32 s25, s26;
	s19 =	sadd.s32 s25, s2  }
0x16: {  	s21 =	simm.s32 $0x5;
	s23 =	simm.s32 $0x50;
	s24 =	simm.s32 $0x400  }
0x17: {  	s25 =	simm.s32 $0x80;
	s26 =	simm.s32 $0x280;
	[dreg:$0x6] =	wrdreg s11  }
0x18: {  	s2 =	simm.s32 $0x380;
	s8 =	simm.s32 $0x2;
	[dreg:$0x7] =	wrdreg s7  }
0x19: {  	s7 =	sadd.s32 s9, s18;
	s18 =	smax.u32 s5, $0x1;
	[dreg:$0x4] =	wrdreg s0  }
0x1a: {  	s0 =	simm.s32 $0x180;
	s5 =	simm.s32 $0x7C00;
	s11 =	simm.s32 $0x0  }
0x1b: {  	[dreg:$0x9] =	wrdreg s7;
	s7 =	sadd.s32 s9, s20;
	s20 =	simm.s32 $0xA400  }
0x1c: {  	[dreg:$0xb] =	wrdreg s7;
	s7 =	sadd.s32 s9, s22;
	s22 =	simm.s32 $0x200  }
0x1d: {  	s9 =	simm.s32 $0x3;
	[dreg:$0xd] =	wrdreg s7;
	s7 =	simm.s32 $0x1  }
.LBB2_1:
0x1e: {  	s12 =	rddreg [dreg:$0x5]  }
0x1f: {  	[tilespmem:s20], [sflag:$0x5] =	stream.linear.gather [hbm4b:s12+s4], $0x400, $0x38;
	[tilespmem:$0x1E400] =	vst v63  }
0x20: {  	_ =	swait.ge [sflag:s21], $0x400  }
0x21: {  	[sflag:s21] =	ssyncset.done $0x0  }
0x22: {  	s15 =	sadd.s32 $0x0, s6;
	[sflag:s21] =	ssyncadd.s32 $0xFFFFFC00  }
0x23: {  	[spmem:s15] =	stream.linear.scatter [tilespmem:s20], [sflag:$0x5], $0x400, $0x38;
	[tilespmem:$0x1E400] =	vst v63  }
0x24: {  	s12 =	simm.s32 $0x1000;
	_ =	swait.ge [sflag:s21], $0x400  }
.LBB2_2:
0x25: {  	s13 =	sshra.s32 s12, $0x2;
	[sflag:s21] =	ssyncset.done $0x0;
	p0 =	sne.s32 s12, $0x4E000  }
.Ltmp0:
0x26: {  	s13 =	sadd.s32 s13, s6;
	[sflag:s21] =	ssyncadd.s32 $0xFFFFFC00;
	(pc) =	sbr.rel @p0 .LBB2_2-.Ltmp0, $3  }
0x27: {  	[spmem:s13] =	stream.linear.scatter [tilespmem:s20], [sflag:$0x5], $0x400, $0x38;
	[tilespmem:$0x1E400] =	vst v63  }
0x28: {  	s12 =	sadd.s32 $0x1000, s12;
	_ =	sdelay $0x1  }
0x29: {  	_ =	swait.ge [sflag:s21], $0x400  }
0x2a: {  	[sflag:s21] =	ssyncset.done $0x0  }
0x2b: {  	[sflag:s21] =	ssyncadd.s32 $0xFFFFFC00  }
0x2c: {  	[bflag:$0x0] =	sbarrier.arrive $0xFFFF  }
0x2d: {  	s12 =	simm.s32 $0x0;
	s13 =	rddreg [dreg:$0x6]  }
0x2e: {  	[tilespmem:s12], [sflag:$0x5] =	stream.linear.gather [hbm4b:s13+s12], $0x80, $0x38;
	[tilespmem:$0x1E400] =	vst v63  }
0x2f: {  	_ =	swait.ge [sflag:s21], $0x80  }
0x30: {  	[sflag:s21] =	ssyncset.done $0x0  }
0x31: {  	s14 =	rddreg [dreg:$0x7];
	[sflag:s21] =	ssyncadd.s32 $0xFFFFFF80  }
0x32: {  	[tilespmem:s22], [sflag:$0x5] =	stream.linear.gather [hbm4b:s14+s12], $0x80, $0x38;
	[tilespmem:$0x1E400] =	vst v63  }
0x33: {  	_ =	swait.ge [sflag:s21], $0x80  }
0x34: {  	[sflag:s21] =	ssyncset.done $0x0  }
0x35: {  	[sflag:s21] =	ssyncadd.s32 $0xFFFFFF80  }
0x36: {  	[tilespmem:s24], [sflag:$0x1] =	stream.indirect.gather [hbm4b:s1+s23], $0x80, s12, s23, $0xb8;
	[tilespmem:$0x1E400] =	vst v63  }
0x37: {  	s15 =	rddreg [dreg:$0x8]  }
0x38: {  	[tilespmem:s25], [sflag:$0x5] =	stream.linear.gather [hbm4b:s15+s12], $0x80, $0x38;
	[tilespmem:$0x1E400] =	vst v63  }
0x39: {  	_ =	swait.ge [sflag:s21], $0x80  }
0x3a: {  	[sflag:s21] =	ssyncset.done $0x0  }
0x3b: {  	s14 =	rddreg [dreg:$0x9];
	[sflag:s21] =	ssyncadd.s32 $0xFFFFFF80  }
0x3c: {  	[tilespmem:s26], [sflag:$0x5] =	stream.linear.gather [hbm4b:s14+s12], $0x80, $0x38;
	[tilespmem:$0x1E400] =	vst v63  }
0x3d: {  	_ =	swait.ge [sflag:s21], $0x80  }
0x3e: {  	[sflag:s21] =	ssyncset.done $0x0  }
0x3f: {  	[sflag:s21] =	ssyncadd.s32 $0xFFFFFF80  }
0x40: {  	[tilespmem:s28], [sflag:$0x2] =	stream.indirect.gather [hbm4b:s1+s23], $0x80, s25, s23, $0xb8;
	[tilespmem:$0x1E400] =	vst v63  }
0x41: {  	s15 =	rddreg [dreg:$0xa]  }
0x42: {  	[tilespmem:s29], [sflag:$0x5] =	stream.linear.gather [hbm4b:s15+s12], $0x80, $0x38;
	[tilespmem:$0x1E400] =	vst v63  }
0x43: {  	_ =	swait.ge [sflag:s21], $0x80  }
0x44: {  	[sflag:s21] =	ssyncset.done $0x0  }
0x45: {  	s14 =	rddreg [dreg:$0xb];
	[sflag:s21] =	ssyncadd.s32 $0xFFFFFF80  }
0x46: {  	[tilespmem:s30], [sflag:$0x5] =	stream.linear.gather [hbm4b:s14+s12], $0x80, $0x38;
	[tilespmem:$0x1E400] =	vst v63  }
0x47: {  	_ =	swait.ge [sflag:s21], $0x80  }
0x48: {  	[sflag:s21] =	ssyncset.done $0x0  }
0x49: {  	[sflag:s21] =	ssyncadd.s32 $0xFFFFFF80  }
0x4a: {  	[tilespmem:s31], [sflag:$0x3] =	stream.indirect.gather [hbm4b:s1+s23], $0x80, s29, s23, $0xb8;
	[tilespmem:$0x1E400] =	vst v63  }
0x4b: {  	s15 =	rddreg [dreg:$0xc]  }
0x4c: {  	[tilespmem:s0], [sflag:$0x5] =	stream.linear.gather [hbm4b:s15+s12], $0x80, $0x38;
	[tilespmem:$0x1E400] =	vst v63  }
0x4d: {  	_ =	swait.ge [sflag:s21], $0x80  }
0x4e: {  	[sflag:s21] =	ssyncset.done $0x0  }
0x4f: {  	s14 =	rddreg [dreg:$0xd];
	[sflag:s21] =	ssyncadd.s32 $0xFFFFFF80  }
0x50: {  	[tilespmem:s2], [sflag:$0x5] =	stream.linear.gather [hbm4b:s14+s12], $0x80, $0x38;
	[tilespmem:$0x1E400] =	vst v63  }
0x51: {  	_ =	swait.ge [sflag:s21], $0x80  }
0x52: {  	[sflag:s21] =	ssyncset.done $0x0  }
0x53: {  	[sflag:s21] =	ssyncadd.s32 $0xFFFFFF80  }
0x54: {  	[tilespmem:s5], [sflag:$0x4] =	stream.indirect.gather [hbm4b:s1+s23], $0x80, s0, s23, $0xb8;
	[tilespmem:$0x1E400] =	vst v63  }
0x55: {  	_ =	swait.ge [sflag:s7], $0x2800  }
0x56: {  	[sflag:s7] =	ssyncset.done $0x0  }
0x57: {  	[sflag:s7] =	ssyncadd.s32 $0xFFFFD800  }
0x58: {  	[spmem:s3] =	stream.indirect.scatter.add.f32 [tilespmem:s24], [sflag:$0x5], $0x80, s22, s23, $0xb8;
	[tilespmem:$0x1E400] =	vst v63  }
0x59: {  	_ =	swait.ge [sflag:s21], $0x2800  }
0x5a: {  	s12 =	sadd.s32 $0x0, s19;
	[sflag:s21] =	ssyncset.done $0x0  }
0x5b: {  	s15 =	sadd.s32 $0x40, s12;
	[sflag:s21] =	ssyncadd.s32 $0xFFFFD800  }
0x5c: {  	[tilespmem:s4], [sflag:$0x5] =	stream.linear.gather [hbm4b:s15+s4], $0x80, $0x38;
	[tilespmem:$0x1E400] =	vst v63  }
0x5d: {  	_ =	swait.ge [sflag:s21], $0x80  }
0x5e: {  	s14 =	rddreg [dreg:$0x4]  }
0x5f: {  	[sflag:s21] =	ssyncset.done $0x0;
	s13 =	sadd.s32 $0x0, s14  }
0x60: {  	[sflag:s21] =	ssyncadd.s32 $0xFFFFFF80;
	s14 =	sadd.s32 $0x40, s13  }
0x61: {  	[tilespmem:s22], [sflag:$0x5] =	stream.linear.gather [hbm4b:s14+s4], $0x80, $0x38;
	[tilespmem:$0x1E400] =	vst v63  }
0x62: {  	_ =	swait.ge [sflag:s21], $0x80  }
0x63: {  	[sflag:s21] =	ssyncset.done $0x0  }
0x64: {  	[sflag:s21] =	ssyncadd.s32 $0xFFFFFF80  }
0x65: {  	[tilespmem:s24], [sflag:$0x1] =	stream.indirect.gather [hbm4b:s1+s23], $0x80, s4, s23, $0xb8;
	[tilespmem:$0x1E400] =	vst v63  }
0x66: {  	_ =	swait.ge [sflag:s8], $0x2800  }
0x67: {  	[sflag:s8] =	ssyncset.done $0x0  }
0x68: {  	[sflag:s8] =	ssyncadd.s32 $0xFFFFD800  }
0x69: {  	[spmem:s3] =	stream.indirect.scatter.add.f32 [tilespmem:s28], [sflag:$0x5], $0x80, s26, s23, $0xb8;
	[tilespmem:$0x1E400] =	vst v63  }
0x6a: {  	_ =	swait.ge [sflag:s21], $0x2800  }
0x6b: {  	[sflag:s21] =	ssyncset.done $0x0  }
0x6c: {  	s15 =	sadd.s32 $0x50, s12;
	[sflag:s21] =	ssyncadd.s32 $0xFFFFD800  }
0x6d: {  	[tilespmem:s25], [sflag:$0x5] =	stream.linear.gather [hbm4b:s15+s4], $0x80, $0x38;
	[tilespmem:$0x1E400] =	vst v63  }
0x6e: {  	_ =	swait.ge [sflag:s21], $0x80  }
0x6f: {  	[sflag:s21] =	ssyncset.done $0x0  }
0x70: {  	s15 =	sadd.s32 $0x50, s13;
	[sflag:s21] =	ssyncadd.s32 $0xFFFFFF80  }
0x71: {  	[tilespmem:s26], [sflag:$0x5] =	stream.linear.gather [hbm4b:s15+s4], $0x80, $0x38;
	[tilespmem:$0x1E400] =	vst v63  }
0x72: {  	_ =	swait.ge [sflag:s21], $0x80  }
0x73: {  	[sflag:s21] =	ssyncset.done $0x0  }
0x74: {  	[sflag:s21] =	ssyncadd.s32 $0xFFFFFF80  }
0x75: {  	[tilespmem:s28], [sflag:$0x2] =	stream.indirect.gather [hbm4b:s1+s23], $0x80, s25, s23, $0xb8;
	[tilespmem:$0x1E400] =	vst v63  }
0x76: {  	_ =	swait.ge [sflag:s9], $0x2800  }
0x77: {  	[sflag:s9] =	ssyncset.done $0x0  }
0x78: {  	[sflag:s9] =	ssyncadd.s32 $0xFFFFD800  }
0x79: {  	[spmem:s3] =	stream.indirect.scatter.add.f32 [tilespmem:s31], [sflag:$0x5], $0x80, s30, s23, $0xb8;
	[tilespmem:$0x1E400] =	vst v63  }
0x7a: {  	_ =	swait.ge [sflag:s21], $0x2800  }
0x7b: {  	[sflag:s21] =	ssyncset.done $0x0  }
0x7c: {  	s15 =	sadd.s32 $0x60, s12;
	[sflag:s21] =	ssyncadd.s32 $0xFFFFD800  }
0x7d: {  	[tilespmem:s29], [sflag:$0x5] =	stream.linear.gather [hbm4b:s15+s4], $0x80, $0x38;
	[tilespmem:$0x1E400] =	vst v63  }
0x7e: {  	_ =	swait.ge [sflag:s21], $0x80  }
0x7f: {  	[sflag:s21] =	ssyncset.done $0x0  }
0x80: {  	s15 =	sadd.s32 $0x60, s13;
	[sflag:s21] =	ssyncadd.s32 $0xFFFFFF80  }
0x81: {  	[tilespmem:s30], [sflag:$0x5] =	stream.linear.gather [hbm4b:s15+s4], $0x80, $0x38;
	[tilespmem:$0x1E400] =	vst v63  }
0x82: {  	_ =	swait.ge [sflag:s21], $0x80  }
0x83: {  	[sflag:s21] =	ssyncset.done $0x0  }
0x84: {  	[sflag:s21] =	ssyncadd.s32 $0xFFFFFF80  }
0x85: {  	[tilespmem:s31], [sflag:$0x3] =	stream.indirect.gather [hbm4b:s1+s23], $0x80, s29, s23, $0xb8;
	[tilespmem:$0x1E400] =	vst v63  }
0x86: {  	_ =	swait.ge [sflag:s10], $0x2800  }
0x87: {  	[sflag:s10] =	ssyncset.done $0x0  }
0x88: {  	[sflag:s10] =	ssyncadd.s32 $0xFFFFD800  }
0x89: {  	[spmem:s3] =	stream.indirect.scatter.add.f32 [tilespmem:s5], [sflag:$0x5], $0x80, s2, s23, $0xb8;
	[tilespmem:$0x1E400] =	vst v63  }
0x8a: {  	_ =	swait.ge [sflag:s21], $0x2800  }
0x8b: {  	[sflag:s21] =	ssyncset.done $0x0  }
0x8c: {  	s12 =	sadd.s32 $0x70, s12;
	[sflag:s21] =	ssyncadd.s32 $0xFFFFD800  }
0x8d: {  	[tilespmem:s0], [sflag:$0x5] =	stream.linear.gather [hbm4b:s12+s4], $0x80, $0x38;
	[tilespmem:$0x1E400] =	vst v63  }
0x8e: {  	_ =	swait.ge [sflag:s21], $0x80  }
0x8f: {  	[sflag:s21] =	ssyncset.done $0x0  }
0x90: {  	s15 =	sadd.s32 $0x70, s13;
	[sflag:s21] =	ssyncadd.s32 $0xFFFFFF80  }
0x91: {  	[tilespmem:s2], [sflag:$0x5] =	stream.linear.gather [hbm4b:s15+s4], $0x80, $0x38;
	[tilespmem:$0x1E400] =	vst v63  }
0x92: {  	_ =	swait.ge [sflag:s21], $0x80  }
0x93: {  	[sflag:s21] =	ssyncset.done $0x0  }
0x94: {  	s12 =	simm.s32 $0x40;
	[sflag:s21] =	ssyncadd.s32 $0xFFFFFF80  }
.LBB2_4:
0x95: {  	[tilespmem:s5], [sflag:$0x4] =	stream.indirect.gather [hbm4b:s1+s23], $0x80, s0, s23, $0xb8;
	[tilespmem:$0x1E400] =	vst v63  }
0x96: {  	_ =	swait.ge [sflag:s7], $0x2800  }
0x97: {  	[sflag:s7] =	ssyncset.done $0x0  }
0x98: {  	[sflag:s7] =	ssyncadd.s32 $0xFFFFD800  }
0x99: {  	[spmem:s3] =	stream.indirect.scatter.add.f32 [tilespmem:s24], [sflag:$0x5], $0x80, s22, s23, $0xb8;
	[tilespmem:$0x1E400] =	vst v63  }
0x9a: {  	s14 =	smov.u32 s12;
	_ =	swait.ge [sflag:s21], $0x2800  }
0x9b: {  	s13 =	sadd.s32 s14, s19;
	[sflag:s21] =	ssyncset.done $0x0  }
0x9c: {  	s15 =	sadd.s32 $0x40, s13;
	[sflag:s21] =	ssyncadd.s32 $0xFFFFD800  }
0x9d: {  	[tilespmem:s4], [sflag:$0x5] =	stream.linear.gather [hbm4b:s15+s4], $0x80, $0x38;
	[tilespmem:$0x1E400] =	vst v63  }
0x9e: {  	_ =	swait.ge [sflag:s21], $0x80  }
0x9f: {  	s15 =	rddreg [dreg:$0x4]  }
0xa0: {  	[sflag:s21] =	ssyncset.done $0x0;
	s14 =	sadd.s32 s14, s15  }
0xa1: {  	[sflag:s21] =	ssyncadd.s32 $0xFFFFFF80;
	s15 =	sadd.s32 $0x40, s14  }
0xa2: {  	[tilespmem:s22], [sflag:$0x5] =	stream.linear.gather [hbm4b:s15+s4], $0x80, $0x38;
	[tilespmem:$0x1E400] =	vst v63  }
0xa3: {  	_ =	swait.ge [sflag:s21], $0x80  }
0xa4: {  	[sflag:s21] =	ssyncset.done $0x0  }
0xa5: {  	[sflag:s21] =	ssyncadd.s32 $0xFFFFFF80  }
0xa6: {  	[tilespmem:s24], [sflag:$0x1] =	stream.indirect.gather [hbm4b:s1+s23], $0x80, s4, s23, $0xb8;
	[tilespmem:$0x1E400] =	vst v63  }
0xa7: {  	_ =	swait.ge [sflag:s8], $0x2800  }
0xa8: {  	[sflag:s8] =	ssyncset.done $0x0  }
0xa9: {  	[sflag:s8] =	ssyncadd.s32 $0xFFFFD800  }
0xaa: {  	[spmem:s3] =	stream.indirect.scatter.add.f32 [tilespmem:s28], [sflag:$0x5], $0x80, s26, s23, $0xb8;
	[tilespmem:$0x1E400] =	vst v63  }
0xab: {  	_ =	swait.ge [sflag:s21], $0x2800  }
0xac: {  	[sflag:s21] =	ssyncset.done $0x0  }
0xad: {  	s15 =	sadd.s32 $0x50, s13;
	[sflag:s21] =	ssyncadd.s32 $0xFFFFD800  }
0xae: {  	[tilespmem:s25], [sflag:$0x5] =	stream.linear.gather [hbm4b:s15+s4], $0x80, $0x38;
	[tilespmem:$0x1E400] =	vst v63  }
0xaf: {  	_ =	swait.ge [sflag:s21], $0x80  }
0xb0: {  	[sflag:s21] =	ssyncset.done $0x0  }
0xb1: {  	s15 =	sadd.s32 $0x50, s14;
	[sflag:s21] =	ssyncadd.s32 $0xFFFFFF80  }
0xb2: {  	[tilespmem:s26], [sflag:$0x5] =	stream.linear.gather [hbm4b:s15+s4], $0x80, $0x38;
	[tilespmem:$0x1E400] =	vst v63  }
0xb3: {  	_ =	swait.ge [sflag:s21], $0x80  }
0xb4: {  	[sflag:s21] =	ssyncset.done $0x0  }
0xb5: {  	[sflag:s21] =	ssyncadd.s32 $0xFFFFFF80  }
0xb6: {  	[tilespmem:s28], [sflag:$0x2] =	stream.indirect.gather [hbm4b:s1+s23], $0x80, s25, s23, $0xb8;
	[tilespmem:$0x1E400] =	vst v63  }
0xb7: {  	_ =	swait.ge [sflag:s9], $0x2800  }
0xb8: {  	[sflag:s9] =	ssyncset.done $0x0  }
0xb9: {  	[sflag:s9] =	ssyncadd.s32 $0xFFFFD800  }
0xba: {  	[spmem:s3] =	stream.indirect.scatter.add.f32 [tilespmem:s31], [sflag:$0x5], $0x80, s30, s23, $0xb8;
	[tilespmem:$0x1E400] =	vst v63  }
0xbb: {  	_ =	swait.ge [sflag:s21], $0x2800  }
0xbc: {  	[sflag:s21] =	ssyncset.done $0x0  }
0xbd: {  	s15 =	sadd.s32 $0x60, s13;
	[sflag:s21] =	ssyncadd.s32 $0xFFFFD800  }
0xbe: {  	[tilespmem:s29], [sflag:$0x5] =	stream.linear.gather [hbm4b:s15+s4], $0x80, $0x38;
	[tilespmem:$0x1E400] =	vst v63  }
0xbf: {  	_ =	swait.ge [sflag:s21], $0x80  }
0xc0: {  	[sflag:s21] =	ssyncset.done $0x0  }
0xc1: {  	s15 =	sadd.s32 $0x60, s14;
	[sflag:s21] =	ssyncadd.s32 $0xFFFFFF80  }
0xc2: {  	[tilespmem:s30], [sflag:$0x5] =	stream.linear.gather [hbm4b:s15+s4], $0x80, $0x38;
	[tilespmem:$0x1E400] =	vst v63  }
0xc3: {  	_ =	swait.ge [sflag:s21], $0x80  }
0xc4: {  	[sflag:s21] =	ssyncset.done $0x0  }
0xc5: {  	[sflag:s21] =	ssyncadd.s32 $0xFFFFFF80  }
0xc6: {  	[tilespmem:s31], [sflag:$0x3] =	stream.indirect.gather [hbm4b:s1+s23], $0x80, s29, s23, $0xb8;
	[tilespmem:$0x1E400] =	vst v63  }
0xc7: {  	_ =	swait.ge [sflag:s10], $0x2800  }
0xc8: {  	[sflag:s10] =	ssyncset.done $0x0  }
0xc9: {  	[sflag:s10] =	ssyncadd.s32 $0xFFFFD800  }
0xca: {  	[spmem:s3] =	stream.indirect.scatter.add.f32 [tilespmem:s5], [sflag:$0x5], $0x80, s2, s23, $0xb8;
	[tilespmem:$0x1E400] =	vst v63  }
0xcb: {  	_ =	swait.ge [sflag:s21], $0x2800  }
0xcc: {  	[sflag:s21] =	ssyncset.done $0x0  }
0xcd: {  	s13 =	sadd.s32 $0x70, s13;
	[sflag:s21] =	ssyncadd.s32 $0xFFFFD800  }
0xce: {  	[tilespmem:s0], [sflag:$0x5] =	stream.linear.gather [hbm4b:s13+s4], $0x80, $0x38;
	[tilespmem:$0x1E400] =	vst v63  }
0xcf: {  	_ =	swait.ge [sflag:s21], $0x80  }
0xd0: {  	p0 =	sne.s32 s12, $0x740;
	[sflag:s21] =	ssyncset.done $0x0  }
.Ltmp1:
0xd1: {  	s15 =	sadd.s32 $0x70, s14;
	[sflag:s21] =	ssyncadd.s32 $0xFFFFFF80;
	(pc) =	sbr.rel @p0 .LBB2_4-.Ltmp1, $4  }
0xd2: {  	[tilespmem:s2], [sflag:$0x5] =	stream.linear.gather [hbm4b:s15+s4], $0x80, $0x38;
	[tilespmem:$0x1E400] =	vst v63  }
0xd3: {  	_ =	swait.ge [sflag:s21], $0x80  }
0xd4: {  	[sflag:s21] =	ssyncset.done $0x0  }
0xd5: {  	s12 =	sadd.s32 $0x40, s12;
	[sflag:s21] =	ssyncadd.s32 $0xFFFFFF80  }
0xd6: {  	[tilespmem:s5], [sflag:$0x4] =	stream.indirect.gather [hbm4b:s1+s23], $0x80, s0, s23, $0xb8;
	[tilespmem:$0x1E400] =	vst v63  }
0xd7: {  	_ =	swait.ge [sflag:s7], $0x2800  }
0xd8: {  	[sflag:s7] =	ssyncset.done $0x0  }
0xd9: {  	[sflag:s7] =	ssyncadd.s32 $0xFFFFD800  }
0xda: {  	[spmem:s3] =	stream.indirect.scatter.add.f32 [tilespmem:s24], [sflag:$0x5], $0x80, s22, s23, $0xb8;
	[tilespmem:$0x1E400] =	vst v63  }
0xdb: {  	_ =	swait.ge [sflag:s21], $0x2800  }
0xdc: {  	[sflag:s21] =	ssyncset.done $0x0  }
0xdd: {  	[sflag:s21] =	ssyncadd.s32 $0xFFFFD800  }
0xde: {  	_ =	swait.ge [sflag:s8], $0x2800  }
0xdf: {  	[sflag:s8] =	ssyncset.done $0x0  }
0xe0: {  	[sflag:s8] =	ssyncadd.s32 $0xFFFFD800  }
0xe1: {  	[spmem:s3] =	stream.indirect.scatter.add.f32 [tilespmem:s28], [sflag:$0x5], $0x80, s26, s23, $0xb8;
	[tilespmem:$0x1E400] =	vst v63  }
0xe2: {  	_ =	swait.ge [sflag:s21], $0x2800  }
0xe3: {  	[sflag:s21] =	ssyncset.done $0x0  }
0xe4: {  	[sflag:s21] =	ssyncadd.s32 $0xFFFFD800  }
0xe5: {  	_ =	swait.ge [sflag:s9], $0x2800  }
0xe6: {  	[sflag:s9] =	ssyncset.done $0x0  }
0xe7: {  	[sflag:s9] =	ssyncadd.s32 $0xFFFFD800  }
0xe8: {  	[spmem:s3] =	stream.indirect.scatter.add.f32 [tilespmem:s31], [sflag:$0x5], $0x80, s30, s23, $0xb8;
	[tilespmem:$0x1E400] =	vst v63  }
0xe9: {  	_ =	swait.ge [sflag:s21], $0x2800  }
0xea: {  	[sflag:s21] =	ssyncset.done $0x0  }
0xeb: {  	[sflag:s21] =	ssyncadd.s32 $0xFFFFD800  }
0xec: {  	_ =	swait.ge [sflag:s10], $0x2800  }
0xed: {  	[sflag:s10] =	ssyncset.done $0x0  }
0xee: {  	[sflag:s10] =	ssyncadd.s32 $0xFFFFD800  }
0xef: {  	[spmem:s3] =	stream.indirect.scatter.add.f32 [tilespmem:s5], [sflag:$0x5], $0x80, s2, s23, $0xb8;
	[tilespmem:$0x1E400] =	vst v63  }
0xf0: {  	_ =	swait.ge [sflag:s21], $0x2800  }
0xf1: {  	[sflag:s21] =	ssyncset.done $0x0  }
0xf2: {  	s12 =	rddreg [dreg:$0xe];
	[sflag:s21] =	ssyncadd.s32 $0xFFFFD800  }
0xf3: {  	[tilespmem:s4], [sflag:$0x5] =	stream.linear.gather [hbm4b:s12+s4], $0x80, $0x38;
	[tilespmem:$0x1E400] =	vst v63  }
0xf4: {  	_ =	swait.ge [sflag:s21], $0x80  }
0xf5: {  	[sflag:s21] =	ssyncset.done $0x0  }
0xf6: {  	[sflag:s21] =	ssyncadd.s32 $0xFFFFFF80  }
0xf7: {  	[tilespmem:s22], [sflag:$0x5] =	stream.linear.gather [hbm4b:s16+s4], $0x80, $0x38;
	[tilespmem:$0x1E400] =	vst v63  }
0xf8: {  	_ =	swait.ge [sflag:s21], $0x80  }
0xf9: {  	[sflag:s21] =	ssyncset.done $0x0  }
0xfa: {  	[sflag:s21] =	ssyncadd.s32 $0xFFFFFF80  }
0xfb: {  	[tilespmem:s24], [sflag:$0x1] =	stream.indirect.gather [hbm4b:s1+s23], $0x80, s4, s23, $0xb8;
	[tilespmem:$0x1E400] =	vst v63  }
0xfc: {  	_ =	swait.ge [sflag:s7], $0x2800  }
0xfd: {  	[sflag:s7] =	ssyncset.done $0x0  }
0xfe: {  	[sflag:s7] =	ssyncadd.s32 $0xFFFFD800  }
0xff: {  	[spmem:s3] =	stream.indirect.scatter.add.f32 [tilespmem:s24], [sflag:$0x5], $0x80, s22, s23, $0xb8;
	[tilespmem:$0x1E400] =	vst v63  }
0x100: {  	s15 =	stileid.u32;
	_ =	swait.ge [sflag:s21], $0x2800  }
0x101: {  	s13 =	sshrl.u32 s6, $0x3;
	s11 =	sadd.s32 $0x1, s11;
	[sflag:s21] =	ssyncset.done $0x0  }
0x102: {  	p0 =	sne.s32 s11, s18;
	s12 =	sshll.u32 s15, $0x6;
	[sflag:s21] =	ssyncadd.s32 $0xFFFFD800  }
.Ltmp2:
0x103: {  	s12 =	sor.u32 $0x1C05, s12;
	[bflag:$0x0] =	sbarrier.arrive $0xFFFF;
	(pc) =	sbr.rel @p0 .LBB2_1-.Ltmp2, $4  }
0x104: {  	[hbm:s17], [sflag:s12] =	dma.local [spmem:s13], $0x2780  }
0x105: {  	_ =	swait.ge [sflag:s21], $0x2780  }
0x106: {  	[sflag:s21] =	ssyncset.done $0x0  }
0x107: {  	[sflag:s21] =	ssyncadd.s32 $0xFFFFD880  }
0x108: {  	_ =	sfence.sel $0x180000  }
0x109: {  	[bflag:$0x0] =	sbarrier.arrive $0xFFFF  }
0x10a: {  	_ =	strace $0x9000004D  }
0x10b: {  	s0 =	stileid.u32;
	[bflag:$0x2] =	sbarrier.arrive $0xFFFF  }
0x10c: {  	p0 =	sne.s32 s0, $0x0;
	s0 =	rddreg [dreg:$0x3]  }
0x10d: {  	s0 =	sadd.s32 @!p0 $0x100000, s0  }
0x10e: {  	[sflag:s0] =	ssyncadd.tile.s32 @!p0 $0x1;
	_ =	shalt  }
.Lfunc_end2:
_tile_overlayer_lowered:
.L_overlay_start_2:
0x10f: {  	(tag) =	ssettag $0x2  }
0x110: {  	s0 =	rddreg [dreg:$0x0];
	s2 =	stileid.u32  }
0x111: {  	s1 =	rddreg [dreg:$0x1];
	p0 =	sne.s32 s2, $0x0  }
0x112: {  	s3 =	rddreg [dreg:$0x2];
	[bflag:$0x3] =	sbarrier.arrive $0xFFFF;
	s2 =	simm.s32 @!p0 $0x1C05  }
0x113: {  	[timem:s3], [sflag:s2] =	dma.local @!p0 [hbm:s0], s1  }
0x114: {  	s0 =	simm.s32 @!p0 $0x5  }
0x115: {  	_ =	swait.ge @!p0 [sflag:s0], s1  }
0x116: {  	s1 =	ssub.s32 @!p0 $0x0, s1;
	[sflag:s0] =	ssyncset.done @!p0 $0x0  }
0x117: {  	[sflag:s0] =	ssyncadd.s32 @!p0 s1  }
0x118: {  	[bflag:$0x3] =	sbarrier.arrive $0xFFFF  }
0x119: {  	_ =	shalt  }

// kernel: kernel.8.cloned.1.call-start
scs
__scs_entry_jumppad:
0x0: {  	(pc) =	sbr.rel $0x88, $3  }
0x1: {  	(tag) =	ssettag $0x0;
	lr =	simm.s32 $0x1  }
0x2: {  	[smem:$0x3F92] =	sst lr;
	_ =	strace $0xD0000000  }
0x3: {  	_ = 	snop  }
0x4: {  	_ = 	snop  }
0x5: {  	_ = 	snop  }
0x6: {  	_ = 	snop  }
0x7: {  	_ = 	snop  }
__scs_overlays_trampoline_lowered:
0x8: {  	[smem:$0x3FA1] =	sst s0  }
0x9: {  	[smem:$0x3FA2] =	sst s1  }
0xa: {  	[smem:$0x3FA3] =	sst s2  }
0xb: {  	[smem:$0x3FA4] =	sst s3  }
0xc: {  	[smem:$0x3FA5] =	sst s4  }
0xd: {  	[smem:$0x3FA6] =	sst s5  }
0xe: {  	[smem:$0x3FA7] =	sst s6  }
0xf: {  	[smem:$0x3FA8] =	sst s7  }
0x10: {  	[smem:$0x3FA9] =	sst s8  }
0x11: {  	[smem:$0x3FAA] =	sst s9;
	s0 =	simm.s32 @!p0 $0x0  }
0x12: {  	s1 =	sld [smem:$0x3F90];
	s0 =	simm.s32 @p0 $0x1  }
0x13: {  	[smem:$0x3FAB] =	sst s0;
	s0 =	simm.s32 @!p1 $0x0  }
0x14: {  	s2 =	sld [smem:$0x3F8F];
	s0 =	simm.s32 @p1 $0x1  }
0x15: {  	[smem:$0x3FAC] =	sst s0;
	s0 =	simm.s32 @!p2 $0x0  }
0x16: {  	s3 =	sld [smem:$0x3FDB];
	s0 =	simm.s32 @p2 $0x1  }
0x17: {  	s4 =	simm.s32 $0x1BF5;
	[smem:$0x3FAE] =	sst s0  }
0x18: {  	s0 =	sld [smem:$0x3F91];
	_ =	swait.ge [sflag:s4], $0x0  }
0x19: {  	s7 =	sld [smem:$0x3F92]  }
0x1a: {  	s8 =	sadd.s32 $0xFFFFE003, lr  }
0x1b: {  	s9 =	sadd.s32 $0xFFFFFEF7, lr;
	s5 =	simm.s32 $0xFFFFFFFF;
	p2 =	slt.u32 s8, $0xFFFFF086  }
0x1c: {  	p1 =	slt.u32 s9, $0xF7A;
	s5 =	simm.s32 @!p2 $0x0  }
0x1d: {  	s5 =	simm.s32 @p1 $0x1;
	p0 =	seq.s32 s7, s2  }
0x1e: {  	s7 =	smul.u32 @!p0 $0xF7A, s2;
	p2 =	seq.s32 @!p0 s5, $0x0  }
0x1f: {  	s9 =	smul.u32 $0xF7A, s1;
	s8 =	simm.s32 @!p0 $0x1BF5;
	p2 =	por !p2, p0  }
0x20: {  	[sflag:s8] =	ssyncset.s32 @!p0 $0xFFFFF086;
	s6 =	sadd.s32 @!p0 s3, s7;
	s7 =	simm.s32 @!p0 $0x108  }
0x21: {  	s3 =	sadd.s32 s3, s9;
	s6 =	sadd.s32 @!p0 $0x88, s6;
	s7 =	simm.s32 @p2 $0x1082  }
0x22: {  	[simem:s7], [sflag:s8] =	dma.local @!p0 [hbm:s6], $0xF7A  }
0x23: {  	s9 =	sor.u32 $0xD0000000, s2;
	s6 =	simm.s32 $0x108;
	_ =	swait.ge @!p0 [sflag:s8], $0x0  }
0x24: {  	s3 =	sadd.s32 $0x88, s3;
	s6 =	simm.s32 @!p1 $0x1082;
	[sflag:s4] =	ssyncset.s32 $0xFFFFF086  }
0x25: {  	[simem:s6], [sflag:s4] =	dma.local [hbm:s3], $0xF7A  }
0x26: {  	[smem:$0x3F92] =	sst s1;
	(tag) =	ssettag s2;
	_ =	strace s9  }
0x27: {  	s1 =	sld [smem:$0x3FA2]  }
0x28: {  	s2 =	sld [smem:$0x3FA3]  }
0x29: {  	s4 =	sld [smem:$0x3FA5]  }
0x2a: {  	p0 =	seq.s32 s5, $0x0;
	s5 =	sld [smem:$0x3FA6]  }
0x2b: {  	s6 =	sld [smem:$0x3FA7]  }
0x2c: {  	s7 =	sld [smem:$0x3FA8]  }
0x2d: {  	s3 =	simm.s32 $0x108;
	s8 =	sld [smem:$0x3FA9]  }
0x2e: {  	s3 =	simm.s32 @!p0 $0x1082;
	s9 =	sld [smem:$0x3FAA]  }
0x2f: {  	lr =	sadd.s32 s0, s3;
	s0 =	sld [smem:$0x3FA1]  }
0x30: {  	s3 =	sld [smem:$0x3FA4]  }
0x31: {  	[smem:$0x3FAD] =	sst s10  }
0x32: {  	s10 =	sld [smem:$0x3FAB];
	_ =	sdelay $0x3  }
0x33: {  	p0 =	seq.s32 s10, $0x1;
	s10 =	sld [smem:$0x3FAD];
	_ =	sdelay $0x3  }
0x34: {  	[smem:$0x3FAD] =	sst s10  }
0x35: {  	s10 =	sld [smem:$0x3FAC];
	_ =	sdelay $0x3  }
0x36: {  	p1 =	seq.s32 s10, $0x1;
	s10 =	sld [smem:$0x3FAD];
	_ =	sdelay $0x3  }
0x37: {  	[smem:$0x3FAD] =	sst s10  }
0x38: {  	s10 =	sld [smem:$0x3FAE]  }
0x39: {  	_ = 	snop;
	(pc) =	sbr.ind lr, $3  }
0x3a: {  	_ = 	snop  }
0x3b: {  	_ = 	snop  }
0x3c: {  	p2 =	seq.s32 s10, $0x1;
	s10 =	sld [smem:$0x3FAD]  }
0x3d: {  	_ =	shalt  }
0x3e: {  	_ =	shalt  }
0x3f: {  	_ =	shalt  }
0x40: {  	_ =	shalt  }
0x41: {  	_ =	shalt  }
0x42: {  	_ =	shalt  }
0x43: {  	_ =	shalt  }
0x44: {  	_ =	shalt  }
0x45: {  	_ =	shalt  }
0x46: {  	_ =	shalt  }
0x47: {  	_ =	shalt  }
0x48: {  	_ =	shalt  }
0x49: {  	_ =	shalt  }
0x4a: {  	_ =	shalt  }
0x4b: {  	_ =	shalt  }
0x4c: {  	_ =	shalt  }
0x4d: {  	_ =	shalt  }
0x4e: {  	_ =	shalt  }
0x4f: {  	_ =	shalt  }
0x50: {  	_ =	shalt  }
0x51: {  	_ =	shalt  }
0x52: {  	_ =	shalt  }
0x53: {  	_ =	shalt  }
0x54: {  	_ =	shalt  }
0x55: {  	_ =	shalt  }
0x56: {  	_ =	shalt  }
0x57: {  	_ =	shalt  }
0x58: {  	_ =	shalt  }
0x59: {  	_ =	shalt  }
0x5a: {  	_ =	shalt  }
0x5b: {  	_ =	shalt  }
0x5c: {  	_ =	shalt  }
0x5d: {  	_ =	shalt  }
0x5e: {  	_ =	shalt  }
0x5f: {  	_ =	shalt  }
0x60: {  	_ =	shalt  }
0x61: {  	_ =	shalt  }
0x62: {  	_ =	shalt  }
0x63: {  	_ =	shalt  }
0x64: {  	_ =	shalt  }
0x65: {  	_ =	shalt  }
0x66: {  	_ =	shalt  }
0x67: {  	_ =	shalt  }
0x68: {  	_ =	shalt  }
0x69: {  	_ =	shalt  }
0x6a: {  	_ =	shalt  }
0x6b: {  	_ =	shalt  }
0x6c: {  	_ =	shalt  }
0x6d: {  	_ =	shalt  }
0x6e: {  	_ =	shalt  }
0x6f: {  	_ =	shalt  }
0x70: {  	_ =	shalt  }
0x71: {  	_ =	shalt  }
0x72: {  	_ =	shalt  }
0x73: {  	_ =	shalt  }
0x74: {  	_ =	shalt  }
0x75: {  	_ =	shalt  }
0x76: {  	_ =	shalt  }
0x77: {  	_ =	shalt  }
0x78: {  	_ =	shalt  }
0x79: {  	_ =	shalt  }
0x7a: {  	_ =	shalt  }
0x7b: {  	_ =	shalt  }
0x7c: {  	_ =	shalt  }
0x7d: {  	_ =	shalt  }
0x7e: {  	_ =	shalt  }
0x7f: {  	_ =	shalt  }
0x80: {  	_ =	shalt  }
0x81: {  	_ =	shalt  }
0x82: {  	_ =	shalt  }
0x83: {  	_ =	shalt  }
0x84: {  	_ =	shalt  }
0x85: {  	_ =	shalt  }
0x86: {  	_ =	shalt  }
0x87: {  	_ =	shalt  }
.Lfunc_end0:
.L_simem_size_0:
called_computation_lowered:
.L_overlay_start_0:
0x88: {  	s2 =	sld [smem:$0x3FD9]  }
0x89: {  	s3 =	sld [smem:$0x3FFE];
	_ =	sdelay $0x1  }
0x8a: {  	s1 =	srdreg.scid  }
0x8b: {  	s0 =	sand.u32 $0x1, s1  }
0x8c: {  	s17 =	sshll.u32 s0, $0xA;
	s2 =	sadd.s32 s3, s2  }
0x8d: {  	s2 =	sadd.s32 s2, s17  }
0x8e: {  	[smem:$0x3FB9] =	sst s2  }
0x8f: {  	_ = 	snop  }
0x90: {  	(tm) =	ssettm $0x1  }
0x91: {  	s18 =	sld [smem:$0x3FFB];
	_ =	sdelay $0x3  }
0x92: {  	_ =	strace s18  }
0x93: {  	s2 =	sld [smem:$0x3FFC];
	_ =	sdelay $0x3  }
0x94: {  	_ =	strace s2  }
0x95: {  	s2 =	sld [smem:$0x3FFD];
	_ =	sdelay $0x3  }
0x96: {  	_ =	strace s2  }
0x97: {  	_ =	strace $0x8FFFFFFF  }
0x98: {  	s19 =	sld [smem:$0x3FDB];
	_ =	sdelay $0x1  }
0x99: {  	s20 =	simm.s32 $_scs_section_size  }
0x9a: {  	s4 =	simm.s32 $_size__tile_overlayer_lowered;
	s5 =	simm.s32 $_tile_overlayer_lowered  }
0x9b: {  	s6 =	simm.s32 $0x1BFF;
	s21 =	sshll.u32 s5, $0x1;
	s3 =	sadd.s32 s20, s19  }
0x9c: {  	s22 =	simm.s32 $0x0;
	s4 =	sshll.u32 s4, $0x1;
	s5 =	sadd.s32 s21, s3  }
0x9d: {  	[timem:s22], [sflag:s6] =	dma.local [hbm:s5], s4  }
0x9e: {  	_ =	swait.ge [sflag:s6], s4  }
0x9f: {  	s4 =	ssub.s32 $0x0, s4;
	[sflag:s6] =	ssyncset.done $0x0  }
0xa0: {  	[sflag:s6] =	ssyncadd.s32 s4;
	_ =	sdelay $0x1  }
0xa1: {  	s23 =	simm.s32 $0x1B8B  }
0xa2: {  	_ =	swait.ge [sflag:s23], $0x1  }
0xa3: {  	[sflag:s23] =	ssyncset.done $0x0  }
0xa4: {  	[sflag:s23] =	ssyncadd.s32 $0xFFFFFFFF  }
0xa5: {  	s4 =	sld [smem:$0x0]  }
0xa6: {  	s5 =	sand.u32 $0xFFFFFFFE, s1  }
0xa7: {  	p0 =	sne.s32 s1, s5  }
0xa8: {  	s5 =	sshll.u32 @p0 s5, $0xE  }
0xa9: {  	s5 =	sadd.s32 @p0 $0x11B8D, s5;
	s6 =	sshll.u32 @p0 s4, $0x11  }
0xaa: {  	s5 =	sor.u32 @p0 s6, s5  }
0xab: {  	[sflag:s5] =	ssyncadd.remote.s32 @p0 $0x1;
	_ =	sdelay $0x1  }
0xac: {  	s5 =	simm.s32 @p0 $0x1B8D  }
0xad: {  	_ =	swait.eq @p0 [sflag:s5], $0x1  }
0xae: {  	[sflag:s5] =	ssyncadd.s32 @p0 $0xFFFFFFFF  }
0xaf: {  	s6 =	sshll.u32 @!p0 s1, $0xE  }
0xb0: {  	s6 =	sor.u32 @!p0 $0x4000, s6;
	s5 =	simm.s32 @!p0 $0x1B8D  }
0xb1: {  	s4 =	sshll.u32 @!p0 s4, $0x11;
	s6 =	sadd.s32 @!p0 $0x11B8D, s6;
	_ =	swait.eq @!p0 [sflag:s5], $0x1  }
0xb2: {  	s4 =	sor.u32 @!p0 s4, s6;
	[sflag:s5] =	ssyncadd.s32 @!p0 $0xFFFFFFFF  }
0xb3: {  	s25 =	simm.s32 $0x1B8E;
	s24 =	sld [smem:$0x3FFE];
	[sflag:s4] =	ssyncadd.remote.s32 @!p0 $0x1  }
0xb4: {  	s26 =	simm.s32 $execute0_lowered;
	[smem:$0x3FD2] =	sst s25  }
0xb5: {  	s5 =	sshll.u32 s26, $0x1;
	_ =	strace $0x80000049;
	[dreg:$0x1] =	wrdreg $0xFFFFFFFF  }
0xb6: {  	s28 =	simm.s32 $_size_execute0_lowered;
	s3 =	sadd.s32 s3, s5;
	[dreg:$0x0] =	wrdreg $0x0  }
0xb7: {  	s5 =	sshll.u32 s28, $0x1;
	[dreg:$0x2] =	wrdreg s3  }
0xb8: {  	[dreg:$0x3] =	wrdreg s5  }
0xb9: {  	[dreg:$0x4] =	wrdreg $0xC0  }
0xba: {  	_ =	task [dreg:s22], $0x5FFFF  }
0xbb: {  	[dreg:$0x1] =	wrdreg $0xFFFFFFFF  }
0xbc: {  	[dreg:$0x0] =	wrdreg $0x60  }
0xbd: {  	[dreg:$0x2] =	wrdreg s24  }
0xbe: {  	[dreg:$0x3] =	wrdreg $0x2C800  }
0xbf: {  	[dreg:$0x4] =	wrdreg $0x9  }
0xc0: {  	_ =	task.clear_ibuf [dreg:s22], $0x5FFFF;
	_ =	strace $0x90000049  }
0xc1: {  	s29 =	simm.s32 $0x9;
	_ =	strace $0x8000004B  }
0xc2: {  	_ =	swait.ge [sflag:s29], $0x1  }
0xc3: {  	[sflag:s29] =	ssyncadd.s32 $0xFFFFFFFF  }
0xc4: {  	_ =	strace $0x9000004B  }
0xc5: {  	_ =	sfence  }
0xc6: {  	s30 =	sld [smem:$0x0];
	_ =	sdelay $0x2  }
0xc7: {  	s31 =	sshll.u32 s1, $0xD;
	s1 =	sshrl.u32 s1, $0x2  }
0xc8: {  	s4 =	sand.u32 $0x4000, s31;
	s1 =	sadd.s32 s1, s30  }
0xc9: {  	s0 =	sor.u32 s4, s0;
	s1 =	sshll.u32 s1, $0x11  }
0xca: {  	s0 =	sor.u32 s1, s0  }
0xcb: {  	s0 =	sadd.s32 $0x8F2B, s0  }
0xcc: {  	[sflag:s0] =	ssyncadd.remote.s32 $0x1  }
0xcd: {  	_ =	sfence.sel $0xFFFF  }
0xce: {  	[dreg:$0x0] =	wrdreg $0xFFFFFFFF;
	(pc) =	sbr.abs _section_cstart, $3  }
0xcf: {  	[dreg:$0x1] =	wrdreg $0xFFFFFFFF  }
0xd0: {  	_ =	task.clear_ibuf [dreg:s22], $0x2FFFF;
	_ =	strace $0x9FFFFFFF  }
0xd1: {  	(tm) =	ssettm $0x7FFFFFFF  }
tec
execute0_lowered:
.L_overlay_start_1:
0x0: {  	(tag) =	ssettag $0x1  }
0x1: {  	s6 =	rddreg [dreg:$0x0]  }
0x2: {  	s1 =	rddreg [dreg:$0x1];
	s2 =	srdreg.scid  }
0x3: {  	s0 =	rddreg [dreg:$0x2];
	s3 =	simm.s32 $0x0;
	s7 =	sand.u32 $0x1, s2  }
0x4: {  	s13 =	simm.s32 $0x50;
	s2 =	stileid.u32;
	s4 =	smul.u32 $0x7D00, s7  }
0x5: {  	s16 =	simm.s32 $0x0;
	[smem:$0x7FF] =	sst s3;
	s8 =	smul.u32 $0x2780, s2  }
0x6: {  	s5 =	sadd.s32 $0x99C00, s6;
	_ =	strace $0x8000004A;
	s9 =	smul.u32 $0x27800, s7  }
0x7: {  	s11 =	smul.u32 $0x4F000, s2;
	s7 =	ssub.s32 $0x2, s7;
	s14 =	sshll.u32 s2, $0x6  }
0x8: {  	s12 =	smul.u32 $0x7D0, s2;
	s30 =	sshrl.u32 s7, $0x1;
	s14 =	sor.u32 $0x1C01, s14  }
0x9: {  	s10 =	sadd.s32 s4, s6;
	s4 =	sadd.s32 $0x4AA00, s6;
	s8 =	sadd.s32 s8, s9  }
0xa: {  	s11 =	sshrl.u32 s11, $0x2;
	s9 =	ssub.s32 s7, s30;
	s8 =	sadd.s32 s8, s6  }
0xb: {  	s6 =	sadd.s32 s11, s1;
	s31 =	sadd.s32 s12, s10;
	s10 =	simm.s32 $0x2880  }
0xc: {  	s11 =	simm.s32 $0x1;
	s12 =	simm.s32 $0x80;
	s7 =	sadd.s32 $0x9A200, s8  }
0xd: {  	s8 =	smax.u32 s9, $0x1;
	s9 =	sadd.s32 $0x4400, s31;
	s15 =	sshrl.u32 s6, $0x3  }
.LBB2_1:
0xe: {  	[tilespmem:s10], [sflag:$0x1] =	stream.linear.gather [hbm4b:s4+s3], $0x400, $0x38;
	[tilespmem:$0x16880] =	vst v63  }
0xf: {  	_ =	swait.ge [sflag:s11], $0x400  }
0x10: {  	[sflag:s11] =	ssyncset.done $0x0  }
0x11: {  	[sflag:s11] =	ssyncadd.s32 $0xFFFFFC00  }
0x12: {  	[tilespmem:s12], [sflag:$0x1] =	stream.linear.gather [hbm4b:s5+s3], $0x2800, $0x38;
	[tilespmem:$0x16880] =	vst v63  }
0x13: {  	_ =	swait.ge [sflag:s11], $0x2800  }
0x14: {  	[sflag:s11] =	ssyncset.done $0x0  }
0x15: {  	s17 =	sadd.s32 $0x0, s6;
	[sflag:s11] =	ssyncadd.s32 $0xFFFFD800  }
0x16: {  	[spmem:s17] =	stream.linear.scatter [tilespmem:s10], [sflag:$0x1], $0x400, $0x38;
	[tilespmem:$0x16880] =	vst v63  }
0x17: {  	s17 =	simm.s32 $0x1000;
	_ =	swait.ge [sflag:s11], $0x400  }
.LBB2_2:
0x18: {  	s18 =	sshra.s32 s17, $0x2;
	[sflag:s11] =	ssyncset.done $0x0;
	p0 =	sne.s32 s17, $0x4E000  }
.Ltmp0:
0x19: {  	s18 =	sadd.s32 s18, s6;
	[sflag:s11] =	ssyncadd.s32 $0xFFFFFC00;
	(pc) =	sbr.rel @p0 .LBB2_2-.Ltmp0, $3  }
0x1a: {  	[spmem:s18] =	stream.linear.scatter [tilespmem:s10], [sflag:$0x1], $0x400, $0x38;
	[tilespmem:$0x16880] =	vst v63  }
0x1b: {  	s17 =	sadd.s32 $0x1000, s17;
	_ =	sdelay $0x1  }
0x1c: {  	_ =	swait.ge [sflag:s11], $0x400  }
0x1d: {  	[sflag:s11] =	ssyncset.done $0x0  }
0x1e: {  	[sflag:s11] =	ssyncadd.s32 $0xFFFFFC00  }
0x1f: {  	s17 =	sadd.s32 $0x0, s9;
	[bflag:$0x0] =	sbarrier.arrive $0xFFFF  }
0x20: {  	[tilespmem:s3], [sflag:$0x1] =	stream.linear.gather [hbm4b:s17+s3], $0x80, $0x38;
	[tilespmem:$0x16880] =	vst v63  }
0x21: {  	_ =	swait.ge [sflag:s11], $0x80  }
0x22: {  	[sflag:s11] =	ssyncset.done $0x0  }
0x23: {  	[sflag:s11] =	ssyncadd.s32 $0xFFFFFF80  }
0x24: {  	[spmem:s1] =	stream.indirect.scatter.add.f32 [tilespmem:s12], [sflag:$0x1], $0x80, s3, s13, $0xb8;
	[tilespmem:$0x16880] =	vst v63  }
0x25: {  	_ =	swait.ge [sflag:s11], $0x2800  }
0x26: {  	s18 =	simm.s32 $0x20;
	s17 =	simm.s32 $0x10;
	[sflag:s11] =	ssyncset.done $0x0  }
.LBB2_4:
0x27: {  	s19 =	sadd.s32 s17, s9  }
0x28: {  	[sflag:s11] =	ssyncadd.s32 $0xFFFFD800;
	s17 =	smov.u32 s18;
	s20 =	sadd.s32 $0x10, s18  }
0x29: {  	[tilespmem:s3], [sflag:$0x1] =	stream.linear.gather [hbm4b:s19+s3], $0x80, $0x38;
	[tilespmem:$0x16880] =	vst v63  }
0x2a: {  	p0 =	sne.s32 s18, $0x7C0;
	_ =	swait.ge [sflag:s11], $0x80  }
.Ltmp1:
0x2b: {  	[sflag:s11] =	ssyncset.done $0x0;
	(pc) =	sbr.rel @p0 .LBB2_4-.Ltmp1, $4  }
0x2c: {  	[sflag:s11] =	ssyncadd.s32 $0xFFFFFF80  }
0x2d: {  	[spmem:s1] =	stream.indirect.scatter.add.f32 [tilespmem:s12], [sflag:$0x1], $0x80, s3, s13, $0xb8;
	[tilespmem:$0x16880] =	vst v63  }
0x2e: {  	_ =	swait.ge [sflag:s11], $0x2800  }
0x2f: {  	s18 =	smov.u32 s20;
	[sflag:s11] =	ssyncset.done $0x0  }
0x30: {  	s17 =	sadd.s32 s17, s9;
	[sflag:s11] =	ssyncadd.s32 $0xFFFFD800  }
0x31: {  	[tilespmem:s3], [sflag:$0x1] =	stream.linear.gather [hbm4b:s17+s3], $0x80, $0x38;
	[tilespmem:$0x16880] =	vst v63  }
0x32: {  	_ =	swait.ge [sflag:s11], $0x80  }
0x33: {  	[sflag:s11] =	ssyncset.done $0x0  }
0x34: {  	[sflag:s11] =	ssyncadd.s32 $0xFFFFFF80  }
0x35: {  	[spmem:s1] =	stream.indirect.scatter.add.f32 [tilespmem:s12], [sflag:$0x1], $0x80, s3, s13, $0xb8;
	[tilespmem:$0x16880] =	vst v63  }
0x36: {  	_ =	swait.ge [sflag:s11], $0x2800  }
0x37: {  	s16 =	sadd.s32 $0x1, s16;
	[sflag:s11] =	ssyncset.done $0x0  }
0x38: {  	p0 =	sne.s32 s16, s8;
	[sflag:s11] =	ssyncadd.s32 $0xFFFFD800  }
.Ltmp2:
0x39: {  	[bflag:$0x0] =	sbarrier.arrive $0xFFFF;
	(pc) =	sbr.rel @p0 .LBB2_1-.Ltmp2, $4  }
0x3a: {  	[hbm:s7], [sflag:s14] =	dma.local [spmem:s15], $0x2780  }
0x3b: {  	_ =	swait.ge [sflag:s11], $0x2780  }
0x3c: {  	[sflag:s11] =	ssyncset.done $0x0  }
0x3d: {  	[sflag:s11] =	ssyncadd.s32 $0xFFFFD880  }
0x3e: {  	_ =	sfence.sel $0x180000  }
0x3f: {  	[bflag:$0x0] =	sbarrier.arrive $0xFFFF  }
0x40: {  	p0 =	sne.s32 s2, $0x0;
	_ =	strace $0x9000004A  }
0x41: {  	s0 =	sadd.s32 @!p0 $0x100000, s0;
	[bflag:$0x2] =	sbarrier.arrive $0xFFFF  }
0x42: {  	[sflag:s0] =	ssyncadd.tile.s32 @!p0 $0x1;
	_ =	shalt  }
.Lfunc_end2:
_tile_overlayer_lowered:
.L_overlay_start_2:
0x43: {  	(tag) =	ssettag $0x2  }
0x44: {  	s0 =	rddreg [dreg:$0x0];
	s2 =	stileid.u32  }
0x45: {  	s1 =	rddreg [dreg:$0x1];
	p0 =	sne.s32 s2, $0x0  }
0x46: {  	s3 =	rddreg [dreg:$0x2];
	[bflag:$0x3] =	sbarrier.arrive $0xFFFF;
	s2 =	simm.s32 @!p0 $0x1C01  }
0x47: {  	[timem:s3], [sflag:s2] =	dma.local @!p0 [hbm:s0], s1  }
0x48: {  	s0 =	simm.s32 @!p0 $0x1  }
0x49: {  	_ =	swait.ge @!p0 [sflag:s0], s1  }
0x4a: {  	s1 =	ssub.s32 @!p0 $0x0, s1;
	[sflag:s0] =	ssyncset.done @!p0 $0x0  }
0x4b: {  	[sflag:s0] =	ssyncadd.s32 @!p0 s1  }
0x4c: {  	[bflag:$0x3] =	sbarrier.arrive $0xFFFF  }
0x4d: {  	_ =	shalt  }

</sc_bundles>
